<compile_context>
chip_gen: v7x
topology: tpu7x:2x2x1
jax: 0.10.2.dev20260603
libtpu: 0.0.44.dev20260713+nightly
codegen_flags: <defaults>
</compile_context>

<pallas_src>
import jax
import jax.numpy as jnp
from jax import lax
from jax.experimental import pallas as pl
from jax.experimental.pallas import tpu as pltpu
from jax.experimental.pallas import tpu_sc as plsc

NUM_CHARTS = 1024
NUM_BINS = 2048
ENC_DIM = 16
N_VERTS = 2048
LANES = 16
HALFV = N_VERTS // 2
NUM_WORKERS = 32
CPW = NUM_CHARTS // NUM_WORKERS


def _body(depth_hbm, enc_hbm, out_hbm,
          enc0, enc1, dep0, dep1, outa, outb,
          se0, se1, sd0, sd1, so0, so1):
    encs, deps, outs = (enc0, enc1), (dep0, dep1), (outa, outb)
    sems_e, sems_d, sems_o = (se0, se1), (sd0, sd1), (so0, so1)
    wid = lax.axis_index("s") * 2 + lax.axis_index("c")
    base_chart = wid * CPW
    coffs = [(c // 8) * 16384 + (c % 8) * 128 for c in range(ENC_DIM)]

    def start_in(k, p):
        chart = base_chart + k
        pltpu.make_async_copy(enc_hbm.at[chart], encs[p], sems_e[p]).start()
        pltpu.make_async_copy(
            depth_hbm.at[chart >> 3, :, chart & 7, :], deps[p], sems_d[p]
        ).start()

    def wait_in(p):
        pltpu.make_async_copy(enc_hbm.at[0], encs[p], sems_e[p]).wait()
        pltpu.make_async_copy(depth_hbm.at[0, :, 0, :], deps[p], sems_d[p]).wait()

    def wait_out(b):
        pltpu.make_async_copy(outs[b], out_hbm.at[0, :, 0], sems_o[b]).wait()

    start_in(0, 0)

    def compute_half(enc_v, dep_ref, out_ref, q):
        enc_cs = [enc_v.at[pl.ds(coffs[c], 15488)] for c in range(ENC_DIM)]

        @plsc.parallel_loop(0, HALFV // LANES, 1, unroll=2)
        def _grp(g):
            loc = pl.multiple_of(g * LANES, LANES)
            gv = q * HALFV + loc
            d = dep_ref[gv >> 7, pl.ds(pl.multiple_of(gv & 127, LANES), LANES)]
            iy = jnp.clip(d * float(NUM_BINS) - 0.5, 0.0, float(NUM_BINS - 1))
            i0 = iy.astype(jnp.int32)
            w1 = iy - i0.astype(jnp.float32)
            w0 = 1.0 - w1
            i1 = jnp.minimum(i0 + 1, NUM_BINS - 1)
            m0 = ((i0 >> 7) << 10) | (i0 & 127)
            m1 = ((i1 >> 7) << 10) | (i1 & 127)
            g0s = [plsc.load_gather(enc_cs[c], [m0]) for c in range(ENC_DIM)]
            g1s = [plsc.load_gather(enc_cs[c], [m1]) for c in range(ENC_DIM)]
            voff = ((loc >> 7) << 10) | (loc & 127)
            for c in range(ENC_DIM):
                start = pl.multiple_of(voff + (c % 8) * 128, LANES)
                out_ref[c // 8, pl.ds(start, LANES)] = g0s[c] * w0 + g1s[c] * w1

    def chart_pair(j, carry):
        for p in (0, 1):
            k = j * 2 + p

            @pl.when(k + 1 < CPW)
            def _prefetch():
                start_in(k + 1, 1 - p)

            wait_in(p)
            chart = base_chart + k
            for q in (0, 1):
                b = q
                @pl.when(k > 0)
                def _drain():
                    wait_out(b)

                compute_half(encs[p], deps[p], outs[b], q)
                pltpu.make_async_copy(
                    outs[b], out_hbm.at[chart, :, q], sems_o[b]
                ).start()
        return carry

    lax.fori_loop(0, CPW // 2, chart_pair, 0)
    wait_out(0)
    wait_out(1)


@jax.jit
def kernel(depth_coords, encodings):
    mesh = plsc.VectorSubcoreMesh(core_axis_name="c", subcore_axis_name="s")
    f = pl.kernel(
        _body,
        out_type=jax.ShapeDtypeStruct((NUM_CHARTS, 2, 2, 8192), jnp.float32),
        mesh=mesh,
        scratch_types=[
            pltpu.VMEM((ENC_DIM * NUM_BINS,), jnp.float32),
            pltpu.VMEM((ENC_DIM * NUM_BINS,), jnp.float32),
            pltpu.VMEM((16, 128), jnp.float32),
            pltpu.VMEM((16, 128), jnp.float32),
            pltpu.VMEM((2, 8192), jnp.float32),
            pltpu.VMEM((2, 8192), jnp.float32),
            pltpu.SemaphoreType.DMA,
            pltpu.SemaphoreType.DMA,
            pltpu.SemaphoreType.DMA,
            pltpu.SemaphoreType.DMA,
            pltpu.SemaphoreType.DMA,
            pltpu.SemaphoreType.DMA,
        ],
        compiler_params=pltpu.CompilerParams(
            use_tc_tiling_on_sc=False, needs_layout_passes=False
        ),
    )
    enc_tiled = jnp.reshape(
        jnp.transpose(
            jnp.reshape(encodings, (NUM_CHARTS, 2, 8, 16, 128)),
            (0, 1, 3, 2, 4),
        ),
        (NUM_CHARTS, ENC_DIM * NUM_BINS),
    )
    depth_tiled = jnp.transpose(
        jnp.reshape(depth_coords, (NUM_CHARTS // 8, 8, 16, 128)),
        (0, 2, 1, 3),
    )
    out4 = f(depth_tiled, enc_tiled)
    out_cm = jnp.reshape(
        jnp.transpose(
            jnp.reshape(out4, (NUM_CHARTS, 2, 2, 8, 8, 128)),
            (0, 1, 4, 2, 3, 5),
        ),
        (NUM_CHARTS, ENC_DIM, N_VERTS),
    )
    return jnp.transpose(out_cm, (0, 2, 1))

# --- scband reference (transcript-rebuilt; emitter-appended) ---
"""Pipeline reference for scband-depth-encoding-19602230739481 (READ-ONLY COPY).

The authoritative reference and input builder live on the scoring server;
editing this copy changes nothing except your own understanding.
"""

import jax, jax.numpy as jnp
import numpy as np

NUM_CHARTS = 1024
NUM_BINS = 2048
ENC_DIM = 16
N_VERTS = 2048
INIT_RANGE = 0.0001


def setup_inputs(seed: int = 0) -> dict:
    key = jax.random.key(seed)
    k1, k2 = jax.random.split(key)
    depth_coords = jax.random.uniform(k1, (NUM_CHARTS, N_VERTS), dtype=jnp.float32)
    encodings = INIT_RANGE * (-1.0 + 2.0 * jax.random.uniform(k2, (NUM_CHARTS, ENC_DIM, NUM_BINS), dtype=jnp.float32))
    return {"depth_coords": depth_coords, "encodings": encodings}


def reference(depth_coords, encodings):
    # Faithful translation of grid_sample(encodings[..., None], grid, mode='bilinear',
    # padding_mode='border', align_corners=False) for the W=1 / x=0 degenerate case:
    # only the y (bins) axis is interpolated; x contributes weight 1 to column 0.
    num_charts, enc_dim, num_bins = encodings.shape
    H = float(num_bins)
    # grid y coord g = -1 + 2*d ; unnormalized iy = ((g+1)/2)*H - 0.5 = d*H - 0.5
    iy = depth_coords * H - 0.5
    # padding_mode='border': clamp coordinate to [0, H-1] before bilinear
    iy = jnp.clip(iy, 0.0, H - 1.0)
    iy0f = jnp.floor(iy)
    w1 = iy - iy0f                      # weight on upper bin
    w0 = 1.0 - w1                       # weight on lower bin
    i0 = iy0f.astype(jnp.int32)
    i1 = jnp.clip(i0 + 1, 0, num_bins - 1)
    # gather along bins axis per chart: encodings[n, :, i{0,1}[n, v]]
    g0 = jnp.take_along_axis(encodings, i0[:, None, :], axis=2)  # [N, C, V]
    g1 = jnp.take_along_axis(encodings, i1[:, None, :], axis=2)  # [N, C, V]
    out = g0 * w0[:, None, :] + g1 * w1[:, None, :]              # [N, C, V]
    # permute(0, 2, 1) -> [num_charts, n_verts, encoding_dim]
    return jnp.transpose(out, (0, 2, 1))

if __name__ == "__main__":
    import jax
    _d = setup_inputs()
    print(jax.jit(kernel)(*tuple(_d.values())))

</pallas_src>

<mosaic_0001>
#map = affine_map<(d0, d1) -> (0, 0, 0, 0)>
#map1 = affine_map<(d0, d1) -> (0, 0)>
module attributes {stable_mosaic.version = 14 : i64} {
  func.func @_body(%arg0: i32, %arg1: i32, %arg2: memref<128x16x8x128xf32, #tpu.memory_space<hbm>>, %arg3: memref<1024x32768xf32, #tpu.memory_space<hbm>>, %arg4: memref<1024x2x2x8192xf32, #tpu.memory_space<hbm>>, %arg5: memref<32768xf32, #tpu.memory_space<vmem>>, %arg6: memref<32768xf32, #tpu.memory_space<vmem>>, %arg7: memref<16x128xf32, #tpu.memory_space<vmem>>, %arg8: memref<16x128xf32, #tpu.memory_space<vmem>>, %arg9: memref<2x8192xf32, #tpu.memory_space<vmem>>, %arg10: memref<2x8192xf32, #tpu.memory_space<vmem>>, %arg11: memref<!tpu.dma_semaphore, #tpu.memory_space<semaphore_mem>>, %arg12: memref<!tpu.dma_semaphore, #tpu.memory_space<semaphore_mem>>, %arg13: memref<!tpu.dma_semaphore, #tpu.memory_space<semaphore_mem>>, %arg14: memref<!tpu.dma_semaphore, #tpu.memory_space<semaphore_mem>>, %arg15: memref<!tpu.dma_semaphore, #tpu.memory_space<semaphore_mem>>, %arg16: memref<!tpu.dma_semaphore, #tpu.memory_space<semaphore_mem>>) attributes {dimension_semantics = [#tpu.dimension_semantics<core_parallel>, #tpu.dimension_semantics<subcore_parallel>], iteration_bounds = array<i64: 2, 16>, scalar_prefetch = 0 : i64, scratch_operands = 12 : i64, tpu.core_type = #tpu.core_type<sc_vector_subcore>, window_params = [{transform_indices = #map}, {transform_indices = #map1}, {transform_indices = #map}]} {
    %mul3A = arith.constant 2 : i32
    %mul3A_0 = arith.muli %arg1, %mul3A : i32
    %add3A = arith.addi %mul3A_0, %arg0 : i32
    %mul3A_1 = arith.constant 32 : i32
    %mul3A_2 = arith.muli %add3A, %mul3A_1 : i32
    %add3A_3 = arith.constant 0 : i32
    %add3A_4 = arith.addi %mul3A_2, %add3A_3 : i32
    %dma_start3A = arith.constant 0 : i32
    %dma_start3A_5 = tpu.memref_slice %arg3[%add3A_4, %dma_start3A] : memref<1024x32768xf32, #tpu.memory_space<hbm>> -> memref<1x32768xf32, #tpu.memory_space<hbm>>
    %dma_start3A_6 = tpu.memref_squeeze %dma_start3A_5 : memref<1x32768xf32, #tpu.memory_space<hbm>> -> memref<32768xf32, #tpu.memory_space<hbm>>
    %dma_start3A_7 = arith.constant 0 : i32
    %dma_start3A_8 = tpu.memref_slice %arg3[%add3A_4, %dma_start3A_7] : memref<1024x32768xf32, #tpu.memory_space<hbm>> -> memref<1x32768xf32, #tpu.memory_space<hbm>>
    %dma_start3A_9 = tpu.memref_squeeze %dma_start3A_8 : memref<1x32768xf32, #tpu.memory_space<hbm>> -> memref<32768xf32, #tpu.memory_space<hbm>>
    tpu.enqueue_dma source(%dma_start3A_9 : memref<32768xf32, #tpu.memory_space<hbm>>) target(%arg5 : memref<32768xf32, #tpu.memory_space<vmem>>) target_semaphore(%arg11 : memref<!tpu.dma_semaphore, #tpu.memory_space<semaphore_mem>>)
    %shift_right_arithmetic3A = arith.constant 3 : i32
    %shift_right_arithmetic3A_10 = arith.shrsi %add3A_4, %shift_right_arithmetic3A : i32
    %and3A = arith.constant 7 : i32
    %and3A_11 = arith.andi %add3A_4, %and3A : i32
    %dma_start3A_12 = arith.constant 0 : i32
    %dma_start3A_13 = arith.constant 0 : i32
    %dma_start3A_14 = tpu.memref_slice %arg2[%shift_right_arithmetic3A_10, %dma_start3A_12, %and3A_11, %dma_start3A_13] : memref<128x16x8x128xf32, #tpu.memory_space<hbm>> -> memref<1x16x1x128xf32, #tpu.memory_space<hbm>>
    %dma_start3A_15 = tpu.memref_squeeze %dma_start3A_14 : memref<1x16x1x128xf32, #tpu.memory_space<hbm>> -> memref<16x128xf32, #tpu.memory_space<hbm>>
    %dma_start3A_16 = arith.constant 0 : i32
    %dma_start3A_17 = arith.constant 0 : i32
    %dma_start3A_18 = tpu.memref_slice %arg2[%shift_right_arithmetic3A_10, %dma_start3A_16, %and3A_11, %dma_start3A_17] : memref<128x16x8x128xf32, #tpu.memory_space<hbm>> -> memref<1x16x1x128xf32, #tpu.memory_space<hbm>>
    %dma_start3A_19 = tpu.memref_squeeze %dma_start3A_18 : memref<1x16x1x128xf32, #tpu.memory_space<hbm>> -> memref<16x128xf32, #tpu.memory_space<hbm>>
    tpu.enqueue_dma source(%dma_start3A_19 : memref<16x128xf32, #tpu.memory_space<hbm>>) target(%arg7 : memref<16x128xf32, #tpu.memory_space<vmem>>) target_semaphore(%arg13 : memref<!tpu.dma_semaphore, #tpu.memory_space<semaphore_mem>>)
    %scan3A = arith.constant 0 : i32
    %scan3A_20 = arith.constant 0 : i32
    %scan3A_21 = arith.constant 16 : i32
    %scan3A_22 = arith.addi %scan3A_20, %scan3A_21 : i32
    %scan3A_23 = arith.constant 1 : i32
    scf.for %scan3A_44 = %scan3A_20 to %scan3A_22 step %scan3A_23  : i32 {
      %mul3A_45 = arith.constant 2 : i32
      %mul3A_46 = arith.muli %scan3A_44, %mul3A_45 : i32
      %add3A_47 = arith.constant 0 : i32
      %add3A_48 = arith.addi %mul3A_46, %add3A_47 : i32
      %add3A_49 = arith.constant 1 : i32
      %add3A_50 = arith.addi %add3A_48, %add3A_49 : i32
      %lt3A = arith.constant 32 : i32
      %lt3A_51 = arith.cmpi slt, %add3A_50, %lt3A : i32
      %convert_element_type3A = arith.extui %lt3A_51 : i1 to i32
      %cond3A = arith.constant 0 : i32
      %cond3A_52 = arith.cmpi ne, %convert_element_type3A, %cond3A : i32
      scf.if %cond3A_52 {
        %add3A_166 = arith.constant 1 : i32
        %add3A_167 = arith.addi %add3A_48, %add3A_166 : i32
        %add3A_168 = arith.addi %mul3A_2, %add3A_167 : i32
        %dma_start3A_169 = arith.constant 0 : i32
        %dma_start3A_170 = tpu.memref_slice %arg3[%add3A_168, %dma_start3A_169] : memref<1024x32768xf32, #tpu.memory_space<hbm>> -> memref<1x32768xf32, #tpu.memory_space<hbm>>
        %dma_start3A_171 = tpu.memref_squeeze %dma_start3A_170 : memref<1x32768xf32, #tpu.memory_space<hbm>> -> memref<32768xf32, #tpu.memory_space<hbm>>
        %dma_start3A_172 = arith.constant 0 : i32
        %dma_start3A_173 = tpu.memref_slice %arg3[%add3A_168, %dma_start3A_172] : memref<1024x32768xf32, #tpu.memory_space<hbm>> -> memref<1x32768xf32, #tpu.memory_space<hbm>>
        %dma_start3A_174 = tpu.memref_squeeze %dma_start3A_173 : memref<1x32768xf32, #tpu.memory_space<hbm>> -> memref<32768xf32, #tpu.memory_space<hbm>>
        tpu.enqueue_dma source(%dma_start3A_174 : memref<32768xf32, #tpu.memory_space<hbm>>) target(%arg6 : memref<32768xf32, #tpu.memory_space<vmem>>) target_semaphore(%arg12 : memref<!tpu.dma_semaphore, #tpu.memory_space<semaphore_mem>>)
        %shift_right_arithmetic3A_175 = arith.constant 3 : i32
        %shift_right_arithmetic3A_176 = arith.shrsi %add3A_168, %shift_right_arithmetic3A_175 : i32
        %and3A_177 = arith.constant 7 : i32
        %and3A_178 = arith.andi %add3A_168, %and3A_177 : i32
        %dma_start3A_179 = arith.constant 0 : i32
        %dma_start3A_180 = arith.constant 0 : i32
        %dma_start3A_181 = tpu.memref_slice %arg2[%shift_right_arithmetic3A_176, %dma_start3A_179, %and3A_178, %dma_start3A_180] : memref<128x16x8x128xf32, #tpu.memory_space<hbm>> -> memref<1x16x1x128xf32, #tpu.memory_space<hbm>>
        %dma_start3A_182 = tpu.memref_squeeze %dma_start3A_181 : memref<1x16x1x128xf32, #tpu.memory_space<hbm>> -> memref<16x128xf32, #tpu.memory_space<hbm>>
        %dma_start3A_183 = arith.constant 0 : i32
        %dma_start3A_184 = arith.constant 0 : i32
        %dma_start3A_185 = tpu.memref_slice %arg2[%shift_right_arithmetic3A_176, %dma_start3A_183, %and3A_178, %dma_start3A_184] : memref<128x16x8x128xf32, #tpu.memory_space<hbm>> -> memref<1x16x1x128xf32, #tpu.memory_space<hbm>>
        %dma_start3A_186 = tpu.memref_squeeze %dma_start3A_185 : memref<1x16x1x128xf32, #tpu.memory_space<hbm>> -> memref<16x128xf32, #tpu.memory_space<hbm>>
        tpu.enqueue_dma source(%dma_start3A_186 : memref<16x128xf32, #tpu.memory_space<hbm>>) target(%arg8 : memref<16x128xf32, #tpu.memory_space<vmem>>) target_semaphore(%arg14 : memref<!tpu.dma_semaphore, #tpu.memory_space<semaphore_mem>>)
      } else {
      }
      %dma_wait3A_53 = arith.constant 0 : i32
      %dma_wait3A_54 = arith.constant 0 : i32
      %dma_wait3A_55 = tpu.memref_slice %arg3[%dma_wait3A_53, %dma_wait3A_54] : memref<1024x32768xf32, #tpu.memory_space<hbm>> -> memref<1x32768xf32, #tpu.memory_space<hbm>>
      %dma_wait3A_56 = tpu.memref_squeeze %dma_wait3A_55 : memref<1x32768xf32, #tpu.memory_space<hbm>> -> memref<32768xf32, #tpu.memory_space<hbm>>
      %dma_wait3A_57 = arith.constant 0 : i32
      %dma_wait3A_58 = tpu.memref_slice %arg3[%dma_wait3A_53, %dma_wait3A_57] : memref<1024x32768xf32, #tpu.memory_space<hbm>> -> memref<1x32768xf32, #tpu.memory_space<hbm>>
      %dma_wait3A_59 = tpu.memref_squeeze %dma_wait3A_58 : memref<1x32768xf32, #tpu.memory_space<hbm>> -> memref<32768xf32, #tpu.memory_space<hbm>>
      tpu.wait_dma2 semaphore(%arg11 : memref<!tpu.dma_semaphore, #tpu.memory_space<semaphore_mem>>) src(%dma_wait3A_59 : memref<32768xf32, #tpu.memory_space<hbm>>) dst(%arg5 : memref<32768xf32, #tpu.memory_space<vmem>>)
      %dma_wait3A_60 = arith.constant 0 : i32
      %dma_wait3A_61 = arith.constant 0 : i32
      %dma_wait3A_62 = arith.constant 0 : i32
      %dma_wait3A_63 = arith.constant 0 : i32
      %dma_wait3A_64 = tpu.memref_slice %arg2[%dma_wait3A_60, %dma_wait3A_62, %dma_wait3A_61, %dma_wait3A_63] : memref<128x16x8x128xf32, #tpu.memory_space<hbm>> -> memref<1x16x1x128xf32, #tpu.memory_space<hbm>>
      %dma_wait3A_65 = tpu.memref_squeeze %dma_wait3A_64 : memref<1x16x1x128xf32, #tpu.memory_space<hbm>> -> memref<16x128xf32, #tpu.memory_space<hbm>>
      %dma_wait3A_66 = arith.constant 0 : i32
      %dma_wait3A_67 = arith.constant 0 : i32
      %dma_wait3A_68 = tpu.memref_slice %arg2[%dma_wait3A_60, %dma_wait3A_66, %dma_wait3A_61, %dma_wait3A_67] : memref<128x16x8x128xf32, #tpu.memory_space<hbm>> -> memref<1x16x1x128xf32, #tpu.memory_space<hbm>>
      %dma_wait3A_69 = tpu.memref_squeeze %dma_wait3A_68 : memref<1x16x1x128xf32, #tpu.memory_space<hbm>> -> memref<16x128xf32, #tpu.memory_space<hbm>>
      tpu.wait_dma2 semaphore(%arg13 : memref<!tpu.dma_semaphore, #tpu.memory_space<semaphore_mem>>) src(%dma_wait3A_69 : memref<16x128xf32, #tpu.memory_space<hbm>>) dst(%arg7 : memref<16x128xf32, #tpu.memory_space<vmem>>)
      %add3A_70 = arith.addi %mul3A_2, %add3A_48 : i32
      %gt3A = arith.constant 0 : i32
      %gt3A_71 = arith.cmpi sgt, %add3A_48, %gt3A : i32
      %convert_element_type3A_72 = arith.extui %gt3A_71 : i1 to i32
      %cond3A_73 = arith.constant 0 : i32
      %cond3A_74 = arith.cmpi ne, %convert_element_type3A_72, %cond3A_73 : i32
      scf.if %cond3A_74 {
        %dma_wait3A_166 = arith.constant 0 : i32
        %dma_wait3A_167 = arith.constant 0 : i32
        %dma_wait3A_168 = arith.constant 0 : i32
        %dma_wait3A_169 = arith.constant 0 : i32
        %dma_wait3A_170 = tpu.memref_slice %arg4[%dma_wait3A_166, %dma_wait3A_168, %dma_wait3A_167, %dma_wait3A_169] : memref<1024x2x2x8192xf32, #tpu.memory_space<hbm>> -> memref<1x2x1x8192xf32, #tpu.memory_space<hbm>>
        %dma_wait3A_171 = tpu.memref_squeeze %dma_wait3A_170 : memref<1x2x1x8192xf32, #tpu.memory_space<hbm>> -> memref<2x8192xf32, #tpu.memory_space<hbm>>
        %dma_wait3A_172 = arith.constant 0 : i32
        %dma_wait3A_173 = arith.constant 0 : i32
        %dma_wait3A_174 = tpu.memref_slice %arg4[%dma_wait3A_166, %dma_wait3A_172, %dma_wait3A_167, %dma_wait3A_173] : memref<1024x2x2x8192xf32, #tpu.memory_space<hbm>> -> memref<1x2x1x8192xf32, #tpu.memory_space<hbm>>
        %dma_wait3A_175 = tpu.memref_squeeze %dma_wait3A_174 : memref<1x2x1x8192xf32, #tpu.memory_space<hbm>> -> memref<2x8192xf32, #tpu.memory_space<hbm>>
        tpu.wait_dma2 semaphore(%arg15 : memref<!tpu.dma_semaphore, #tpu.memory_space<semaphore_mem>>) src(%arg9 : memref<2x8192xf32, #tpu.memory_space<vmem>>) dst(%dma_wait3A_175 : memref<2x8192xf32, #tpu.memory_space<hbm>>)
      } else {
      }
      %parallel_loop3A = arith.constant 0 : i32
      %parallel_loop3A_75 = arith.constant 64 : i32
      %parallel_loop3A_76 = arith.constant 1 : i32
      scf.for %parallel_loop3A_166 = %parallel_loop3A to %parallel_loop3A_75 step %parallel_loop3A_76  : i32 {
        %parallel_loop3A_167 = arith.constant 16 : i32
        %parallel_loop3A_168 = arith.muli %parallel_loop3A_166, %parallel_loop3A_167 : i32
        %parallel_loop3A_169 = tpu.assume_multiple %parallel_loop3A_168, 16 : i32
        %parallel_loop3A_170 = arith.constant 0 : i32
        %parallel_loop3A_171 = arith.addi %parallel_loop3A_170, %parallel_loop3A_169 : i32
        %parallel_loop3A_172 = arith.constant 7 : i32
        %parallel_loop3A_173 = arith.shrsi %parallel_loop3A_171, %parallel_loop3A_172 : i32
        %parallel_loop3A_174 = arith.constant 127 : i32
        %parallel_loop3A_175 = arith.andi %parallel_loop3A_171, %parallel_loop3A_174 : i32
        %parallel_loop3A_176 = tpu.assume_multiple %parallel_loop3A_175, 16 : i32
        %parallel_loop3A_177 = arith.index_cast %parallel_loop3A_173 : i32 to index
        %parallel_loop3A_178 = arith.index_cast %parallel_loop3A_176 : i32 to index
        %parallel_loop3A_179 = tpu.vector_load %arg7[%parallel_loop3A_177, %parallel_loop3A_178] {strides = array<i32>} : memref<16x128xf32, #tpu.memory_space<vmem>>, vector<16xf32>,
        %parallel_loop3A_180 = arith.constant 2.048000e+03 : f32
        %parallel_loop3A_181 = vector.broadcast %parallel_loop3A_180 : f32 to vector<16xf32>
        %parallel_loop3A_182 = arith.mulf %parallel_loop3A_179, %parallel_loop3A_181 : vector<16xf32>
        %parallel_loop3A_183 = arith.constant 5.000000e-01 : f32
        %parallel_loop3A_184 = vector.broadcast %parallel_loop3A_183 : f32 to vector<16xf32>
        %parallel_loop3A_185 = arith.subf %parallel_loop3A_182, %parallel_loop3A_184 : vector<16xf32>
        %parallel_loop3A_186 = arith.constant 0.000000e+00 : f32
        %parallel_loop3A_187 = arith.constant 2.047000e+03 : f32
        %parallel_loop3A_188 = vector.broadcast %parallel_loop3A_186 : f32 to vector<16xf32>
        %parallel_loop3A_189 = arith.maximumf %parallel_loop3A_188, %parallel_loop3A_185 : vector<16xf32>
        %parallel_loop3A_190 = vector.broadcast %parallel_loop3A_187 : f32 to vector<16xf32>
        %parallel_loop3A_191 = arith.minimumf %parallel_loop3A_190, %parallel_loop3A_189 : vector<16xf32>
        %parallel_loop3A_192 = arith.fptosi %parallel_loop3A_191 : vector<16xf32> to vector<16xi32>
        %parallel_loop3A_193 = arith.sitofp %parallel_loop3A_192 : vector<16xi32> to vector<16xf32>
        %parallel_loop3A_194 = arith.subf %parallel_loop3A_191, %parallel_loop3A_193 : vector<16xf32>
        %parallel_loop3A_195 = arith.constant 1.000000e+00 : f32
        %parallel_loop3A_196 = vector.broadcast %parallel_loop3A_195 : f32 to vector<16xf32>
        %parallel_loop3A_197 = arith.subf %parallel_loop3A_196, %parallel_loop3A_194 : vector<16xf32>
        %parallel_loop3A_198 = arith.constant 1 : i32
        %parallel_loop3A_199 = vector.broadcast %parallel_loop3A_198 : i32 to vector<16xi32>
        %parallel_loop3A_200 = arith.addi %parallel_loop3A_192, %parallel_loop3A_199 : vector<16xi32>
        %parallel_loop3A_201 = arith.constant 2047 : i32
        %parallel_loop3A_202 = vector.broadcast %parallel_loop3A_201 : i32 to vector<16xi32>
        %parallel_loop3A_203 = arith.minsi %parallel_loop3A_200, %parallel_loop3A_202 : vector<16xi32>
        %parallel_loop3A_204 = arith.constant 7 : i32
        %parallel_loop3A_205 = vector.broadcast %parallel_loop3A_204 : i32 to vector<16xi32>
        %parallel_loop3A_206 = arith.shrsi %parallel_loop3A_192, %parallel_loop3A_205 : vector<16xi32>
        %parallel_loop3A_207 = arith.constant 10 : i32
        %parallel_loop3A_208 = vector.broadcast %parallel_loop3A_207 : i32 to vector<16xi32>
        %parallel_loop3A_209 = arith.shli %parallel_loop3A_206, %parallel_loop3A_208 : vector<16xi32>
        %parallel_loop3A_210 = arith.constant 127 : i32
        %parallel_loop3A_211 = vector.broadcast %parallel_loop3A_210 : i32 to vector<16xi32>
        %parallel_loop3A_212 = arith.andi %parallel_loop3A_192, %parallel_loop3A_211 : vector<16xi32>
        %parallel_loop3A_213 = arith.ori %parallel_loop3A_209, %parallel_loop3A_212 : vector<16xi32>
        %parallel_loop3A_214 = arith.constant 7 : i32
        %parallel_loop3A_215 = vector.broadcast %parallel_loop3A_214 : i32 to vector<16xi32>
        %parallel_loop3A_216 = arith.shrsi %parallel_loop3A_203, %parallel_loop3A_215 : vector<16xi32>
        %parallel_loop3A_217 = arith.constant 10 : i32
        %parallel_loop3A_218 = vector.broadcast %parallel_loop3A_217 : i32 to vector<16xi32>
        %parallel_loop3A_219 = arith.shli %parallel_loop3A_216, %parallel_loop3A_218 : vector<16xi32>
        %parallel_loop3A_220 = arith.constant 127 : i32
        %parallel_loop3A_221 = vector.broadcast %parallel_loop3A_220 : i32 to vector<16xi32>
        %parallel_loop3A_222 = arith.andi %parallel_loop3A_203, %parallel_loop3A_221 : vector<16xi32>
        %parallel_loop3A_223 = arith.ori %parallel_loop3A_219, %parallel_loop3A_222 : vector<16xi32>
        %parallel_loop3A_224 = arith.constant 0 : i32
        %parallel_loop3A_225 = tpu.memref_slice %arg5[%parallel_loop3A_224] : memref<32768xf32, #tpu.memory_space<vmem>> -> memref<15488xf32, #tpu.memory_space<vmem>>
        %parallel_loop3A_226 = tpu.vector_load_idx %parallel_loop3A_225[%parallel_loop3A_213] : memref<15488xf32, #tpu.memory_space<vmem>>[vector<16xi32>], vector<16xf32>,
        %parallel_loop3A_227 = arith.constant 128 : i32
        %parallel_loop3A_228 = tpu.memref_slice %arg5[%parallel_loop3A_227] : memref<32768xf32, #tpu.memory_space<vmem>> -> memref<15488xf32, #tpu.memory_space<vmem>>
        %parallel_loop3A_229 = tpu.vector_load_idx %parallel_loop3A_228[%parallel_loop3A_213] : memref<15488xf32, #tpu.memory_space<vmem>>[vector<16xi32>], vector<16xf32>,
        %parallel_loop3A_230 = arith.constant 256 : i32
        %parallel_loop3A_231 = tpu.memref_slice %arg5[%parallel_loop3A_230] : memref<32768xf32, #tpu.memory_space<vmem>> -> memref<15488xf32, #tpu.memory_space<vmem>>
        %parallel_loop3A_232 = tpu.vector_load_idx %parallel_loop3A_231[%parallel_loop3A_213] : memref<15488xf32, #tpu.memory_space<vmem>>[vector<16xi32>], vector<16xf32>,
        %parallel_loop3A_233 = arith.constant 384 : i32
        %parallel_loop3A_234 = tpu.memref_slice %arg5[%parallel_loop3A_233] : memref<32768xf32, #tpu.memory_space<vmem>> -> memref<15488xf32, #tpu.memory_space<vmem>>
        %parallel_loop3A_235 = tpu.vector_load_idx %parallel_loop3A_234[%parallel_loop3A_213] : memref<15488xf32, #tpu.memory_space<vmem>>[vector<16xi32>], vector<16xf32>,
        %parallel_loop3A_236 = arith.constant 512 : i32
        %parallel_loop3A_237 = tpu.memref_slice %arg5[%parallel_loop3A_236] : memref<32768xf32, #tpu.memory_space<vmem>> -> memref<15488xf32, #tpu.memory_space<vmem>>
        %parallel_loop3A_238 = tpu.vector_load_idx %parallel_loop3A_237[%parallel_loop3A_213] : memref<15488xf32, #tpu.memory_space<vmem>>[vector<16xi32>], vector<16xf32>,
        %parallel_loop3A_239 = arith.constant 640 : i32
        %parallel_loop3A_240 = tpu.memref_slice %arg5[%parallel_loop3A_239] : memref<32768xf32, #tpu.memory_space<vmem>> -> memref<15488xf32, #tpu.memory_space<vmem>>
        %parallel_loop3A_241 = tpu.vector_load_idx %parallel_loop3A_240[%parallel_loop3A_213] : memref<15488xf32, #tpu.memory_space<vmem>>[vector<16xi32>], vector<16xf32>,
        %parallel_loop3A_242 = arith.constant 768 : i32
        %parallel_loop3A_243 = tpu.memref_slice %arg5[%parallel_loop3A_242] : memref<32768xf32, #tpu.memory_space<vmem>> -> memref<15488xf32, #tpu.memory_space<vmem>>
        %parallel_loop3A_244 = tpu.vector_load_idx %parallel_loop3A_243[%parallel_loop3A_213] : memref<15488xf32, #tpu.memory_space<vmem>>[vector<16xi32>], vector<16xf32>,
        %parallel_loop3A_245 = arith.constant 896 : i32
        %parallel_loop3A_246 = tpu.memref_slice %arg5[%parallel_loop3A_245] : memref<32768xf32, #tpu.memory_space<vmem>> -> memref<15488xf32, #tpu.memory_space<vmem>>
        %parallel_loop3A_247 = tpu.vector_load_idx %parallel_loop3A_246[%parallel_loop3A_213] : memref<15488xf32, #tpu.memory_space<vmem>>[vector<16xi32>], vector<16xf32>,
        %parallel_loop3A_248 = arith.constant 16384 : i32
        %parallel_loop3A_249 = tpu.memref_slice %arg5[%parallel_loop3A_248] : memref<32768xf32, #tpu.memory_space<vmem>> -> memref<15488xf32, #tpu.memory_space<vmem>>
        %parallel_loop3A_250 = tpu.vector_load_idx %parallel_loop3A_249[%parallel_loop3A_213] : memref<15488xf32, #tpu.memory_space<vmem>>[vector<16xi32>], vector<16xf32>,
        %parallel_loop3A_251 = arith.constant 16512 : i32
        %parallel_loop3A_252 = tpu.memref_slice %arg5[%parallel_loop3A_251] : memref<32768xf32, #tpu.memory_space<vmem>> -> memref<15488xf32, #tpu.memory_space<vmem>>
        %parallel_loop3A_253 = tpu.vector_load_idx %parallel_loop3A_252[%parallel_loop3A_213] : memref<15488xf32, #tpu.memory_space<vmem>>[vector<16xi32>], vector<16xf32>,
        %parallel_loop3A_254 = arith.constant 16640 : i32
        %parallel_loop3A_255 = tpu.memref_slice %arg5[%parallel_loop3A_254] : memref<32768xf32, #tpu.memory_space<vmem>> -> memref<15488xf32, #tpu.memory_space<vmem>>
        %parallel_loop3A_256 = tpu.vector_load_idx %parallel_loop3A_255[%parallel_loop3A_213] : memref<15488xf32, #tpu.memory_space<vmem>>[vector<16xi32>], vector<16xf32>,
        %parallel_loop3A_257 = arith.constant 16768 : i32
        %parallel_loop3A_258 = tpu.memref_slice %arg5[%parallel_loop3A_257] : memref<32768xf32, #tpu.memory_space<vmem>> -> memref<15488xf32, #tpu.memory_space<vmem>>
        %parallel_loop3A_259 = tpu.vector_load_idx %parallel_loop3A_258[%parallel_loop3A_213] : memref<15488xf32, #tpu.memory_space<vmem>>[vector<16xi32>], vector<16xf32>,
        %parallel_loop3A_260 = arith.constant 16896 : i32
        %parallel_loop3A_261 = tpu.memref_slice %arg5[%parallel_loop3A_260] : memref<32768xf32, #tpu.memory_space<vmem>> -> memref<15488xf32, #tpu.memory_space<vmem>>
        %parallel_loop3A_262 = tpu.vector_load_idx %parallel_loop3A_261[%parallel_loop3A_213] : memref<15488xf32, #tpu.memory_space<vmem>>[vector<16xi32>], vector<16xf32>,
        %parallel_loop3A_263 = arith.constant 17024 : i32
        %parallel_loop3A_264 = tpu.memref_slice %arg5[%parallel_loop3A_263] : memref<32768xf32, #tpu.memory_space<vmem>> -> memref<15488xf32, #tpu.memory_space<vmem>>
        %parallel_loop3A_265 = tpu.vector_load_idx %parallel_loop3A_264[%parallel_loop3A_213] : memref<15488xf32, #tpu.memory_space<vmem>>[vector<16xi32>], vector<16xf32>,
        %parallel_loop3A_266 = arith.constant 17152 : i32
        %parallel_loop3A_267 = tpu.memref_slice %arg5[%parallel_loop3A_266] : memref<32768xf32, #tpu.memory_space<vmem>> -> memref<15488xf32, #tpu.memory_space<vmem>>
        %parallel_loop3A_268 = tpu.vector_load_idx %parallel_loop3A_267[%parallel_loop3A_213] : memref<15488xf32, #tpu.memory_space<vmem>>[vector<16xi32>], vector<16xf32>,
        %parallel_loop3A_269 = arith.constant 17280 : i32
        %parallel_loop3A_270 = tpu.memref_slice %arg5[%parallel_loop3A_269] : memref<32768xf32, #tpu.memory_space<vmem>> -> memref<15488xf32, #tpu.memory_space<vmem>>
        %parallel_loop3A_271 = tpu.vector_load_idx %parallel_loop3A_270[%parallel_loop3A_213] : memref<15488xf32, #tpu.memory_space<vmem>>[vector<16xi32>], vector<16xf32>,
        %parallel_loop3A_272 = arith.constant 0 : i32
        %parallel_loop3A_273 = tpu.memref_slice %arg5[%parallel_loop3A_272] : memref<32768xf32, #tpu.memory_space<vmem>> -> memref<15488xf32, #tpu.memory_space<vmem>>
        %parallel_loop3A_274 = tpu.vector_load_idx %parallel_loop3A_273[%parallel_loop3A_223] : memref<15488xf32, #tpu.memory_space<vmem>>[vector<16xi32>], vector<16xf32>,
        %parallel_loop3A_275 = arith.constant 128 : i32
        %parallel_loop3A_276 = tpu.memref_slice %arg5[%parallel_loop3A_275] : memref<32768xf32, #tpu.memory_space<vmem>> -> memref<15488xf32, #tpu.memory_space<vmem>>
        %parallel_loop3A_277 = tpu.vector_load_idx %parallel_loop3A_276[%parallel_loop3A_223] : memref<15488xf32, #tpu.memory_space<vmem>>[vector<16xi32>], vector<16xf32>,
        %parallel_loop3A_278 = arith.constant 256 : i32
        %parallel_loop3A_279 = tpu.memref_slice %arg5[%parallel_loop3A_278] : memref<32768xf32, #tpu.memory_space<vmem>> -> memref<15488xf32, #tpu.memory_space<vmem>>
        %parallel_loop3A_280 = tpu.vector_load_idx %parallel_loop3A_279[%parallel_loop3A_223] : memref<15488xf32, #tpu.memory_space<vmem>>[vector<16xi32>], vector<16xf32>,
        %parallel_loop3A_281 = arith.constant 384 : i32
        %parallel_loop3A_282 = tpu.memref_slice %arg5[%parallel_loop3A_281] : memref<32768xf32, #tpu.memory_space<vmem>> -> memref<15488xf32, #tpu.memory_space<vmem>>
        %parallel_loop3A_283 = tpu.vector_load_idx %parallel_loop3A_282[%parallel_loop3A_223] : memref<15488xf32, #tpu.memory_space<vmem>>[vector<16xi32>], vector<16xf32>,
        %parallel_loop3A_284 = arith.constant 512 : i32
        %parallel_loop3A_285 = tpu.memref_slice %arg5[%parallel_loop3A_284] : memref<32768xf32, #tpu.memory_space<vmem>> -> memref<15488xf32, #tpu.memory_space<vmem>>
        %parallel_loop3A_286 = tpu.vector_load_idx %parallel_loop3A_285[%parallel_loop3A_223] : memref<15488xf32, #tpu.memory_space<vmem>>[vector<16xi32>], vector<16xf32>,
        %parallel_loop3A_287 = arith.constant 640 : i32
        %parallel_loop3A_288 = tpu.memref_slice %arg5[%parallel_loop3A_287] : memref<32768xf32, #tpu.memory_space<vmem>> -> memref<15488xf32, #tpu.memory_space<vmem>>
        %parallel_loop3A_289 = tpu.vector_load_idx %parallel_loop3A_288[%parallel_loop3A_223] : memref<15488xf32, #tpu.memory_space<vmem>>[vector<16xi32>], vector<16xf32>,
        %parallel_loop3A_290 = arith.constant 768 : i32
        %parallel_loop3A_291 = tpu.memref_slice %arg5[%parallel_loop3A_290] : memref<32768xf32, #tpu.memory_space<vmem>> -> memref<15488xf32, #tpu.memory_space<vmem>>
        %parallel_loop3A_292 = tpu.vector_load_idx %parallel_loop3A_291[%parallel_loop3A_223] : memref<15488xf32, #tpu.memory_space<vmem>>[vector<16xi32>], vector<16xf32>,
        %parallel_loop3A_293 = arith.constant 896 : i32
        %parallel_loop3A_294 = tpu.memref_slice %arg5[%parallel_loop3A_293] : memref<32768xf32, #tpu.memory_space<vmem>> -> memref<15488xf32, #tpu.memory_space<vmem>>
        %parallel_loop3A_295 = tpu.vector_load_idx %parallel_loop3A_294[%parallel_loop3A_223] : memref<15488xf32, #tpu.memory_space<vmem>>[vector<16xi32>], vector<16xf32>,
        %parallel_loop3A_296 = arith.constant 16384 : i32
        %parallel_loop3A_297 = tpu.memref_slice %arg5[%parallel_loop3A_296] : memref<32768xf32, #tpu.memory_space<vmem>> -> memref<15488xf32, #tpu.memory_space<vmem>>
        %parallel_loop3A_298 = tpu.vector_load_idx %parallel_loop3A_297[%parallel_loop3A_223] : memref<15488xf32, #tpu.memory_space<vmem>>[vector<16xi32>], vector<16xf32>,
        %parallel_loop3A_299 = arith.constant 16512 : i32
        %parallel_loop3A_300 = tpu.memref_slice %arg5[%parallel_loop3A_299] : memref<32768xf32, #tpu.memory_space<vmem>> -> memref<15488xf32, #tpu.memory_space<vmem>>
        %parallel_loop3A_301 = tpu.vector_load_idx %parallel_loop3A_300[%parallel_loop3A_223] : memref<15488xf32, #tpu.memory_space<vmem>>[vector<16xi32>], vector<16xf32>,
        %parallel_loop3A_302 = arith.constant 16640 : i32
        %parallel_loop3A_303 = tpu.memref_slice %arg5[%parallel_loop3A_302] : memref<32768xf32, #tpu.memory_space<vmem>> -> memref<15488xf32, #tpu.memory_space<vmem>>
        %parallel_loop3A_304 = tpu.vector_load_idx %parallel_loop3A_303[%parallel_loop3A_223] : memref<15488xf32, #tpu.memory_space<vmem>>[vector<16xi32>], vector<16xf32>,
        %parallel_loop3A_305 = arith.constant 16768 : i32
        %parallel_loop3A_306 = tpu.memref_slice %arg5[%parallel_loop3A_305] : memref<32768xf32, #tpu.memory_space<vmem>> -> memref<15488xf32, #tpu.memory_space<vmem>>
        %parallel_loop3A_307 = tpu.vector_load_idx %parallel_loop3A_306[%parallel_loop3A_223] : memref<15488xf32, #tpu.memory_space<vmem>>[vector<16xi32>], vector<16xf32>,
        %parallel_loop3A_308 = arith.constant 16896 : i32
        %parallel_loop3A_309 = tpu.memref_slice %arg5[%parallel_loop3A_308] : memref<32768xf32, #tpu.memory_space<vmem>> -> memref<15488xf32, #tpu.memory_space<vmem>>
        %parallel_loop3A_310 = tpu.vector_load_idx %parallel_loop3A_309[%parallel_loop3A_223] : memref<15488xf32, #tpu.memory_space<vmem>>[vector<16xi32>], vector<16xf32>,
        %parallel_loop3A_311 = arith.constant 17024 : i32
        %parallel_loop3A_312 = tpu.memref_slice %arg5[%parallel_loop3A_311] : memref<32768xf32, #tpu.memory_space<vmem>> -> memref<15488xf32, #tpu.memory_space<vmem>>
        %parallel_loop3A_313 = tpu.vector_load_idx %parallel_loop3A_312[%parallel_loop3A_223] : memref<15488xf32, #tpu.memory_space<vmem>>[vector<16xi32>], vector<16xf32>,
        %parallel_loop3A_314 = arith.constant 17152 : i32
        %parallel_loop3A_315 = tpu.memref_slice %arg5[%parallel_loop3A_314] : memref<32768xf32, #tpu.memory_space<vmem>> -> memref<15488xf32, #tpu.memory_space<vmem>>
        %parallel_loop3A_316 = tpu.vector_load_idx %parallel_loop3A_315[%parallel_loop3A_223] : memref<15488xf32, #tpu.memory_space<vmem>>[vector<16xi32>], vector<16xf32>,
        %parallel_loop3A_317 = arith.constant 17280 : i32
        %parallel_loop3A_318 = tpu.memref_slice %arg5[%parallel_loop3A_317] : memref<32768xf32, #tpu.memory_space<vmem>> -> memref<15488xf32, #tpu.memory_space<vmem>>
        %parallel_loop3A_319 = tpu.vector_load_idx %parallel_loop3A_318[%parallel_loop3A_223] : memref<15488xf32, #tpu.memory_space<vmem>>[vector<16xi32>], vector<16xf32>,
        %parallel_loop3A_320 = arith.constant 7 : i32
        %parallel_loop3A_321 = arith.shrsi %parallel_loop3A_169, %parallel_loop3A_320 : i32
        %parallel_loop3A_322 = arith.constant 10 : i32
        %parallel_loop3A_323 = arith.shli %parallel_loop3A_321, %parallel_loop3A_322 : i32
        %parallel_loop3A_324 = arith.constant 127 : i32
        %parallel_loop3A_325 = arith.andi %parallel_loop3A_169, %parallel_loop3A_324 : i32
        %parallel_loop3A_326 = arith.ori %parallel_loop3A_323, %parallel_loop3A_325 : i32
        %parallel_loop3A_327 = arith.constant 0 : i32
        %parallel_loop3A_328 = arith.addi %parallel_loop3A_326, %parallel_loop3A_327 : i32
        %parallel_loop3A_329 = tpu.assume_multiple %parallel_loop3A_328, 16 : i32
        %parallel_loop3A_330 = arith.mulf %parallel_loop3A_226, %parallel_loop3A_197 : vector<16xf32>
        %parallel_loop3A_331 = arith.mulf %parallel_loop3A_274, %parallel_loop3A_194 : vector<16xf32>
        %parallel_loop3A_332 = arith.addf %parallel_loop3A_330, %parallel_loop3A_331 : vector<16xf32>
        %parallel_loop3A_333 = arith.constant 0 : i32
        %parallel_loop3A_334 = arith.index_cast %parallel_loop3A_333 : i32 to index
        %parallel_loop3A_335 = arith.index_cast %parallel_loop3A_329 : i32 to index
        %parallel_loop3A_336 = tpu.vector_load %arg9[%parallel_loop3A_334, %parallel_loop3A_335] {strides = array<i32>} : memref<2x8192xf32, #tpu.memory_space<vmem>>, vector<16xf32>,
        tpu.vector_store %arg9[%parallel_loop3A_334, %parallel_loop3A_335], %parallel_loop3A_332 {strides = array<i32>} : memref<2x8192xf32, #tpu.memory_space<vmem>>, vector<16xf32>,
        %parallel_loop3A_337 = arith.constant 128 : i32
        %parallel_loop3A_338 = arith.addi %parallel_loop3A_326, %parallel_loop3A_337 : i32
        %parallel_loop3A_339 = tpu.assume_multiple %parallel_loop3A_338, 16 : i32
        %parallel_loop3A_340 = arith.mulf %parallel_loop3A_229, %parallel_loop3A_197 : vector<16xf32>
        %parallel_loop3A_341 = arith.mulf %parallel_loop3A_277, %parallel_loop3A_194 : vector<16xf32>
        %parallel_loop3A_342 = arith.addf %parallel_loop3A_340, %parallel_loop3A_341 : vector<16xf32>
        %parallel_loop3A_343 = arith.constant 0 : i32
        %parallel_loop3A_344 = arith.index_cast %parallel_loop3A_343 : i32 to index
        %parallel_loop3A_345 = arith.index_cast %parallel_loop3A_339 : i32 to index
        %parallel_loop3A_346 = tpu.vector_load %arg9[%parallel_loop3A_344, %parallel_loop3A_345] {strides = array<i32>} : memref<2x8192xf32, #tpu.memory_space<vmem>>, vector<16xf32>,
        tpu.vector_store %arg9[%parallel_loop3A_344, %parallel_loop3A_345], %parallel_loop3A_342 {strides = array<i32>} : memref<2x8192xf32, #tpu.memory_space<vmem>>, vector<16xf32>,
        %parallel_loop3A_347 = arith.constant 256 : i32
        %parallel_loop3A_348 = arith.addi %parallel_loop3A_326, %parallel_loop3A_347 : i32
        %parallel_loop3A_349 = tpu.assume_multiple %parallel_loop3A_348, 16 : i32
        %parallel_loop3A_350 = arith.mulf %parallel_loop3A_232, %parallel_loop3A_197 : vector<16xf32>
        %parallel_loop3A_351 = arith.mulf %parallel_loop3A_280, %parallel_loop3A_194 : vector<16xf32>
        %parallel_loop3A_352 = arith.addf %parallel_loop3A_350, %parallel_loop3A_351 : vector<16xf32>
        %parallel_loop3A_353 = arith.constant 0 : i32
        %parallel_loop3A_354 = arith.index_cast %parallel_loop3A_353 : i32 to index
        %parallel_loop3A_355 = arith.index_cast %parallel_loop3A_349 : i32 to index
        %parallel_loop3A_356 = tpu.vector_load %arg9[%parallel_loop3A_354, %parallel_loop3A_355] {strides = array<i32>} : memref<2x8192xf32, #tpu.memory_space<vmem>>, vector<16xf32>,
        tpu.vector_store %arg9[%parallel_loop3A_354, %parallel_loop3A_355], %parallel_loop3A_352 {strides = array<i32>} : memref<2x8192xf32, #tpu.memory_space<vmem>>, vector<16xf32>,
        %parallel_loop3A_357 = arith.constant 384 : i32
        %parallel_loop3A_358 = arith.addi %parallel_loop3A_326, %parallel_loop3A_357 : i32
        %parallel_loop3A_359 = tpu.assume_multiple %parallel_loop3A_358, 16 : i32
        %parallel_loop3A_360 = arith.mulf %parallel_loop3A_235, %parallel_loop3A_197 : vector<16xf32>
        %parallel_loop3A_361 = arith.mulf %parallel_loop3A_283, %parallel_loop3A_194 : vector<16xf32>
        %parallel_loop3A_362 = arith.addf %parallel_loop3A_360, %parallel_loop3A_361 : vector<16xf32>
        %parallel_loop3A_363 = arith.constant 0 : i32
        %parallel_loop3A_364 = arith.index_cast %parallel_loop3A_363 : i32 to index
        %parallel_loop3A_365 = arith.index_cast %parallel_loop3A_359 : i32 to index
        %parallel_loop3A_366 = tpu.vector_load %arg9[%parallel_loop3A_364, %parallel_loop3A_365] {strides = array<i32>} : memref<2x8192xf32, #tpu.memory_space<vmem>>, vector<16xf32>,
        tpu.vector_store %arg9[%parallel_loop3A_364, %parallel_loop3A_365], %parallel_loop3A_362 {strides = array<i32>} : memref<2x8192xf32, #tpu.memory_space<vmem>>, vector<16xf32>,
        %parallel_loop3A_367 = arith.constant 512 : i32
        %parallel_loop3A_368 = arith.addi %parallel_loop3A_326, %parallel_loop3A_367 : i32
        %parallel_loop3A_369 = tpu.assume_multiple %parallel_loop3A_368, 16 : i32
        %parallel_loop3A_370 = arith.mulf %parallel_loop3A_238, %parallel_loop3A_197 : vector<16xf32>
        %parallel_loop3A_371 = arith.mulf %parallel_loop3A_286, %parallel_loop3A_194 : vector<16xf32>
        %parallel_loop3A_372 = arith.addf %parallel_loop3A_370, %parallel_loop3A_371 : vector<16xf32>
        %parallel_loop3A_373 = arith.constant 0 : i32
        %parallel_loop3A_374 = arith.index_cast %parallel_loop3A_373 : i32 to index
        %parallel_loop3A_375 = arith.index_cast %parallel_loop3A_369 : i32 to index
        %parallel_loop3A_376 = tpu.vector_load %arg9[%parallel_loop3A_374, %parallel_loop3A_375] {strides = array<i32>} : memref<2x8192xf32, #tpu.memory_space<vmem>>, vector<16xf32>,
        tpu.vector_store %arg9[%parallel_loop3A_374, %parallel_loop3A_375], %parallel_loop3A_372 {strides = array<i32>} : memref<2x8192xf32, #tpu.memory_space<vmem>>, vector<16xf32>,
        %parallel_loop3A_377 = arith.constant 640 : i32
        %parallel_loop3A_378 = arith.addi %parallel_loop3A_326, %parallel_loop3A_377 : i32
        %parallel_loop3A_379 = tpu.assume_multiple %parallel_loop3A_378, 16 : i32
        %parallel_loop3A_380 = arith.mulf %parallel_loop3A_241, %parallel_loop3A_197 : vector<16xf32>
        %parallel_loop3A_381 = arith.mulf %parallel_loop3A_289, %parallel_loop3A_194 : vector<16xf32>
        %parallel_loop3A_382 = arith.addf %parallel_loop3A_380, %parallel_loop3A_381 : vector<16xf32>
        %parallel_loop3A_383 = arith.constant 0 : i32
        %parallel_loop3A_384 = arith.index_cast %parallel_loop3A_383 : i32 to index
        %parallel_loop3A_385 = arith.index_cast %parallel_loop3A_379 : i32 to index
        %parallel_loop3A_386 = tpu.vector_load %arg9[%parallel_loop3A_384, %parallel_loop3A_385] {strides = array<i32>} : memref<2x8192xf32, #tpu.memory_space<vmem>>, vector<16xf32>,
        tpu.vector_store %arg9[%parallel_loop3A_384, %parallel_loop3A_385], %parallel_loop3A_382 {strides = array<i32>} : memref<2x8192xf32, #tpu.memory_space<vmem>>, vector<16xf32>,
        %parallel_loop3A_387 = arith.constant 768 : i32
        %parallel_loop3A_388 = arith.addi %parallel_loop3A_326, %parallel_loop3A_387 : i32
        %parallel_loop3A_389 = tpu.assume_multiple %parallel_loop3A_388, 16 : i32
        %parallel_loop3A_390 = arith.mulf %parallel_loop3A_244, %parallel_loop3A_197 : vector<16xf32>
        %parallel_loop3A_391 = arith.mulf %parallel_loop3A_292, %parallel_loop3A_194 : vector<16xf32>
        %parallel_loop3A_392 = arith.addf %parallel_loop3A_390, %parallel_loop3A_391 : vector<16xf32>
        %parallel_loop3A_393 = arith.constant 0 : i32
        %parallel_loop3A_394 = arith.index_cast %parallel_loop3A_393 : i32 to index
        %parallel_loop3A_395 = arith.index_cast %parallel_loop3A_389 : i32 to index
        %parallel_loop3A_396 = tpu.vector_load %arg9[%parallel_loop3A_394, %parallel_loop3A_395] {strides = array<i32>} : memref<2x8192xf32, #tpu.memory_space<vmem>>, vector<16xf32>,
        tpu.vector_store %arg9[%parallel_loop3A_394, %parallel_loop3A_395], %parallel_loop3A_392 {strides = array<i32>} : memref<2x8192xf32, #tpu.memory_space<vmem>>, vector<16xf32>,
        %parallel_loop3A_397 = arith.constant 896 : i32
        %parallel_loop3A_398 = arith.addi %parallel_loop3A_326, %parallel_loop3A_397 : i32
        %parallel_loop3A_399 = tpu.assume_multiple %parallel_loop3A_398, 16 : i32
        %parallel_loop3A_400 = arith.mulf %parallel_loop3A_247, %parallel_loop3A_197 : vector<16xf32>
        %parallel_loop3A_401 = arith.mulf %parallel_loop3A_295, %parallel_loop3A_194 : vector<16xf32>
        %parallel_loop3A_402 = arith.addf %parallel_loop3A_400, %parallel_loop3A_401 : vector<16xf32>
        %parallel_loop3A_403 = arith.constant 0 : i32
        %parallel_loop3A_404 = arith.index_cast %parallel_loop3A_403 : i32 to index
        %parallel_loop3A_405 = arith.index_cast %parallel_loop3A_399 : i32 to index
        %parallel_loop3A_406 = tpu.vector_load %arg9[%parallel_loop3A_404, %parallel_loop3A_405] {strides = array<i32>} : memref<2x8192xf32, #tpu.memory_space<vmem>>, vector<16xf32>,
        tpu.vector_store %arg9[%parallel_loop3A_404, %parallel_loop3A_405], %parallel_loop3A_402 {strides = array<i32>} : memref<2x8192xf32, #tpu.memory_space<vmem>>, vector<16xf32>,
        %parallel_loop3A_407 = arith.constant 0 : i32
        %parallel_loop3A_408 = arith.addi %parallel_loop3A_326, %parallel_loop3A_407 : i32
        %parallel_loop3A_409 = tpu.assume_multiple %parallel_loop3A_408, 16 : i32
        %parallel_loop3A_410 = arith.mulf %parallel_loop3A_250, %parallel_loop3A_197 : vector<16xf32>
        %parallel_loop3A_411 = arith.mulf %parallel_loop3A_298, %parallel_loop3A_194 : vector<16xf32>
        %parallel_loop3A_412 = arith.addf %parallel_loop3A_410, %parallel_loop3A_411 : vector<16xf32>
        %parallel_loop3A_413 = arith.constant 1 : i32
        %parallel_loop3A_414 = arith.index_cast %parallel_loop3A_413 : i32 to index
        %parallel_loop3A_415 = arith.index_cast %parallel_loop3A_409 : i32 to index
        %parallel_loop3A_416 = tpu.vector_load %arg9[%parallel_loop3A_414, %parallel_loop3A_415] {strides = array<i32>} : memref<2x8192xf32, #tpu.memory_space<vmem>>, vector<16xf32>,
        tpu.vector_store %arg9[%parallel_loop3A_414, %parallel_loop3A_415], %parallel_loop3A_412 {strides = array<i32>} : memref<2x8192xf32, #tpu.memory_space<vmem>>, vector<16xf32>,
        %parallel_loop3A_417 = arith.constant 128 : i32
        %parallel_loop3A_418 = arith.addi %parallel_loop3A_326, %parallel_loop3A_417 : i32
        %parallel_loop3A_419 = tpu.assume_multiple %parallel_loop3A_418, 16 : i32
        %parallel_loop3A_420 = arith.mulf %parallel_loop3A_253, %parallel_loop3A_197 : vector<16xf32>
        %parallel_loop3A_421 = arith.mulf %parallel_loop3A_301, %parallel_loop3A_194 : vector<16xf32>
        %parallel_loop3A_422 = arith.addf %parallel_loop3A_420, %parallel_loop3A_421 : vector<16xf32>
        %parallel_loop3A_423 = arith.constant 1 : i32
        %parallel_loop3A_424 = arith.index_cast %parallel_loop3A_423 : i32 to index
        %parallel_loop3A_425 = arith.index_cast %parallel_loop3A_419 : i32 to index
        %parallel_loop3A_426 = tpu.vector_load %arg9[%parallel_loop3A_424, %parallel_loop3A_425] {strides = array<i32>} : memref<2x8192xf32, #tpu.memory_space<vmem>>, vector<16xf32>,
        tpu.vector_store %arg9[%parallel_loop3A_424, %parallel_loop3A_425], %parallel_loop3A_422 {strides = array<i32>} : memref<2x8192xf32, #tpu.memory_space<vmem>>, vector<16xf32>,
        %parallel_loop3A_427 = arith.constant 256 : i32
        %parallel_loop3A_428 = arith.addi %parallel_loop3A_326, %parallel_loop3A_427 : i32
        %parallel_loop3A_429 = tpu.assume_multiple %parallel_loop3A_428, 16 : i32
        %parallel_loop3A_430 = arith.mulf %parallel_loop3A_256, %parallel_loop3A_197 : vector<16xf32>
        %parallel_loop3A_431 = arith.mulf %parallel_loop3A_304, %parallel_loop3A_194 : vector<16xf32>
        %parallel_loop3A_432 = arith.addf %parallel_loop3A_430, %parallel_loop3A_431 : vector<16xf32>
        %parallel_loop3A_433 = arith.constant 1 : i32
        %parallel_loop3A_434 = arith.index_cast %parallel_loop3A_433 : i32 to index
        %parallel_loop3A_435 = arith.index_cast %parallel_loop3A_429 : i32 to index
        %parallel_loop3A_436 = tpu.vector_load %arg9[%parallel_loop3A_434, %parallel_loop3A_435] {strides = array<i32>} : memref<2x8192xf32, #tpu.memory_space<vmem>>, vector<16xf32>,
        tpu.vector_store %arg9[%parallel_loop3A_434, %parallel_loop3A_435], %parallel_loop3A_432 {strides = array<i32>} : memref<2x8192xf32, #tpu.memory_space<vmem>>, vector<16xf32>,
        %parallel_loop3A_437 = arith.constant 384 : i32
        %parallel_loop3A_438 = arith.addi %parallel_loop3A_326, %parallel_loop3A_437 : i32
        %parallel_loop3A_439 = tpu.assume_multiple %parallel_loop3A_438, 16 : i32
        %parallel_loop3A_440 = arith.mulf %parallel_loop3A_259, %parallel_loop3A_197 : vector<16xf32>
        %parallel_loop3A_441 = arith.mulf %parallel_loop3A_307, %parallel_loop3A_194 : vector<16xf32>
        %parallel_loop3A_442 = arith.addf %parallel_loop3A_440, %parallel_loop3A_441 : vector<16xf32>
        %parallel_loop3A_443 = arith.constant 1 : i32
        %parallel_loop3A_444 = arith.index_cast %parallel_loop3A_443 : i32 to index
        %parallel_loop3A_445 = arith.index_cast %parallel_loop3A_439 : i32 to index
        %parallel_loop3A_446 = tpu.vector_load %arg9[%parallel_loop3A_444, %parallel_loop3A_445] {strides = array<i32>} : memref<2x8192xf32, #tpu.memory_space<vmem>>, vector<16xf32>,
        tpu.vector_store %arg9[%parallel_loop3A_444, %parallel_loop3A_445], %parallel_loop3A_442 {strides = array<i32>} : memref<2x8192xf32, #tpu.memory_space<vmem>>, vector<16xf32>,
        %parallel_loop3A_447 = arith.constant 512 : i32
        %parallel_loop3A_448 = arith.addi %parallel_loop3A_326, %parallel_loop3A_447 : i32
        %parallel_loop3A_449 = tpu.assume_multiple %parallel_loop3A_448, 16 : i32
        %parallel_loop3A_450 = arith.mulf %parallel_loop3A_262, %parallel_loop3A_197 : vector<16xf32>
        %parallel_loop3A_451 = arith.mulf %parallel_loop3A_310, %parallel_loop3A_194 : vector<16xf32>
        %parallel_loop3A_452 = arith.addf %parallel_loop3A_450, %parallel_loop3A_451 : vector<16xf32>
        %parallel_loop3A_453 = arith.constant 1 : i32
        %parallel_loop3A_454 = arith.index_cast %parallel_loop3A_453 : i32 to index
        %parallel_loop3A_455 = arith.index_cast %parallel_loop3A_449 : i32 to index
        %parallel_loop3A_456 = tpu.vector_load %arg9[%parallel_loop3A_454, %parallel_loop3A_455] {strides = array<i32>} : memref<2x8192xf32, #tpu.memory_space<vmem>>, vector<16xf32>,
        tpu.vector_store %arg9[%parallel_loop3A_454, %parallel_loop3A_455], %parallel_loop3A_452 {strides = array<i32>} : memref<2x8192xf32, #tpu.memory_space<vmem>>, vector<16xf32>,
        %parallel_loop3A_457 = arith.constant 640 : i32
        %parallel_loop3A_458 = arith.addi %parallel_loop3A_326, %parallel_loop3A_457 : i32
        %parallel_loop3A_459 = tpu.assume_multiple %parallel_loop3A_458, 16 : i32
        %parallel_loop3A_460 = arith.mulf %parallel_loop3A_265, %parallel_loop3A_197 : vector<16xf32>
        %parallel_loop3A_461 = arith.mulf %parallel_loop3A_313, %parallel_loop3A_194 : vector<16xf32>
        %parallel_loop3A_462 = arith.addf %parallel_loop3A_460, %parallel_loop3A_461 : vector<16xf32>
        %parallel_loop3A_463 = arith.constant 1 : i32
        %parallel_loop3A_464 = arith.index_cast %parallel_loop3A_463 : i32 to index
        %parallel_loop3A_465 = arith.index_cast %parallel_loop3A_459 : i32 to index
        %parallel_loop3A_466 = tpu.vector_load %arg9[%parallel_loop3A_464, %parallel_loop3A_465] {strides = array<i32>} : memref<2x8192xf32, #tpu.memory_space<vmem>>, vector<16xf32>,
        tpu.vector_store %arg9[%parallel_loop3A_464, %parallel_loop3A_465], %parallel_loop3A_462 {strides = array<i32>} : memref<2x8192xf32, #tpu.memory_space<vmem>>, vector<16xf32>,
        %parallel_loop3A_467 = arith.constant 768 : i32
        %parallel_loop3A_468 = arith.addi %parallel_loop3A_326, %parallel_loop3A_467 : i32
        %parallel_loop3A_469 = tpu.assume_multiple %parallel_loop3A_468, 16 : i32
        %parallel_loop3A_470 = arith.mulf %parallel_loop3A_268, %parallel_loop3A_197 : vector<16xf32>
        %parallel_loop3A_471 = arith.mulf %parallel_loop3A_316, %parallel_loop3A_194 : vector<16xf32>
        %parallel_loop3A_472 = arith.addf %parallel_loop3A_470, %parallel_loop3A_471 : vector<16xf32>
        %parallel_loop3A_473 = arith.constant 1 : i32
        %parallel_loop3A_474 = arith.index_cast %parallel_loop3A_473 : i32 to index
        %parallel_loop3A_475 = arith.index_cast %parallel_loop3A_469 : i32 to index
        %parallel_loop3A_476 = tpu.vector_load %arg9[%parallel_loop3A_474, %parallel_loop3A_475] {strides = array<i32>} : memref<2x8192xf32, #tpu.memory_space<vmem>>, vector<16xf32>,
        tpu.vector_store %arg9[%parallel_loop3A_474, %parallel_loop3A_475], %parallel_loop3A_472 {strides = array<i32>} : memref<2x8192xf32, #tpu.memory_space<vmem>>, vector<16xf32>,
        %parallel_loop3A_477 = arith.constant 896 : i32
        %parallel_loop3A_478 = arith.addi %parallel_loop3A_326, %parallel_loop3A_477 : i32
        %parallel_loop3A_479 = tpu.assume_multiple %parallel_loop3A_478, 16 : i32
        %parallel_loop3A_480 = arith.mulf %parallel_loop3A_271, %parallel_loop3A_197 : vector<16xf32>
        %parallel_loop3A_481 = arith.mulf %parallel_loop3A_319, %parallel_loop3A_194 : vector<16xf32>
        %parallel_loop3A_482 = arith.addf %parallel_loop3A_480, %parallel_loop3A_481 : vector<16xf32>
        %parallel_loop3A_483 = arith.constant 1 : i32
        %parallel_loop3A_484 = arith.index_cast %parallel_loop3A_483 : i32 to index
        %parallel_loop3A_485 = arith.index_cast %parallel_loop3A_479 : i32 to index
        %parallel_loop3A_486 = tpu.vector_load %arg9[%parallel_loop3A_484, %parallel_loop3A_485] {strides = array<i32>} : memref<2x8192xf32, #tpu.memory_space<vmem>>, vector<16xf32>,
        tpu.vector_store %arg9[%parallel_loop3A_484, %parallel_loop3A_485], %parallel_loop3A_482 {strides = array<i32>} : memref<2x8192xf32, #tpu.memory_space<vmem>>, vector<16xf32>,
      } {sc.loop_unroll_factor = 2 : i64, sc.parallel_access}
      %dma_start3A_77 = arith.constant 0 : i32
      %dma_start3A_78 = arith.constant 0 : i32
      %dma_start3A_79 = arith.constant 0 : i32
      %dma_start3A_80 = tpu.memref_slice %arg4[%add3A_70, %dma_start3A_78, %dma_start3A_77, %dma_start3A_79] : memref<1024x2x2x8192xf32, #tpu.memory_space<hbm>> -> memref<1x2x1x8192xf32, #tpu.memory_space<hbm>>
      %dma_start3A_81 = tpu.memref_squeeze %dma_start3A_80 : memref<1x2x1x8192xf32, #tpu.memory_space<hbm>> -> memref<2x8192xf32, #tpu.memory_space<hbm>>
      %dma_start3A_82 = arith.constant 0 : i32
      %dma_start3A_83 = arith.constant 0 : i32
      %dma_start3A_84 = tpu.memref_slice %arg4[%add3A_70, %dma_start3A_82, %dma_start3A_77, %dma_start3A_83] : memref<1024x2x2x8192xf32, #tpu.memory_space<hbm>> -> memref<1x2x1x8192xf32, #tpu.memory_space<hbm>>
      %dma_start3A_85 = tpu.memref_squeeze %dma_start3A_84 : memref<1x2x1x8192xf32, #tpu.memory_space<hbm>> -> memref<2x8192xf32, #tpu.memory_space<hbm>>
      tpu.enqueue_dma source(%arg9 : memref<2x8192xf32, #tpu.memory_space<vmem>>) target(%dma_start3A_85 : memref<2x8192xf32, #tpu.memory_space<hbm>>) target_semaphore(%arg15 : memref<!tpu.dma_semaphore, #tpu.memory_space<semaphore_mem>>)
      %gt3A_86 = arith.constant 0 : i32
      %gt3A_87 = arith.cmpi sgt, %add3A_48, %gt3A_86 : i32
      %convert_element_type3A_88 = arith.extui %gt3A_87 : i1 to i32
      %cond3A_89 = arith.constant 0 : i32
      %cond3A_90 = arith.cmpi ne, %convert_element_type3A_88, %cond3A_89 : i32
      scf.if %cond3A_90 {
        %dma_wait3A_166 = arith.constant 0 : i32
        %dma_wait3A_167 = arith.constant 0 : i32
        %dma_wait3A_168 = arith.constant 0 : i32
        %dma_wait3A_169 = arith.constant 0 : i32
        %dma_wait3A_170 = tpu.memref_slice %arg4[%dma_wait3A_166, %dma_wait3A_168, %dma_wait3A_167, %dma_wait3A_169] : memref<1024x2x2x8192xf32, #tpu.memory_space<hbm>> -> memref<1x2x1x8192xf32, #tpu.memory_space<hbm>>
        %dma_wait3A_171 = tpu.memref_squeeze %dma_wait3A_170 : memref<1x2x1x8192xf32, #tpu.memory_space<hbm>> -> memref<2x8192xf32, #tpu.memory_space<hbm>>
        %dma_wait3A_172 = arith.constant 0 : i32
        %dma_wait3A_173 = arith.constant 0 : i32
        %dma_wait3A_174 = tpu.memref_slice %arg4[%dma_wait3A_166, %dma_wait3A_172, %dma_wait3A_167, %dma_wait3A_173] : memref<1024x2x2x8192xf32, #tpu.memory_space<hbm>> -> memref<1x2x1x8192xf32, #tpu.memory_space<hbm>>
        %dma_wait3A_175 = tpu.memref_squeeze %dma_wait3A_174 : memref<1x2x1x8192xf32, #tpu.memory_space<hbm>> -> memref<2x8192xf32, #tpu.memory_space<hbm>>
        tpu.wait_dma2 semaphore(%arg16 : memref<!tpu.dma_semaphore, #tpu.memory_space<semaphore_mem>>) src(%arg10 : memref<2x8192xf32, #tpu.memory_space<vmem>>) dst(%dma_wait3A_175 : memref<2x8192xf32, #tpu.memory_space<hbm>>)
      } else {
      }
      %parallel_loop3A_91 = arith.constant 0 : i32
      %parallel_loop3A_92 = arith.constant 64 : i32
      %parallel_loop3A_93 = arith.constant 1 : i32
      scf.for %parallel_loop3A_166 = %parallel_loop3A_91 to %parallel_loop3A_92 step %parallel_loop3A_93  : i32 {
        %parallel_loop3A_167 = arith.constant 16 : i32
        %parallel_loop3A_168 = arith.muli %parallel_loop3A_166, %parallel_loop3A_167 : i32
        %parallel_loop3A_169 = tpu.assume_multiple %parallel_loop3A_168, 16 : i32
        %parallel_loop3A_170 = arith.constant 1024 : i32
        %parallel_loop3A_171 = arith.addi %parallel_loop3A_170, %parallel_loop3A_169 : i32
        %parallel_loop3A_172 = arith.constant 7 : i32
        %parallel_loop3A_173 = arith.shrsi %parallel_loop3A_171, %parallel_loop3A_172 : i32
        %parallel_loop3A_174 = arith.constant 127 : i32
        %parallel_loop3A_175 = arith.andi %parallel_loop3A_171, %parallel_loop3A_174 : i32
        %parallel_loop3A_176 = tpu.assume_multiple %parallel_loop3A_175, 16 : i32
        %parallel_loop3A_177 = arith.index_cast %parallel_loop3A_173 : i32 to index
        %parallel_loop3A_178 = arith.index_cast %parallel_loop3A_176 : i32 to index
        %parallel_loop3A_179 = tpu.vector_load %arg7[%parallel_loop3A_177, %parallel_loop3A_178] {strides = array<i32>} : memref<16x128xf32, #tpu.memory_space<vmem>>, vector<16xf32>,
        %parallel_loop3A_180 = arith.constant 2.048000e+03 : f32
        %parallel_loop3A_181 = vector.broadcast %parallel_loop3A_180 : f32 to vector<16xf32>
        %parallel_loop3A_182 = arith.mulf %parallel_loop3A_179, %parallel_loop3A_181 : vector<16xf32>
        %parallel_loop3A_183 = arith.constant 5.000000e-01 : f32
        %parallel_loop3A_184 = vector.broadcast %parallel_loop3A_183 : f32 to vector<16xf32>
        %parallel_loop3A_185 = arith.subf %parallel_loop3A_182, %parallel_loop3A_184 : vector<16xf32>
        %parallel_loop3A_186 = arith.constant 0.000000e+00 : f32
        %parallel_loop3A_187 = arith.constant 2.047000e+03 : f32
        %parallel_loop3A_188 = vector.broadcast %parallel_loop3A_186 : f32 to vector<16xf32>
        %parallel_loop3A_189 = arith.maximumf %parallel_loop3A_188, %parallel_loop3A_185 : vector<16xf32>
        %parallel_loop3A_190 = vector.broadcast %parallel_loop3A_187 : f32 to vector<16xf32>
        %parallel_loop3A_191 = arith.minimumf %parallel_loop3A_190, %parallel_loop3A_189 : vector<16xf32>
        %parallel_loop3A_192 = arith.fptosi %parallel_loop3A_191 : vector<16xf32> to vector<16xi32>
        %parallel_loop3A_193 = arith.sitofp %parallel_loop3A_192 : vector<16xi32> to vector<16xf32>
        %parallel_loop3A_194 = arith.subf %parallel_loop3A_191, %parallel_loop3A_193 : vector<16xf32>
        %parallel_loop3A_195 = arith.constant 1.000000e+00 : f32
        %parallel_loop3A_196 = vector.broadcast %parallel_loop3A_195 : f32 to vector<16xf32>
        %parallel_loop3A_197 = arith.subf %parallel_loop3A_196, %parallel_loop3A_194 : vector<16xf32>
        %parallel_loop3A_198 = arith.constant 1 : i32
        %parallel_loop3A_199 = vector.broadcast %parallel_loop3A_198 : i32 to vector<16xi32>
        %parallel_loop3A_200 = arith.addi %parallel_loop3A_192, %parallel_loop3A_199 : vector<16xi32>
        %parallel_loop3A_201 = arith.constant 2047 : i32
        %parallel_loop3A_202 = vector.broadcast %parallel_loop3A_201 : i32 to vector<16xi32>
        %parallel_loop3A_203 = arith.minsi %parallel_loop3A_200, %parallel_loop3A_202 : vector<16xi32>
        %parallel_loop3A_204 = arith.constant 7 : i32
        %parallel_loop3A_205 = vector.broadcast %parallel_loop3A_204 : i32 to vector<16xi32>
        %parallel_loop3A_206 = arith.shrsi %parallel_loop3A_192, %parallel_loop3A_205 : vector<16xi32>
        %parallel_loop3A_207 = arith.constant 10 : i32
        %parallel_loop3A_208 = vector.broadcast %parallel_loop3A_207 : i32 to vector<16xi32>
        %parallel_loop3A_209 = arith.shli %parallel_loop3A_206, %parallel_loop3A_208 : vector<16xi32>
        %parallel_loop3A_210 = arith.constant 127 : i32
        %parallel_loop3A_211 = vector.broadcast %parallel_loop3A_210 : i32 to vector<16xi32>
        %parallel_loop3A_212 = arith.andi %parallel_loop3A_192, %parallel_loop3A_211 : vector<16xi32>
        %parallel_loop3A_213 = arith.ori %parallel_loop3A_209, %parallel_loop3A_212 : vector<16xi32>
        %parallel_loop3A_214 = arith.constant 7 : i32
        %parallel_loop3A_215 = vector.broadcast %parallel_loop3A_214 : i32 to vector<16xi32>
        %parallel_loop3A_216 = arith.shrsi %parallel_loop3A_203, %parallel_loop3A_215 : vector<16xi32>
        %parallel_loop3A_217 = arith.constant 10 : i32
        %parallel_loop3A_218 = vector.broadcast %parallel_loop3A_217 : i32 to vector<16xi32>
        %parallel_loop3A_219 = arith.shli %parallel_loop3A_216, %parallel_loop3A_218 : vector<16xi32>
        %parallel_loop3A_220 = arith.constant 127 : i32
        %parallel_loop3A_221 = vector.broadcast %parallel_loop3A_220 : i32 to vector<16xi32>
        %parallel_loop3A_222 = arith.andi %parallel_loop3A_203, %parallel_loop3A_221 : vector<16xi32>
        %parallel_loop3A_223 = arith.ori %parallel_loop3A_219, %parallel_loop3A_222 : vector<16xi32>
        %parallel_loop3A_224 = arith.constant 0 : i32
        %parallel_loop3A_225 = tpu.memref_slice %arg5[%parallel_loop3A_224] : memref<32768xf32, #tpu.memory_space<vmem>> -> memref<15488xf32, #tpu.memory_space<vmem>>
        %parallel_loop3A_226 = tpu.vector_load_idx %parallel_loop3A_225[%parallel_loop3A_213] : memref<15488xf32, #tpu.memory_space<vmem>>[vector<16xi32>], vector<16xf32>,
        %parallel_loop3A_227 = arith.constant 128 : i32
        %parallel_loop3A_228 = tpu.memref_slice %arg5[%parallel_loop3A_227] : memref<32768xf32, #tpu.memory_space<vmem>> -> memref<15488xf32, #tpu.memory_space<vmem>>
        %parallel_loop3A_229 = tpu.vector_load_idx %parallel_loop3A_228[%parallel_loop3A_213] : memref<15488xf32, #tpu.memory_space<vmem>>[vector<16xi32>], vector<16xf32>,
        %parallel_loop3A_230 = arith.constant 256 : i32
        %parallel_loop3A_231 = tpu.memref_slice %arg5[%parallel_loop3A_230] : memref<32768xf32, #tpu.memory_space<vmem>> -> memref<15488xf32, #tpu.memory_space<vmem>>
        %parallel_loop3A_232 = tpu.vector_load_idx %parallel_loop3A_231[%parallel_loop3A_213] : memref<15488xf32, #tpu.memory_space<vmem>>[vector<16xi32>], vector<16xf32>,
        %parallel_loop3A_233 = arith.constant 384 : i32
        %parallel_loop3A_234 = tpu.memref_slice %arg5[%parallel_loop3A_233] : memref<32768xf32, #tpu.memory_space<vmem>> -> memref<15488xf32, #tpu.memory_space<vmem>>
        %parallel_loop3A_235 = tpu.vector_load_idx %parallel_loop3A_234[%parallel_loop3A_213] : memref<15488xf32, #tpu.memory_space<vmem>>[vector<16xi32>], vector<16xf32>,
        %parallel_loop3A_236 = arith.constant 512 : i32
        %parallel_loop3A_237 = tpu.memref_slice %arg5[%parallel_loop3A_236] : memref<32768xf32, #tpu.memory_space<vmem>> -> memref<15488xf32, #tpu.memory_space<vmem>>
        %parallel_loop3A_238 = tpu.vector_load_idx %parallel_loop3A_237[%parallel_loop3A_213] : memref<15488xf32, #tpu.memory_space<vmem>>[vector<16xi32>], vector<16xf32>,
        %parallel_loop3A_239 = arith.constant 640 : i32
        %parallel_loop3A_240 = tpu.memref_slice %arg5[%parallel_loop3A_239] : memref<32768xf32, #tpu.memory_space<vmem>> -> memref<15488xf32, #tpu.memory_space<vmem>>
        %parallel_loop3A_241 = tpu.vector_load_idx %parallel_loop3A_240[%parallel_loop3A_213] : memref<15488xf32, #tpu.memory_space<vmem>>[vector<16xi32>], vector<16xf32>,
        %parallel_loop3A_242 = arith.constant 768 : i32
        %parallel_loop3A_243 = tpu.memref_slice %arg5[%parallel_loop3A_242] : memref<32768xf32, #tpu.memory_space<vmem>> -> memref<15488xf32, #tpu.memory_space<vmem>>
        %parallel_loop3A_244 = tpu.vector_load_idx %parallel_loop3A_243[%parallel_loop3A_213] : memref<15488xf32, #tpu.memory_space<vmem>>[vector<16xi32>], vector<16xf32>,
        %parallel_loop3A_245 = arith.constant 896 : i32
        %parallel_loop3A_246 = tpu.memref_slice %arg5[%parallel_loop3A_245] : memref<32768xf32, #tpu.memory_space<vmem>> -> memref<15488xf32, #tpu.memory_space<vmem>>
        %parallel_loop3A_247 = tpu.vector_load_idx %parallel_loop3A_246[%parallel_loop3A_213] : memref<15488xf32, #tpu.memory_space<vmem>>[vector<16xi32>], vector<16xf32>,
        %parallel_loop3A_248 = arith.constant 16384 : i32
        %parallel_loop3A_249 = tpu.memref_slice %arg5[%parallel_loop3A_248] : memref<32768xf32, #tpu.memory_space<vmem>> -> memref<15488xf32, #tpu.memory_space<vmem>>
        %parallel_loop3A_250 = tpu.vector_load_idx %parallel_loop3A_249[%parallel_loop3A_213] : memref<15488xf32, #tpu.memory_space<vmem>>[vector<16xi32>], vector<16xf32>,
        %parallel_loop3A_251 = arith.constant 16512 : i32
        %parallel_loop3A_252 = tpu.memref_slice %arg5[%parallel_loop3A_251] : memref<32768xf32, #tpu.memory_space<vmem>> -> memref<15488xf32, #tpu.memory_space<vmem>>
        %parallel_loop3A_253 = tpu.vector_load_idx %parallel_loop3A_252[%parallel_loop3A_213] : memref<15488xf32, #tpu.memory_space<vmem>>[vector<16xi32>], vector<16xf32>,
        %parallel_loop3A_254 = arith.constant 16640 : i32
        %parallel_loop3A_255 = tpu.memref_slice %arg5[%parallel_loop3A_254] : memref<32768xf32, #tpu.memory_space<vmem>> -> memref<15488xf32, #tpu.memory_space<vmem>>
        %parallel_loop3A_256 = tpu.vector_load_idx %parallel_loop3A_255[%parallel_loop3A_213] : memref<15488xf32, #tpu.memory_space<vmem>>[vector<16xi32>], vector<16xf32>,
        %parallel_loop3A_257 = arith.constant 16768 : i32
        %parallel_loop3A_258 = tpu.memref_slice %arg5[%parallel_loop3A_257] : memref<32768xf32, #tpu.memory_space<vmem>> -> memref<15488xf32, #tpu.memory_space<vmem>>
        %parallel_loop3A_259 = tpu.vector_load_idx %parallel_loop3A_258[%parallel_loop3A_213] : memref<15488xf32, #tpu.memory_space<vmem>>[vector<16xi32>], vector<16xf32>,
        %parallel_loop3A_260 = arith.constant 16896 : i32
        %parallel_loop3A_261 = tpu.memref_slice %arg5[%parallel_loop3A_260] : memref<32768xf32, #tpu.memory_space<vmem>> -> memref<15488xf32, #tpu.memory_space<vmem>>
        %parallel_loop3A_262 = tpu.vector_load_idx %parallel_loop3A_261[%parallel_loop3A_213] : memref<15488xf32, #tpu.memory_space<vmem>>[vector<16xi32>], vector<16xf32>,
        %parallel_loop3A_263 = arith.constant 17024 : i32
        %parallel_loop3A_264 = tpu.memref_slice %arg5[%parallel_loop3A_263] : memref<32768xf32, #tpu.memory_space<vmem>> -> memref<15488xf32, #tpu.memory_space<vmem>>
        %parallel_loop3A_265 = tpu.vector_load_idx %parallel_loop3A_264[%parallel_loop3A_213] : memref<15488xf32, #tpu.memory_space<vmem>>[vector<16xi32>], vector<16xf32>,
        %parallel_loop3A_266 = arith.constant 17152 : i32
        %parallel_loop3A_267 = tpu.memref_slice %arg5[%parallel_loop3A_266] : memref<32768xf32, #tpu.memory_space<vmem>> -> memref<15488xf32, #tpu.memory_space<vmem>>
        %parallel_loop3A_268 = tpu.vector_load_idx %parallel_loop3A_267[%parallel_loop3A_213] : memref<15488xf32, #tpu.memory_space<vmem>>[vector<16xi32>], vector<16xf32>,
        %parallel_loop3A_269 = arith.constant 17280 : i32
        %parallel_loop3A_270 = tpu.memref_slice %arg5[%parallel_loop3A_269] : memref<32768xf32, #tpu.memory_space<vmem>> -> memref<15488xf32, #tpu.memory_space<vmem>>
        %parallel_loop3A_271 = tpu.vector_load_idx %parallel_loop3A_270[%parallel_loop3A_213] : memref<15488xf32, #tpu.memory_space<vmem>>[vector<16xi32>], vector<16xf32>,
        %parallel_loop3A_272 = arith.constant 0 : i32
        %parallel_loop3A_273 = tpu.memref_slice %arg5[%parallel_loop3A_272] : memref<32768xf32, #tpu.memory_space<vmem>> -> memref<15488xf32, #tpu.memory_space<vmem>>
        %parallel_loop3A_274 = tpu.vector_load_idx %parallel_loop3A_273[%parallel_loop3A_223] : memref<15488xf32, #tpu.memory_space<vmem>>[vector<16xi32>], vector<16xf32>,
        %parallel_loop3A_275 = arith.constant 128 : i32
        %parallel_loop3A_276 = tpu.memref_slice %arg5[%parallel_loop3A_275] : memref<32768xf32, #tpu.memory_space<vmem>> -> memref<15488xf32, #tpu.memory_space<vmem>>
        %parallel_loop3A_277 = tpu.vector_load_idx %parallel_loop3A_276[%parallel_loop3A_223] : memref<15488xf32, #tpu.memory_space<vmem>>[vector<16xi32>], vector<16xf32>,
        %parallel_loop3A_278 = arith.constant 256 : i32
        %parallel_loop3A_279 = tpu.memref_slice %arg5[%parallel_loop3A_278] : memref<32768xf32, #tpu.memory_space<vmem>> -> memref<15488xf32, #tpu.memory_space<vmem>>
        %parallel_loop3A_280 = tpu.vector_load_idx %parallel_loop3A_279[%parallel_loop3A_223] : memref<15488xf32, #tpu.memory_space<vmem>>[vector<16xi32>], vector<16xf32>,
        %parallel_loop3A_281 = arith.constant 384 : i32
        %parallel_loop3A_282 = tpu.memref_slice %arg5[%parallel_loop3A_281] : memref<32768xf32, #tpu.memory_space<vmem>> -> memref<15488xf32, #tpu.memory_space<vmem>>
        %parallel_loop3A_283 = tpu.vector_load_idx %parallel_loop3A_282[%parallel_loop3A_223] : memref<15488xf32, #tpu.memory_space<vmem>>[vector<16xi32>], vector<16xf32>,
        %parallel_loop3A_284 = arith.constant 512 : i32
        %parallel_loop3A_285 = tpu.memref_slice %arg5[%parallel_loop3A_284] : memref<32768xf32, #tpu.memory_space<vmem>> -> memref<15488xf32, #tpu.memory_space<vmem>>
        %parallel_loop3A_286 = tpu.vector_load_idx %parallel_loop3A_285[%parallel_loop3A_223] : memref<15488xf32, #tpu.memory_space<vmem>>[vector<16xi32>], vector<16xf32>,
        %parallel_loop3A_287 = arith.constant 640 : i32
        %parallel_loop3A_288 = tpu.memref_slice %arg5[%parallel_loop3A_287] : memref<32768xf32, #tpu.memory_space<vmem>> -> memref<15488xf32, #tpu.memory_space<vmem>>
        %parallel_loop3A_289 = tpu.vector_load_idx %parallel_loop3A_288[%parallel_loop3A_223] : memref<15488xf32, #tpu.memory_space<vmem>>[vector<16xi32>], vector<16xf32>,
        %parallel_loop3A_290 = arith.constant 768 : i32
        %parallel_loop3A_291 = tpu.memref_slice %arg5[%parallel_loop3A_290] : memref<32768xf32, #tpu.memory_space<vmem>> -> memref<15488xf32, #tpu.memory_space<vmem>>
        %parallel_loop3A_292 = tpu.vector_load_idx %parallel_loop3A_291[%parallel_loop3A_223] : memref<15488xf32, #tpu.memory_space<vmem>>[vector<16xi32>], vector<16xf32>,
        %parallel_loop3A_293 = arith.constant 896 : i32
        %parallel_loop3A_294 = tpu.memref_slice %arg5[%parallel_loop3A_293] : memref<32768xf32, #tpu.memory_space<vmem>> -> memref<15488xf32, #tpu.memory_space<vmem>>
        %parallel_loop3A_295 = tpu.vector_load_idx %parallel_loop3A_294[%parallel_loop3A_223] : memref<15488xf32, #tpu.memory_space<vmem>>[vector<16xi32>], vector<16xf32>,
        %parallel_loop3A_296 = arith.constant 16384 : i32
        %parallel_loop3A_297 = tpu.memref_slice %arg5[%parallel_loop3A_296] : memref<32768xf32, #tpu.memory_space<vmem>> -> memref<15488xf32, #tpu.memory_space<vmem>>
        %parallel_loop3A_298 = tpu.vector_load_idx %parallel_loop3A_297[%parallel_loop3A_223] : memref<15488xf32, #tpu.memory_space<vmem>>[vector<16xi32>], vector<16xf32>,
        %parallel_loop3A_299 = arith.constant 16512 : i32
        %parallel_loop3A_300 = tpu.memref_slice %arg5[%parallel_loop3A_299] : memref<32768xf32, #tpu.memory_space<vmem>> -> memref<15488xf32, #tpu.memory_space<vmem>>
        %parallel_loop3A_301 = tpu.vector_load_idx %parallel_loop3A_300[%parallel_loop3A_223] : memref<15488xf32, #tpu.memory_space<vmem>>[vector<16xi32>], vector<16xf32>,
        %parallel_loop3A_302 = arith.constant 16640 : i32
        %parallel_loop3A_303 = tpu.memref_slice %arg5[%parallel_loop3A_302] : memref<32768xf32, #tpu.memory_space<vmem>> -> memref<15488xf32, #tpu.memory_space<vmem>>
        %parallel_loop3A_304 = tpu.vector_load_idx %parallel_loop3A_303[%parallel_loop3A_223] : memref<15488xf32, #tpu.memory_space<vmem>>[vector<16xi32>], vector<16xf32>,
        %parallel_loop3A_305 = arith.constant 16768 : i32
        %parallel_loop3A_306 = tpu.memref_slice %arg5[%parallel_loop3A_305] : memref<32768xf32, #tpu.memory_space<vmem>> -> memref<15488xf32, #tpu.memory_space<vmem>>
        %parallel_loop3A_307 = tpu.vector_load_idx %parallel_loop3A_306[%parallel_loop3A_223] : memref<15488xf32, #tpu.memory_space<vmem>>[vector<16xi32>], vector<16xf32>,
        %parallel_loop3A_308 = arith.constant 16896 : i32
        %parallel_loop3A_309 = tpu.memref_slice %arg5[%parallel_loop3A_308] : memref<32768xf32, #tpu.memory_space<vmem>> -> memref<15488xf32, #tpu.memory_space<vmem>>
        %parallel_loop3A_310 = tpu.vector_load_idx %parallel_loop3A_309[%parallel_loop3A_223] : memref<15488xf32, #tpu.memory_space<vmem>>[vector<16xi32>], vector<16xf32>,
        %parallel_loop3A_311 = arith.constant 17024 : i32
        %parallel_loop3A_312 = tpu.memref_slice %arg5[%parallel_loop3A_311] : memref<32768xf32, #tpu.memory_space<vmem>> -> memref<15488xf32, #tpu.memory_space<vmem>>
        %parallel_loop3A_313 = tpu.vector_load_idx %parallel_loop3A_312[%parallel_loop3A_223] : memref<15488xf32, #tpu.memory_space<vmem>>[vector<16xi32>], vector<16xf32>,
        %parallel_loop3A_314 = arith.constant 17152 : i32
        %parallel_loop3A_315 = tpu.memref_slice %arg5[%parallel_loop3A_314] : memref<32768xf32, #tpu.memory_space<vmem>> -> memref<15488xf32, #tpu.memory_space<vmem>>
        %parallel_loop3A_316 = tpu.vector_load_idx %parallel_loop3A_315[%parallel_loop3A_223] : memref<15488xf32, #tpu.memory_space<vmem>>[vector<16xi32>], vector<16xf32>,
        %parallel_loop3A_317 = arith.constant 17280 : i32
        %parallel_loop3A_318 = tpu.memref_slice %arg5[%parallel_loop3A_317] : memref<32768xf32, #tpu.memory_space<vmem>> -> memref<15488xf32, #tpu.memory_space<vmem>>
        %parallel_loop3A_319 = tpu.vector_load_idx %parallel_loop3A_318[%parallel_loop3A_223] : memref<15488xf32, #tpu.memory_space<vmem>>[vector<16xi32>], vector<16xf32>,
        %parallel_loop3A_320 = arith.constant 7 : i32
        %parallel_loop3A_321 = arith.shrsi %parallel_loop3A_169, %parallel_loop3A_320 : i32
        %parallel_loop3A_322 = arith.constant 10 : i32
        %parallel_loop3A_323 = arith.shli %parallel_loop3A_321, %parallel_loop3A_322 : i32
        %parallel_loop3A_324 = arith.constant 127 : i32
        %parallel_loop3A_325 = arith.andi %parallel_loop3A_169, %parallel_loop3A_324 : i32
        %parallel_loop3A_326 = arith.ori %parallel_loop3A_323, %parallel_loop3A_325 : i32
        %parallel_loop3A_327 = arith.constant 0 : i32
        %parallel_loop3A_328 = arith.addi %parallel_loop3A_326, %parallel_loop3A_327 : i32
        %parallel_loop3A_329 = tpu.assume_multiple %parallel_loop3A_328, 16 : i32
        %parallel_loop3A_330 = arith.mulf %parallel_loop3A_226, %parallel_loop3A_197 : vector<16xf32>
        %parallel_loop3A_331 = arith.mulf %parallel_loop3A_274, %parallel_loop3A_194 : vector<16xf32>
        %parallel_loop3A_332 = arith.addf %parallel_loop3A_330, %parallel_loop3A_331 : vector<16xf32>
        %parallel_loop3A_333 = arith.constant 0 : i32
        %parallel_loop3A_334 = arith.index_cast %parallel_loop3A_333 : i32 to index
        %parallel_loop3A_335 = arith.index_cast %parallel_loop3A_329 : i32 to index
        %parallel_loop3A_336 = tpu.vector_load %arg10[%parallel_loop3A_334, %parallel_loop3A_335] {strides = array<i32>} : memref<2x8192xf32, #tpu.memory_space<vmem>>, vector<16xf32>,
        tpu.vector_store %arg10[%parallel_loop3A_334, %parallel_loop3A_335], %parallel_loop3A_332 {strides = array<i32>} : memref<2x8192xf32, #tpu.memory_space<vmem>>, vector<16xf32>,
        %parallel_loop3A_337 = arith.constant 128 : i32
        %parallel_loop3A_338 = arith.addi %parallel_loop3A_326, %parallel_loop3A_337 : i32
        %parallel_loop3A_339 = tpu.assume_multiple %parallel_loop3A_338, 16 : i32
        %parallel_loop3A_340 = arith.mulf %parallel_loop3A_229, %parallel_loop3A_197 : vector<16xf32>
        %parallel_loop3A_341 = arith.mulf %parallel_loop3A_277, %parallel_loop3A_194 : vector<16xf32>
        %parallel_loop3A_342 = arith.addf %parallel_loop3A_340, %parallel_loop3A_341 : vector<16xf32>
        %parallel_loop3A_343 = arith.constant 0 : i32
        %parallel_loop3A_344 = arith.index_cast %parallel_loop3A_343 : i32 to index
        %parallel_loop3A_345 = arith.index_cast %parallel_loop3A_339 : i32 to index
        %parallel_loop3A_346 = tpu.vector_load %arg10[%parallel_loop3A_344, %parallel_loop3A_345] {strides = array<i32>} : memref<2x8192xf32, #tpu.memory_space<vmem>>, vector<16xf32>,
        tpu.vector_store %arg10[%parallel_loop3A_344, %parallel_loop3A_345], %parallel_loop3A_342 {strides = array<i32>} : memref<2x8192xf32, #tpu.memory_space<vmem>>, vector<16xf32>,
        %parallel_loop3A_347 = arith.constant 256 : i32
        %parallel_loop3A_348 = arith.addi %parallel_loop3A_326, %parallel_loop3A_347 : i32
        %parallel_loop3A_349 = tpu.assume_multiple %parallel_loop3A_348, 16 : i32
        %parallel_loop3A_350 = arith.mulf %parallel_loop3A_232, %parallel_loop3A_197 : vector<16xf32>
        %parallel_loop3A_351 = arith.mulf %parallel_loop3A_280, %parallel_loop3A_194 : vector<16xf32>
        %parallel_loop3A_352 = arith.addf %parallel_loop3A_350, %parallel_loop3A_351 : vector<16xf32>
        %parallel_loop3A_353 = arith.constant 0 : i32
        %parallel_loop3A_354 = arith.index_cast %parallel_loop3A_353 : i32 to index
        %parallel_loop3A_355 = arith.index_cast %parallel_loop3A_349 : i32 to index
        %parallel_loop3A_356 = tpu.vector_load %arg10[%parallel_loop3A_354, %parallel_loop3A_355] {strides = array<i32>} : memref<2x8192xf32, #tpu.memory_space<vmem>>, vector<16xf32>,
        tpu.vector_store %arg10[%parallel_loop3A_354, %parallel_loop3A_355], %parallel_loop3A_352 {strides = array<i32>} : memref<2x8192xf32, #tpu.memory_space<vmem>>, vector<16xf32>,
        %parallel_loop3A_357 = arith.constant 384 : i32
        %parallel_loop3A_358 = arith.addi %parallel_loop3A_326, %parallel_loop3A_357 : i32
        %parallel_loop3A_359 = tpu.assume_multiple %parallel_loop3A_358, 16 : i32
        %parallel_loop3A_360 = arith.mulf %parallel_loop3A_235, %parallel_loop3A_197 : vector<16xf32>
        %parallel_loop3A_361 = arith.mulf %parallel_loop3A_283, %parallel_loop3A_194 : vector<16xf32>
        %parallel_loop3A_362 = arith.addf %parallel_loop3A_360, %parallel_loop3A_361 : vector<16xf32>
        %parallel_loop3A_363 = arith.constant 0 : i32
        %parallel_loop3A_364 = arith.index_cast %parallel_loop3A_363 : i32 to index
        %parallel_loop3A_365 = arith.index_cast %parallel_loop3A_359 : i32 to index
        %parallel_loop3A_366 = tpu.vector_load %arg10[%parallel_loop3A_364, %parallel_loop3A_365] {strides = array<i32>} : memref<2x8192xf32, #tpu.memory_space<vmem>>, vector<16xf32>,
        tpu.vector_store %arg10[%parallel_loop3A_364, %parallel_loop3A_365], %parallel_loop3A_362 {strides = array<i32>} : memref<2x8192xf32, #tpu.memory_space<vmem>>, vector<16xf32>,
        %parallel_loop3A_367 = arith.constant 512 : i32
        %parallel_loop3A_368 = arith.addi %parallel_loop3A_326, %parallel_loop3A_367 : i32
        %parallel_loop3A_369 = tpu.assume_multiple %parallel_loop3A_368, 16 : i32
        %parallel_loop3A_370 = arith.mulf %parallel_loop3A_238, %parallel_loop3A_197 : vector<16xf32>
        %parallel_loop3A_371 = arith.mulf %parallel_loop3A_286, %parallel_loop3A_194 : vector<16xf32>
        %parallel_loop3A_372 = arith.addf %parallel_loop3A_370, %parallel_loop3A_371 : vector<16xf32>
        %parallel_loop3A_373 = arith.constant 0 : i32
        %parallel_loop3A_374 = arith.index_cast %parallel_loop3A_373 : i32 to index
        %parallel_loop3A_375 = arith.index_cast %parallel_loop3A_369 : i32 to index
        %parallel_loop3A_376 = tpu.vector_load %arg10[%parallel_loop3A_374, %parallel_loop3A_375] {strides = array<i32>} : memref<2x8192xf32, #tpu.memory_space<vmem>>, vector<16xf32>,
        tpu.vector_store %arg10[%parallel_loop3A_374, %parallel_loop3A_375], %parallel_loop3A_372 {strides = array<i32>} : memref<2x8192xf32, #tpu.memory_space<vmem>>, vector<16xf32>,
        %parallel_loop3A_377 = arith.constant 640 : i32
        %parallel_loop3A_378 = arith.addi %parallel_loop3A_326, %parallel_loop3A_377 : i32
        %parallel_loop3A_379 = tpu.assume_multiple %parallel_loop3A_378, 16 : i32
        %parallel_loop3A_380 = arith.mulf %parallel_loop3A_241, %parallel_loop3A_197 : vector<16xf32>
        %parallel_loop3A_381 = arith.mulf %parallel_loop3A_289, %parallel_loop3A_194 : vector<16xf32>
        %parallel_loop3A_382 = arith.addf %parallel_loop3A_380, %parallel_loop3A_381 : vector<16xf32>
        %parallel_loop3A_383 = arith.constant 0 : i32
        %parallel_loop3A_384 = arith.index_cast %parallel_loop3A_383 : i32 to index
        %parallel_loop3A_385 = arith.index_cast %parallel_loop3A_379 : i32 to index
        %parallel_loop3A_386 = tpu.vector_load %arg10[%parallel_loop3A_384, %parallel_loop3A_385] {strides = array<i32>} : memref<2x8192xf32, #tpu.memory_space<vmem>>, vector<16xf32>,
        tpu.vector_store %arg10[%parallel_loop3A_384, %parallel_loop3A_385], %parallel_loop3A_382 {strides = array<i32>} : memref<2x8192xf32, #tpu.memory_space<vmem>>, vector<16xf32>,
        %parallel_loop3A_387 = arith.constant 768 : i32
        %parallel_loop3A_388 = arith.addi %parallel_loop3A_326, %parallel_loop3A_387 : i32
        %parallel_loop3A_389 = tpu.assume_multiple %parallel_loop3A_388, 16 : i32
        %parallel_loop3A_390 = arith.mulf %parallel_loop3A_244, %parallel_loop3A_197 : vector<16xf32>
        %parallel_loop3A_391 = arith.mulf %parallel_loop3A_292, %parallel_loop3A_194 : vector<16xf32>
        %parallel_loop3A_392 = arith.addf %parallel_loop3A_390, %parallel_loop3A_391 : vector<16xf32>
        %parallel_loop3A_393 = arith.constant 0 : i32
        %parallel_loop3A_394 = arith.index_cast %parallel_loop3A_393 : i32 to index
        %parallel_loop3A_395 = arith.index_cast %parallel_loop3A_389 : i32 to index
        %parallel_loop3A_396 = tpu.vector_load %arg10[%parallel_loop3A_394, %parallel_loop3A_395] {strides = array<i32>} : memref<2x8192xf32, #tpu.memory_space<vmem>>, vector<16xf32>,
        tpu.vector_store %arg10[%parallel_loop3A_394, %parallel_loop3A_395], %parallel_loop3A_392 {strides = array<i32>} : memref<2x8192xf32, #tpu.memory_space<vmem>>, vector<16xf32>,
        %parallel_loop3A_397 = arith.constant 896 : i32
        %parallel_loop3A_398 = arith.addi %parallel_loop3A_326, %parallel_loop3A_397 : i32
        %parallel_loop3A_399 = tpu.assume_multiple %parallel_loop3A_398, 16 : i32
        %parallel_loop3A_400 = arith.mulf %parallel_loop3A_247, %parallel_loop3A_197 : vector<16xf32>
        %parallel_loop3A_401 = arith.mulf %parallel_loop3A_295, %parallel_loop3A_194 : vector<16xf32>
        %parallel_loop3A_402 = arith.addf %parallel_loop3A_400, %parallel_loop3A_401 : vector<16xf32>
        %parallel_loop3A_403 = arith.constant 0 : i32
        %parallel_loop3A_404 = arith.index_cast %parallel_loop3A_403 : i32 to index
        %parallel_loop3A_405 = arith.index_cast %parallel_loop3A_399 : i32 to index
        %parallel_loop3A_406 = tpu.vector_load %arg10[%parallel_loop3A_404, %parallel_loop3A_405] {strides = array<i32>} : memref<2x8192xf32, #tpu.memory_space<vmem>>, vector<16xf32>,
        tpu.vector_store %arg10[%parallel_loop3A_404, %parallel_loop3A_405], %parallel_loop3A_402 {strides = array<i32>} : memref<2x8192xf32, #tpu.memory_space<vmem>>, vector<16xf32>,
        %parallel_loop3A_407 = arith.constant 0 : i32
        %parallel_loop3A_408 = arith.addi %parallel_loop3A_326, %parallel_loop3A_407 : i32
        %parallel_loop3A_409 = tpu.assume_multiple %parallel_loop3A_408, 16 : i32
        %parallel_loop3A_410 = arith.mulf %parallel_loop3A_250, %parallel_loop3A_197 : vector<16xf32>
        %parallel_loop3A_411 = arith.mulf %parallel_loop3A_298, %parallel_loop3A_194 : vector<16xf32>
        %parallel_loop3A_412 = arith.addf %parallel_loop3A_410, %parallel_loop3A_411 : vector<16xf32>
        %parallel_loop3A_413 = arith.constant 1 : i32
        %parallel_loop3A_414 = arith.index_cast %parallel_loop3A_413 : i32 to index
        %parallel_loop3A_415 = arith.index_cast %parallel_loop3A_409 : i32 to index
        %parallel_loop3A_416 = tpu.vector_load %arg10[%parallel_loop3A_414, %parallel_loop3A_415] {strides = array<i32>} : memref<2x8192xf32, #tpu.memory_space<vmem>>, vector<16xf32>,
        tpu.vector_store %arg10[%parallel_loop3A_414, %parallel_loop3A_415], %parallel_loop3A_412 {strides = array<i32>} : memref<2x8192xf32, #tpu.memory_space<vmem>>, vector<16xf32>,
        %parallel_loop3A_417 = arith.constant 128 : i32
        %parallel_loop3A_418 = arith.addi %parallel_loop3A_326, %parallel_loop3A_417 : i32
        %parallel_loop3A_419 = tpu.assume_multiple %parallel_loop3A_418, 16 : i32
        %parallel_loop3A_420 = arith.mulf %parallel_loop3A_253, %parallel_loop3A_197 : vector<16xf32>
        %parallel_loop3A_421 = arith.mulf %parallel_loop3A_301, %parallel_loop3A_194 : vector<16xf32>
        %parallel_loop3A_422 = arith.addf %parallel_loop3A_420, %parallel_loop3A_421 : vector<16xf32>
        %parallel_loop3A_423 = arith.constant 1 : i32
        %parallel_loop3A_424 = arith.index_cast %parallel_loop3A_423 : i32 to index
        %parallel_loop3A_425 = arith.index_cast %parallel_loop3A_419 : i32 to index
        %parallel_loop3A_426 = tpu.vector_load %arg10[%parallel_loop3A_424, %parallel_loop3A_425] {strides = array<i32>} : memref<2x8192xf32, #tpu.memory_space<vmem>>, vector<16xf32>,
        tpu.vector_store %arg10[%parallel_loop3A_424, %parallel_loop3A_425], %parallel_loop3A_422 {strides = array<i32>} : memref<2x8192xf32, #tpu.memory_space<vmem>>, vector<16xf32>,
        %parallel_loop3A_427 = arith.constant 256 : i32
        %parallel_loop3A_428 = arith.addi %parallel_loop3A_326, %parallel_loop3A_427 : i32
        %parallel_loop3A_429 = tpu.assume_multiple %parallel_loop3A_428, 16 : i32
        %parallel_loop3A_430 = arith.mulf %parallel_loop3A_256, %parallel_loop3A_197 : vector<16xf32>
        %parallel_loop3A_431 = arith.mulf %parallel_loop3A_304, %parallel_loop3A_194 : vector<16xf32>
        %parallel_loop3A_432 = arith.addf %parallel_loop3A_430, %parallel_loop3A_431 : vector<16xf32>
        %parallel_loop3A_433 = arith.constant 1 : i32
        %parallel_loop3A_434 = arith.index_cast %parallel_loop3A_433 : i32 to index
        %parallel_loop3A_435 = arith.index_cast %parallel_loop3A_429 : i32 to index
        %parallel_loop3A_436 = tpu.vector_load %arg10[%parallel_loop3A_434, %parallel_loop3A_435] {strides = array<i32>} : memref<2x8192xf32, #tpu.memory_space<vmem>>, vector<16xf32>,
        tpu.vector_store %arg10[%parallel_loop3A_434, %parallel_loop3A_435], %parallel_loop3A_432 {strides = array<i32>} : memref<2x8192xf32, #tpu.memory_space<vmem>>, vector<16xf32>,
        %parallel_loop3A_437 = arith.constant 384 : i32
        %parallel_loop3A_438 = arith.addi %parallel_loop3A_326, %parallel_loop3A_437 : i32
        %parallel_loop3A_439 = tpu.assume_multiple %parallel_loop3A_438, 16 : i32
        %parallel_loop3A_440 = arith.mulf %parallel_loop3A_259, %parallel_loop3A_197 : vector<16xf32>
        %parallel_loop3A_441 = arith.mulf %parallel_loop3A_307, %parallel_loop3A_194 : vector<16xf32>
        %parallel_loop3A_442 = arith.addf %parallel_loop3A_440, %parallel_loop3A_441 : vector<16xf32>
        %parallel_loop3A_443 = arith.constant 1 : i32
        %parallel_loop3A_444 = arith.index_cast %parallel_loop3A_443 : i32 to index
        %parallel_loop3A_445 = arith.index_cast %parallel_loop3A_439 : i32 to index
        %parallel_loop3A_446 = tpu.vector_load %arg10[%parallel_loop3A_444, %parallel_loop3A_445] {strides = array<i32>} : memref<2x8192xf32, #tpu.memory_space<vmem>>, vector<16xf32>,
        tpu.vector_store %arg10[%parallel_loop3A_444, %parallel_loop3A_445], %parallel_loop3A_442 {strides = array<i32>} : memref<2x8192xf32, #tpu.memory_space<vmem>>, vector<16xf32>,
        %parallel_loop3A_447 = arith.constant 512 : i32
        %parallel_loop3A_448 = arith.addi %parallel_loop3A_326, %parallel_loop3A_447 : i32
        %parallel_loop3A_449 = tpu.assume_multiple %parallel_loop3A_448, 16 : i32
        %parallel_loop3A_450 = arith.mulf %parallel_loop3A_262, %parallel_loop3A_197 : vector<16xf32>
        %parallel_loop3A_451 = arith.mulf %parallel_loop3A_310, %parallel_loop3A_194 : vector<16xf32>
        %parallel_loop3A_452 = arith.addf %parallel_loop3A_450, %parallel_loop3A_451 : vector<16xf32>
        %parallel_loop3A_453 = arith.constant 1 : i32
        %parallel_loop3A_454 = arith.index_cast %parallel_loop3A_453 : i32 to index
        %parallel_loop3A_455 = arith.index_cast %parallel_loop3A_449 : i32 to index
        %parallel_loop3A_456 = tpu.vector_load %arg10[%parallel_loop3A_454, %parallel_loop3A_455] {strides = array<i32>} : memref<2x8192xf32, #tpu.memory_space<vmem>>, vector<16xf32>,
        tpu.vector_store %arg10[%parallel_loop3A_454, %parallel_loop3A_455], %parallel_loop3A_452 {strides = array<i32>} : memref<2x8192xf32, #tpu.memory_space<vmem>>, vector<16xf32>,
        %parallel_loop3A_457 = arith.constant 640 : i32
        %parallel_loop3A_458 = arith.addi %parallel_loop3A_326, %parallel_loop3A_457 : i32
        %parallel_loop3A_459 = tpu.assume_multiple %parallel_loop3A_458, 16 : i32
        %parallel_loop3A_460 = arith.mulf %parallel_loop3A_265, %parallel_loop3A_197 : vector<16xf32>
        %parallel_loop3A_461 = arith.mulf %parallel_loop3A_313, %parallel_loop3A_194 : vector<16xf32>
        %parallel_loop3A_462 = arith.addf %parallel_loop3A_460, %parallel_loop3A_461 : vector<16xf32>
        %parallel_loop3A_463 = arith.constant 1 : i32
        %parallel_loop3A_464 = arith.index_cast %parallel_loop3A_463 : i32 to index
        %parallel_loop3A_465 = arith.index_cast %parallel_loop3A_459 : i32 to index
        %parallel_loop3A_466 = tpu.vector_load %arg10[%parallel_loop3A_464, %parallel_loop3A_465] {strides = array<i32>} : memref<2x8192xf32, #tpu.memory_space<vmem>>, vector<16xf32>,
        tpu.vector_store %arg10[%parallel_loop3A_464, %parallel_loop3A_465], %parallel_loop3A_462 {strides = array<i32>} : memref<2x8192xf32, #tpu.memory_space<vmem>>, vector<16xf32>,
        %parallel_loop3A_467 = arith.constant 768 : i32
        %parallel_loop3A_468 = arith.addi %parallel_loop3A_326, %parallel_loop3A_467 : i32
        %parallel_loop3A_469 = tpu.assume_multiple %parallel_loop3A_468, 16 : i32
        %parallel_loop3A_470 = arith.mulf %parallel_loop3A_268, %parallel_loop3A_197 : vector<16xf32>
        %parallel_loop3A_471 = arith.mulf %parallel_loop3A_316, %parallel_loop3A_194 : vector<16xf32>
        %parallel_loop3A_472 = arith.addf %parallel_loop3A_470, %parallel_loop3A_471 : vector<16xf32>
        %parallel_loop3A_473 = arith.constant 1 : i32
        %parallel_loop3A_474 = arith.index_cast %parallel_loop3A_473 : i32 to index
        %parallel_loop3A_475 = arith.index_cast %parallel_loop3A_469 : i32 to index
        %parallel_loop3A_476 = tpu.vector_load %arg10[%parallel_loop3A_474, %parallel_loop3A_475] {strides = array<i32>} : memref<2x8192xf32, #tpu.memory_space<vmem>>, vector<16xf32>,
        tpu.vector_store %arg10[%parallel_loop3A_474, %parallel_loop3A_475], %parallel_loop3A_472 {strides = array<i32>} : memref<2x8192xf32, #tpu.memory_space<vmem>>, vector<16xf32>,
        %parallel_loop3A_477 = arith.constant 896 : i32
        %parallel_loop3A_478 = arith.addi %parallel_loop3A_326, %parallel_loop3A_477 : i32
        %parallel_loop3A_479 = tpu.assume_multiple %parallel_loop3A_478, 16 : i32
        %parallel_loop3A_480 = arith.mulf %parallel_loop3A_271, %parallel_loop3A_197 : vector<16xf32>
        %parallel_loop3A_481 = arith.mulf %parallel_loop3A_319, %parallel_loop3A_194 : vector<16xf32>
        %parallel_loop3A_482 = arith.addf %parallel_loop3A_480, %parallel_loop3A_481 : vector<16xf32>
        %parallel_loop3A_483 = arith.constant 1 : i32
        %parallel_loop3A_484 = arith.index_cast %parallel_loop3A_483 : i32 to index
        %parallel_loop3A_485 = arith.index_cast %parallel_loop3A_479 : i32 to index
        %parallel_loop3A_486 = tpu.vector_load %arg10[%parallel_loop3A_484, %parallel_loop3A_485] {strides = array<i32>} : memref<2x8192xf32, #tpu.memory_space<vmem>>, vector<16xf32>,
        tpu.vector_store %arg10[%parallel_loop3A_484, %parallel_loop3A_485], %parallel_loop3A_482 {strides = array<i32>} : memref<2x8192xf32, #tpu.memory_space<vmem>>, vector<16xf32>,
      } {sc.loop_unroll_factor = 2 : i64, sc.parallel_access}
      %dma_start3A_94 = arith.constant 1 : i32
      %dma_start3A_95 = arith.constant 0 : i32
      %dma_start3A_96 = arith.constant 0 : i32
      %dma_start3A_97 = tpu.memref_slice %arg4[%add3A_70, %dma_start3A_95, %dma_start3A_94, %dma_start3A_96] : memref<1024x2x2x8192xf32, #tpu.memory_space<hbm>> -> memref<1x2x1x8192xf32, #tpu.memory_space<hbm>>
      %dma_start3A_98 = tpu.memref_squeeze %dma_start3A_97 : memref<1x2x1x8192xf32, #tpu.memory_space<hbm>> -> memref<2x8192xf32, #tpu.memory_space<hbm>>
      %dma_start3A_99 = arith.constant 0 : i32
      %dma_start3A_100 = arith.constant 0 : i32
      %dma_start3A_101 = tpu.memref_slice %arg4[%add3A_70, %dma_start3A_99, %dma_start3A_94, %dma_start3A_100] : memref<1024x2x2x8192xf32, #tpu.memory_space<hbm>> -> memref<1x2x1x8192xf32, #tpu.memory_space<hbm>>
      %dma_start3A_102 = tpu.memref_squeeze %dma_start3A_101 : memref<1x2x1x8192xf32, #tpu.memory_space<hbm>> -> memref<2x8192xf32, #tpu.memory_space<hbm>>
      tpu.enqueue_dma source(%arg10 : memref<2x8192xf32, #tpu.memory_space<vmem>>) target(%dma_start3A_102 : memref<2x8192xf32, #tpu.memory_space<hbm>>) target_semaphore(%arg16 : memref<!tpu.dma_semaphore, #tpu.memory_space<semaphore_mem>>)
      %mul3A_103 = arith.constant 2 : i32
      %mul3A_104 = arith.muli %scan3A_44, %mul3A_103 : i32
      %add3A_105 = arith.constant 1 : i32
      %add3A_106 = arith.addi %mul3A_104, %add3A_105 : i32
      %add3A_107 = arith.constant 1 : i32
      %add3A_108 = arith.addi %add3A_106, %add3A_107 : i32
      %lt3A_109 = arith.constant 32 : i32
      %lt3A_110 = arith.cmpi slt, %add3A_108, %lt3A_109 : i32
      %convert_element_type3A_111 = arith.extui %lt3A_110 : i1 to i32
      %cond3A_112 = arith.constant 0 : i32
      %cond3A_113 = arith.cmpi ne, %convert_element_type3A_111, %cond3A_112 : i32
      scf.if %cond3A_113 {
        %add3A_166 = arith.constant 1 : i32
        %add3A_167 = arith.addi %add3A_106, %add3A_166 : i32
        %add3A_168 = arith.addi %mul3A_2, %add3A_167 : i32
        %dma_start3A_169 = arith.constant 0 : i32
        %dma_start3A_170 = tpu.memref_slice %arg3[%add3A_168, %dma_start3A_169] : memref<1024x32768xf32, #tpu.memory_space<hbm>> -> memref<1x32768xf32, #tpu.memory_space<hbm>>
        %dma_start3A_171 = tpu.memref_squeeze %dma_start3A_170 : memref<1x32768xf32, #tpu.memory_space<hbm>> -> memref<32768xf32, #tpu.memory_space<hbm>>
        %dma_start3A_172 = arith.constant 0 : i32
        %dma_start3A_173 = tpu.memref_slice %arg3[%add3A_168, %dma_start3A_172] : memref<1024x32768xf32, #tpu.memory_space<hbm>> -> memref<1x32768xf32, #tpu.memory_space<hbm>>
        %dma_start3A_174 = tpu.memref_squeeze %dma_start3A_173 : memref<1x32768xf32, #tpu.memory_space<hbm>> -> memref<32768xf32, #tpu.memory_space<hbm>>
        tpu.enqueue_dma source(%dma_start3A_174 : memref<32768xf32, #tpu.memory_space<hbm>>) target(%arg5 : memref<32768xf32, #tpu.memory_space<vmem>>) target_semaphore(%arg11 : memref<!tpu.dma_semaphore, #tpu.memory_space<semaphore_mem>>)
        %shift_right_arithmetic3A_175 = arith.constant 3 : i32
        %shift_right_arithmetic3A_176 = arith.shrsi %add3A_168, %shift_right_arithmetic3A_175 : i32
        %and3A_177 = arith.constant 7 : i32
        %and3A_178 = arith.andi %add3A_168, %and3A_177 : i32
        %dma_start3A_179 = arith.constant 0 : i32
        %dma_start3A_180 = arith.constant 0 : i32
        %dma_start3A_181 = tpu.memref_slice %arg2[%shift_right_arithmetic3A_176, %dma_start3A_179, %and3A_178, %dma_start3A_180] : memref<128x16x8x128xf32, #tpu.memory_space<hbm>> -> memref<1x16x1x128xf32, #tpu.memory_space<hbm>>
        %dma_start3A_182 = tpu.memref_squeeze %dma_start3A_181 : memref<1x16x1x128xf32, #tpu.memory_space<hbm>> -> memref<16x128xf32, #tpu.memory_space<hbm>>
        %dma_start3A_183 = arith.constant 0 : i32
        %dma_start3A_184 = arith.constant 0 : i32
        %dma_start3A_185 = tpu.memref_slice %arg2[%shift_right_arithmetic3A_176, %dma_start3A_183, %and3A_178, %dma_start3A_184] : memref<128x16x8x128xf32, #tpu.memory_space<hbm>> -> memref<1x16x1x128xf32, #tpu.memory_space<hbm>>
        %dma_start3A_186 = tpu.memref_squeeze %dma_start3A_185 : memref<1x16x1x128xf32, #tpu.memory_space<hbm>> -> memref<16x128xf32, #tpu.memory_space<hbm>>
        tpu.enqueue_dma source(%dma_start3A_186 : memref<16x128xf32, #tpu.memory_space<hbm>>) target(%arg7 : memref<16x128xf32, #tpu.memory_space<vmem>>) target_semaphore(%arg13 : memref<!tpu.dma_semaphore, #tpu.memory_space<semaphore_mem>>)
      } else {
      }
      %dma_wait3A_114 = arith.constant 0 : i32
      %dma_wait3A_115 = arith.constant 0 : i32
      %dma_wait3A_116 = tpu.memref_slice %arg3[%dma_wait3A_114, %dma_wait3A_115] : memref<1024x32768xf32, #tpu.memory_space<hbm>> -> memref<1x32768xf32, #tpu.memory_space<hbm>>
      %dma_wait3A_117 = tpu.memref_squeeze %dma_wait3A_116 : memref<1x32768xf32, #tpu.memory_space<hbm>> -> memref<32768xf32, #tpu.memory_space<hbm>>
      %dma_wait3A_118 = arith.constant 0 : i32
      %dma_wait3A_119 = tpu.memref_slice %arg3[%dma_wait3A_114, %dma_wait3A_118] : memref<1024x32768xf32, #tpu.memory_space<hbm>> -> memref<1x32768xf32, #tpu.memory_space<hbm>>
      %dma_wait3A_120 = tpu.memref_squeeze %dma_wait3A_119 : memref<1x32768xf32, #tpu.memory_space<hbm>> -> memref<32768xf32, #tpu.memory_space<hbm>>
      tpu.wait_dma2 semaphore(%arg12 : memref<!tpu.dma_semaphore, #tpu.memory_space<semaphore_mem>>) src(%dma_wait3A_120 : memref<32768xf32, #tpu.memory_space<hbm>>) dst(%arg6 : memref<32768xf32, #tpu.memory_space<vmem>>)
      %dma_wait3A_121 = arith.constant 0 : i32
      %dma_wait3A_122 = arith.constant 0 : i32
      %dma_wait3A_123 = arith.constant 0 : i32
      %dma_wait3A_124 = arith.constant 0 : i32
      %dma_wait3A_125 = tpu.memref_slice %arg2[%dma_wait3A_121, %dma_wait3A_123, %dma_wait3A_122, %dma_wait3A_124] : memref<128x16x8x128xf32, #tpu.memory_space<hbm>> -> memref<1x16x1x128xf32, #tpu.memory_space<hbm>>
      %dma_wait3A_126 = tpu.memref_squeeze %dma_wait3A_125 : memref<1x16x1x128xf32, #tpu.memory_space<hbm>> -> memref<16x128xf32, #tpu.memory_space<hbm>>
      %dma_wait3A_127 = arith.constant 0 : i32
      %dma_wait3A_128 = arith.constant 0 : i32
      %dma_wait3A_129 = tpu.memref_slice %arg2[%dma_wait3A_121, %dma_wait3A_127, %dma_wait3A_122, %dma_wait3A_128] : memref<128x16x8x128xf32, #tpu.memory_space<hbm>> -> memref<1x16x1x128xf32, #tpu.memory_space<hbm>>
      %dma_wait3A_130 = tpu.memref_squeeze %dma_wait3A_129 : memref<1x16x1x128xf32, #tpu.memory_space<hbm>> -> memref<16x128xf32, #tpu.memory_space<hbm>>
      tpu.wait_dma2 semaphore(%arg14 : memref<!tpu.dma_semaphore, #tpu.memory_space<semaphore_mem>>) src(%dma_wait3A_130 : memref<16x128xf32, #tpu.memory_space<hbm>>) dst(%arg8 : memref<16x128xf32, #tpu.memory_space<vmem>>)
      %add3A_131 = arith.addi %mul3A_2, %add3A_106 : i32
      %gt3A_132 = arith.constant 0 : i32
      %gt3A_133 = arith.cmpi sgt, %add3A_106, %gt3A_132 : i32
      %convert_element_type3A_134 = arith.extui %gt3A_133 : i1 to i32
      %cond3A_135 = arith.constant 0 : i32
      %cond3A_136 = arith.cmpi ne, %convert_element_type3A_134, %cond3A_135 : i32
      scf.if %cond3A_136 {
        %dma_wait3A_166 = arith.constant 0 : i32
        %dma_wait3A_167 = arith.constant 0 : i32
        %dma_wait3A_168 = arith.constant 0 : i32
        %dma_wait3A_169 = arith.constant 0 : i32
        %dma_wait3A_170 = tpu.memref_slice %arg4[%dma_wait3A_166, %dma_wait3A_168, %dma_wait3A_167, %dma_wait3A_169] : memref<1024x2x2x8192xf32, #tpu.memory_space<hbm>> -> memref<1x2x1x8192xf32, #tpu.memory_space<hbm>>
        %dma_wait3A_171 = tpu.memref_squeeze %dma_wait3A_170 : memref<1x2x1x8192xf32, #tpu.memory_space<hbm>> -> memref<2x8192xf32, #tpu.memory_space<hbm>>
        %dma_wait3A_172 = arith.constant 0 : i32
        %dma_wait3A_173 = arith.constant 0 : i32
        %dma_wait3A_174 = tpu.memref_slice %arg4[%dma_wait3A_166, %dma_wait3A_172, %dma_wait3A_167, %dma_wait3A_173] : memref<1024x2x2x8192xf32, #tpu.memory_space<hbm>> -> memref<1x2x1x8192xf32, #tpu.memory_space<hbm>>
        %dma_wait3A_175 = tpu.memref_squeeze %dma_wait3A_174 : memref<1x2x1x8192xf32, #tpu.memory_space<hbm>> -> memref<2x8192xf32, #tpu.memory_space<hbm>>
        tpu.wait_dma2 semaphore(%arg15 : memref<!tpu.dma_semaphore, #tpu.memory_space<semaphore_mem>>) src(%arg9 : memref<2x8192xf32, #tpu.memory_space<vmem>>) dst(%dma_wait3A_175 : memref<2x8192xf32, #tpu.memory_space<hbm>>)
      } else {
      }
      %parallel_loop3A_137 = arith.constant 0 : i32
      %parallel_loop3A_138 = arith.constant 64 : i32
      %parallel_loop3A_139 = arith.constant 1 : i32
      scf.for %parallel_loop3A_166 = %parallel_loop3A_137 to %parallel_loop3A_138 step %parallel_loop3A_139  : i32 {
        %parallel_loop3A_167 = arith.constant 16 : i32
        %parallel_loop3A_168 = arith.muli %parallel_loop3A_166, %parallel_loop3A_167 : i32
        %parallel_loop3A_169 = tpu.assume_multiple %parallel_loop3A_168, 16 : i32
        %parallel_loop3A_170 = arith.constant 0 : i32
        %parallel_loop3A_171 = arith.addi %parallel_loop3A_170, %parallel_loop3A_169 : i32
        %parallel_loop3A_172 = arith.constant 7 : i32
        %parallel_loop3A_173 = arith.shrsi %parallel_loop3A_171, %parallel_loop3A_172 : i32
        %parallel_loop3A_174 = arith.constant 127 : i32
        %parallel_loop3A_175 = arith.andi %parallel_loop3A_171, %parallel_loop3A_174 : i32
        %parallel_loop3A_176 = tpu.assume_multiple %parallel_loop3A_175, 16 : i32
        %parallel_loop3A_177 = arith.index_cast %parallel_loop3A_173 : i32 to index
        %parallel_loop3A_178 = arith.index_cast %parallel_loop3A_176 : i32 to index
        %parallel_loop3A_179 = tpu.vector_load %arg8[%parallel_loop3A_177, %parallel_loop3A_178] {strides = array<i32>} : memref<16x128xf32, #tpu.memory_space<vmem>>, vector<16xf32>,
        %parallel_loop3A_180 = arith.constant 2.048000e+03 : f32
        %parallel_loop3A_181 = vector.broadcast %parallel_loop3A_180 : f32 to vector<16xf32>
        %parallel_loop3A_182 = arith.mulf %parallel_loop3A_179, %parallel_loop3A_181 : vector<16xf32>
        %parallel_loop3A_183 = arith.constant 5.000000e-01 : f32
        %parallel_loop3A_184 = vector.broadcast %parallel_loop3A_183 : f32 to vector<16xf32>
        %parallel_loop3A_185 = arith.subf %parallel_loop3A_182, %parallel_loop3A_184 : vector<16xf32>
        %parallel_loop3A_186 = arith.constant 0.000000e+00 : f32
        %parallel_loop3A_187 = arith.constant 2.047000e+03 : f32
        %parallel_loop3A_188 = vector.broadcast %parallel_loop3A_186 : f32 to vector<16xf32>
        %parallel_loop3A_189 = arith.maximumf %parallel_loop3A_188, %parallel_loop3A_185 : vector<16xf32>
        %parallel_loop3A_190 = vector.broadcast %parallel_loop3A_187 : f32 to vector<16xf32>
        %parallel_loop3A_191 = arith.minimumf %parallel_loop3A_190, %parallel_loop3A_189 : vector<16xf32>
        %parallel_loop3A_192 = arith.fptosi %parallel_loop3A_191 : vector<16xf32> to vector<16xi32>
        %parallel_loop3A_193 = arith.sitofp %parallel_loop3A_192 : vector<16xi32> to vector<16xf32>
        %parallel_loop3A_194 = arith.subf %parallel_loop3A_191, %parallel_loop3A_193 : vector<16xf32>
        %parallel_loop3A_195 = arith.constant 1.000000e+00 : f32
        %parallel_loop3A_196 = vector.broadcast %parallel_loop3A_195 : f32 to vector<16xf32>
        %parallel_loop3A_197 = arith.subf %parallel_loop3A_196, %parallel_loop3A_194 : vector<16xf32>
        %parallel_loop3A_198 = arith.constant 1 : i32
        %parallel_loop3A_199 = vector.broadcast %parallel_loop3A_198 : i32 to vector<16xi32>
        %parallel_loop3A_200 = arith.addi %parallel_loop3A_192, %parallel_loop3A_199 : vector<16xi32>
        %parallel_loop3A_201 = arith.constant 2047 : i32
        %parallel_loop3A_202 = vector.broadcast %parallel_loop3A_201 : i32 to vector<16xi32>
        %parallel_loop3A_203 = arith.minsi %parallel_loop3A_200, %parallel_loop3A_202 : vector<16xi32>
        %parallel_loop3A_204 = arith.constant 7 : i32
        %parallel_loop3A_205 = vector.broadcast %parallel_loop3A_204 : i32 to vector<16xi32>
        %parallel_loop3A_206 = arith.shrsi %parallel_loop3A_192, %parallel_loop3A_205 : vector<16xi32>
        %parallel_loop3A_207 = arith.constant 10 : i32
        %parallel_loop3A_208 = vector.broadcast %parallel_loop3A_207 : i32 to vector<16xi32>
        %parallel_loop3A_209 = arith.shli %parallel_loop3A_206, %parallel_loop3A_208 : vector<16xi32>
        %parallel_loop3A_210 = arith.constant 127 : i32
        %parallel_loop3A_211 = vector.broadcast %parallel_loop3A_210 : i32 to vector<16xi32>
        %parallel_loop3A_212 = arith.andi %parallel_loop3A_192, %parallel_loop3A_211 : vector<16xi32>
        %parallel_loop3A_213 = arith.ori %parallel_loop3A_209, %parallel_loop3A_212 : vector<16xi32>
        %parallel_loop3A_214 = arith.constant 7 : i32
        %parallel_loop3A_215 = vector.broadcast %parallel_loop3A_214 : i32 to vector<16xi32>
        %parallel_loop3A_216 = arith.shrsi %parallel_loop3A_203, %parallel_loop3A_215 : vector<16xi32>
        %parallel_loop3A_217 = arith.constant 10 : i32
        %parallel_loop3A_218 = vector.broadcast %parallel_loop3A_217 : i32 to vector<16xi32>
        %parallel_loop3A_219 = arith.shli %parallel_loop3A_216, %parallel_loop3A_218 : vector<16xi32>
        %parallel_loop3A_220 = arith.constant 127 : i32
        %parallel_loop3A_221 = vector.broadcast %parallel_loop3A_220 : i32 to vector<16xi32>
        %parallel_loop3A_222 = arith.andi %parallel_loop3A_203, %parallel_loop3A_221 : vector<16xi32>
        %parallel_loop3A_223 = arith.ori %parallel_loop3A_219, %parallel_loop3A_222 : vector<16xi32>
        %parallel_loop3A_224 = arith.constant 0 : i32
        %parallel_loop3A_225 = tpu.memref_slice %arg6[%parallel_loop3A_224] : memref<32768xf32, #tpu.memory_space<vmem>> -> memref<15488xf32, #tpu.memory_space<vmem>>
        %parallel_loop3A_226 = tpu.vector_load_idx %parallel_loop3A_225[%parallel_loop3A_213] : memref<15488xf32, #tpu.memory_space<vmem>>[vector<16xi32>], vector<16xf32>,
        %parallel_loop3A_227 = arith.constant 128 : i32
        %parallel_loop3A_228 = tpu.memref_slice %arg6[%parallel_loop3A_227] : memref<32768xf32, #tpu.memory_space<vmem>> -> memref<15488xf32, #tpu.memory_space<vmem>>
        %parallel_loop3A_229 = tpu.vector_load_idx %parallel_loop3A_228[%parallel_loop3A_213] : memref<15488xf32, #tpu.memory_space<vmem>>[vector<16xi32>], vector<16xf32>,
        %parallel_loop3A_230 = arith.constant 256 : i32
        %parallel_loop3A_231 = tpu.memref_slice %arg6[%parallel_loop3A_230] : memref<32768xf32, #tpu.memory_space<vmem>> -> memref<15488xf32, #tpu.memory_space<vmem>>
        %parallel_loop3A_232 = tpu.vector_load_idx %parallel_loop3A_231[%parallel_loop3A_213] : memref<15488xf32, #tpu.memory_space<vmem>>[vector<16xi32>], vector<16xf32>,
        %parallel_loop3A_233 = arith.constant 384 : i32
        %parallel_loop3A_234 = tpu.memref_slice %arg6[%parallel_loop3A_233] : memref<32768xf32, #tpu.memory_space<vmem>> -> memref<15488xf32, #tpu.memory_space<vmem>>
        %parallel_loop3A_235 = tpu.vector_load_idx %parallel_loop3A_234[%parallel_loop3A_213] : memref<15488xf32, #tpu.memory_space<vmem>>[vector<16xi32>], vector<16xf32>,
        %parallel_loop3A_236 = arith.constant 512 : i32
        %parallel_loop3A_237 = tpu.memref_slice %arg6[%parallel_loop3A_236] : memref<32768xf32, #tpu.memory_space<vmem>> -> memref<15488xf32, #tpu.memory_space<vmem>>
        %parallel_loop3A_238 = tpu.vector_load_idx %parallel_loop3A_237[%parallel_loop3A_213] : memref<15488xf32, #tpu.memory_space<vmem>>[vector<16xi32>], vector<16xf32>,
        %parallel_loop3A_239 = arith.constant 640 : i32
        %parallel_loop3A_240 = tpu.memref_slice %arg6[%parallel_loop3A_239] : memref<32768xf32, #tpu.memory_space<vmem>> -> memref<15488xf32, #tpu.memory_space<vmem>>
        %parallel_loop3A_241 = tpu.vector_load_idx %parallel_loop3A_240[%parallel_loop3A_213] : memref<15488xf32, #tpu.memory_space<vmem>>[vector<16xi32>], vector<16xf32>,
        %parallel_loop3A_242 = arith.constant 768 : i32
        %parallel_loop3A_243 = tpu.memref_slice %arg6[%parallel_loop3A_242] : memref<32768xf32, #tpu.memory_space<vmem>> -> memref<15488xf32, #tpu.memory_space<vmem>>
        %parallel_loop3A_244 = tpu.vector_load_idx %parallel_loop3A_243[%parallel_loop3A_213] : memref<15488xf32, #tpu.memory_space<vmem>>[vector<16xi32>], vector<16xf32>,
        %parallel_loop3A_245 = arith.constant 896 : i32
        %parallel_loop3A_246 = tpu.memref_slice %arg6[%parallel_loop3A_245] : memref<32768xf32, #tpu.memory_space<vmem>> -> memref<15488xf32, #tpu.memory_space<vmem>>
        %parallel_loop3A_247 = tpu.vector_load_idx %parallel_loop3A_246[%parallel_loop3A_213] : memref<15488xf32, #tpu.memory_space<vmem>>[vector<16xi32>], vector<16xf32>,
        %parallel_loop3A_248 = arith.constant 16384 : i32
        %parallel_loop3A_249 = tpu.memref_slice %arg6[%parallel_loop3A_248] : memref<32768xf32, #tpu.memory_space<vmem>> -> memref<15488xf32, #tpu.memory_space<vmem>>
        %parallel_loop3A_250 = tpu.vector_load_idx %parallel_loop3A_249[%parallel_loop3A_213] : memref<15488xf32, #tpu.memory_space<vmem>>[vector<16xi32>], vector<16xf32>,
        %parallel_loop3A_251 = arith.constant 16512 : i32
        %parallel_loop3A_252 = tpu.memref_slice %arg6[%parallel_loop3A_251] : memref<32768xf32, #tpu.memory_space<vmem>> -> memref<15488xf32, #tpu.memory_space<vmem>>
        %parallel_loop3A_253 = tpu.vector_load_idx %parallel_loop3A_252[%parallel_loop3A_213] : memref<15488xf32, #tpu.memory_space<vmem>>[vector<16xi32>], vector<16xf32>,
        %parallel_loop3A_254 = arith.constant 16640 : i32
        %parallel_loop3A_255 = tpu.memref_slice %arg6[%parallel_loop3A_254] : memref<32768xf32, #tpu.memory_space<vmem>> -> memref<15488xf32, #tpu.memory_space<vmem>>
        %parallel_loop3A_256 = tpu.vector_load_idx %parallel_loop3A_255[%parallel_loop3A_213] : memref<15488xf32, #tpu.memory_space<vmem>>[vector<16xi32>], vector<16xf32>,
        %parallel_loop3A_257 = arith.constant 16768 : i32
        %parallel_loop3A_258 = tpu.memref_slice %arg6[%parallel_loop3A_257] : memref<32768xf32, #tpu.memory_space<vmem>> -> memref<15488xf32, #tpu.memory_space<vmem>>
        %parallel_loop3A_259 = tpu.vector_load_idx %parallel_loop3A_258[%parallel_loop3A_213] : memref<15488xf32, #tpu.memory_space<vmem>>[vector<16xi32>], vector<16xf32>,
        %parallel_loop3A_260 = arith.constant 16896 : i32
        %parallel_loop3A_261 = tpu.memref_slice %arg6[%parallel_loop3A_260] : memref<32768xf32, #tpu.memory_space<vmem>> -> memref<15488xf32, #tpu.memory_space<vmem>>
        %parallel_loop3A_262 = tpu.vector_load_idx %parallel_loop3A_261[%parallel_loop3A_213] : memref<15488xf32, #tpu.memory_space<vmem>>[vector<16xi32>], vector<16xf32>,
        %parallel_loop3A_263 = arith.constant 17024 : i32
        %parallel_loop3A_264 = tpu.memref_slice %arg6[%parallel_loop3A_263] : memref<32768xf32, #tpu.memory_space<vmem>> -> memref<15488xf32, #tpu.memory_space<vmem>>
        %parallel_loop3A_265 = tpu.vector_load_idx %parallel_loop3A_264[%parallel_loop3A_213] : memref<15488xf32, #tpu.memory_space<vmem>>[vector<16xi32>], vector<16xf32>,
        %parallel_loop3A_266 = arith.constant 17152 : i32
        %parallel_loop3A_267 = tpu.memref_slice %arg6[%parallel_loop3A_266] : memref<32768xf32, #tpu.memory_space<vmem>> -> memref<15488xf32, #tpu.memory_space<vmem>>
        %parallel_loop3A_268 = tpu.vector_load_idx %parallel_loop3A_267[%parallel_loop3A_213] : memref<15488xf32, #tpu.memory_space<vmem>>[vector<16xi32>], vector<16xf32>,
        %parallel_loop3A_269 = arith.constant 17280 : i32
        %parallel_loop3A_270 = tpu.memref_slice %arg6[%parallel_loop3A_269] : memref<32768xf32, #tpu.memory_space<vmem>> -> memref<15488xf32, #tpu.memory_space<vmem>>
        %parallel_loop3A_271 = tpu.vector_load_idx %parallel_loop3A_270[%parallel_loop3A_213] : memref<15488xf32, #tpu.memory_space<vmem>>[vector<16xi32>], vector<16xf32>,
        %parallel_loop3A_272 = arith.constant 0 : i32
        %parallel_loop3A_273 = tpu.memref_slice %arg6[%parallel_loop3A_272] : memref<32768xf32, #tpu.memory_space<vmem>> -> memref<15488xf32, #tpu.memory_space<vmem>>
        %parallel_loop3A_274 = tpu.vector_load_idx %parallel_loop3A_273[%parallel_loop3A_223] : memref<15488xf32, #tpu.memory_space<vmem>>[vector<16xi32>], vector<16xf32>,
        %parallel_loop3A_275 = arith.constant 128 : i32
        %parallel_loop3A_276 = tpu.memref_slice %arg6[%parallel_loop3A_275] : memref<32768xf32, #tpu.memory_space<vmem>> -> memref<15488xf32, #tpu.memory_space<vmem>>
        %parallel_loop3A_277 = tpu.vector_load_idx %parallel_loop3A_276[%parallel_loop3A_223] : memref<15488xf32, #tpu.memory_space<vmem>>[vector<16xi32>], vector<16xf32>,
        %parallel_loop3A_278 = arith.constant 256 : i32
        %parallel_loop3A_279 = tpu.memref_slice %arg6[%parallel_loop3A_278] : memref<32768xf32, #tpu.memory_space<vmem>> -> memref<15488xf32, #tpu.memory_space<vmem>>
        %parallel_loop3A_280 = tpu.vector_load_idx %parallel_loop3A_279[%parallel_loop3A_223] : memref<15488xf32, #tpu.memory_space<vmem>>[vector<16xi32>], vector<16xf32>,
        %parallel_loop3A_281 = arith.constant 384 : i32
        %parallel_loop3A_282 = tpu.memref_slice %arg6[%parallel_loop3A_281] : memref<32768xf32, #tpu.memory_space<vmem>> -> memref<15488xf32, #tpu.memory_space<vmem>>
        %parallel_loop3A_283 = tpu.vector_load_idx %parallel_loop3A_282[%parallel_loop3A_223] : memref<15488xf32, #tpu.memory_space<vmem>>[vector<16xi32>], vector<16xf32>,
        %parallel_loop3A_284 = arith.constant 512 : i32
        %parallel_loop3A_285 = tpu.memref_slice %arg6[%parallel_loop3A_284] : memref<32768xf32, #tpu.memory_space<vmem>> -> memref<15488xf32, #tpu.memory_space<vmem>>
        %parallel_loop3A_286 = tpu.vector_load_idx %parallel_loop3A_285[%parallel_loop3A_223] : memref<15488xf32, #tpu.memory_space<vmem>>[vector<16xi32>], vector<16xf32>,
        %parallel_loop3A_287 = arith.constant 640 : i32
        %parallel_loop3A_288 = tpu.memref_slice %arg6[%parallel_loop3A_287] : memref<32768xf32, #tpu.memory_space<vmem>> -> memref<15488xf32, #tpu.memory_space<vmem>>
        %parallel_loop3A_289 = tpu.vector_load_idx %parallel_loop3A_288[%parallel_loop3A_223] : memref<15488xf32, #tpu.memory_space<vmem>>[vector<16xi32>], vector<16xf32>,
        %parallel_loop3A_290 = arith.constant 768 : i32
        %parallel_loop3A_291 = tpu.memref_slice %arg6[%parallel_loop3A_290] : memref<32768xf32, #tpu.memory_space<vmem>> -> memref<15488xf32, #tpu.memory_space<vmem>>
        %parallel_loop3A_292 = tpu.vector_load_idx %parallel_loop3A_291[%parallel_loop3A_223] : memref<15488xf32, #tpu.memory_space<vmem>>[vector<16xi32>], vector<16xf32>,
        %parallel_loop3A_293 = arith.constant 896 : i32
        %parallel_loop3A_294 = tpu.memref_slice %arg6[%parallel_loop3A_293] : memref<32768xf32, #tpu.memory_space<vmem>> -> memref<15488xf32, #tpu.memory_space<vmem>>
        %parallel_loop3A_295 = tpu.vector_load_idx %parallel_loop3A_294[%parallel_loop3A_223] : memref<15488xf32, #tpu.memory_space<vmem>>[vector<16xi32>], vector<16xf32>,
        %parallel_loop3A_296 = arith.constant 16384 : i32
        %parallel_loop3A_297 = tpu.memref_slice %arg6[%parallel_loop3A_296] : memref<32768xf32, #tpu.memory_space<vmem>> -> memref<15488xf32, #tpu.memory_space<vmem>>
        %parallel_loop3A_298 = tpu.vector_load_idx %parallel_loop3A_297[%parallel_loop3A_223] : memref<15488xf32, #tpu.memory_space<vmem>>[vector<16xi32>], vector<16xf32>,
        %parallel_loop3A_299 = arith.constant 16512 : i32
        %parallel_loop3A_300 = tpu.memref_slice %arg6[%parallel_loop3A_299] : memref<32768xf32, #tpu.memory_space<vmem>> -> memref<15488xf32, #tpu.memory_space<vmem>>
        %parallel_loop3A_301 = tpu.vector_load_idx %parallel_loop3A_300[%parallel_loop3A_223] : memref<15488xf32, #tpu.memory_space<vmem>>[vector<16xi32>], vector<16xf32>,
        %parallel_loop3A_302 = arith.constant 16640 : i32
        %parallel_loop3A_303 = tpu.memref_slice %arg6[%parallel_loop3A_302] : memref<32768xf32, #tpu.memory_space<vmem>> -> memref<15488xf32, #tpu.memory_space<vmem>>
        %parallel_loop3A_304 = tpu.vector_load_idx %parallel_loop3A_303[%parallel_loop3A_223] : memref<15488xf32, #tpu.memory_space<vmem>>[vector<16xi32>], vector<16xf32>,
        %parallel_loop3A_305 = arith.constant 16768 : i32
        %parallel_loop3A_306 = tpu.memref_slice %arg6[%parallel_loop3A_305] : memref<32768xf32, #tpu.memory_space<vmem>> -> memref<15488xf32, #tpu.memory_space<vmem>>
        %parallel_loop3A_307 = tpu.vector_load_idx %parallel_loop3A_306[%parallel_loop3A_223] : memref<15488xf32, #tpu.memory_space<vmem>>[vector<16xi32>], vector<16xf32>,
        %parallel_loop3A_308 = arith.constant 16896 : i32
        %parallel_loop3A_309 = tpu.memref_slice %arg6[%parallel_loop3A_308] : memref<32768xf32, #tpu.memory_space<vmem>> -> memref<15488xf32, #tpu.memory_space<vmem>>
        %parallel_loop3A_310 = tpu.vector_load_idx %parallel_loop3A_309[%parallel_loop3A_223] : memref<15488xf32, #tpu.memory_space<vmem>>[vector<16xi32>], vector<16xf32>,
        %parallel_loop3A_311 = arith.constant 17024 : i32
        %parallel_loop3A_312 = tpu.memref_slice %arg6[%parallel_loop3A_311] : memref<32768xf32, #tpu.memory_space<vmem>> -> memref<15488xf32, #tpu.memory_space<vmem>>
        %parallel_loop3A_313 = tpu.vector_load_idx %parallel_loop3A_312[%parallel_loop3A_223] : memref<15488xf32, #tpu.memory_space<vmem>>[vector<16xi32>], vector<16xf32>,
        %parallel_loop3A_314 = arith.constant 17152 : i32
        %parallel_loop3A_315 = tpu.memref_slice %arg6[%parallel_loop3A_314] : memref<32768xf32, #tpu.memory_space<vmem>> -> memref<15488xf32, #tpu.memory_space<vmem>>
        %parallel_loop3A_316 = tpu.vector_load_idx %parallel_loop3A_315[%parallel_loop3A_223] : memref<15488xf32, #tpu.memory_space<vmem>>[vector<16xi32>], vector<16xf32>,
        %parallel_loop3A_317 = arith.constant 17280 : i32
        %parallel_loop3A_318 = tpu.memref_slice %arg6[%parallel_loop3A_317] : memref<32768xf32, #tpu.memory_space<vmem>> -> memref<15488xf32, #tpu.memory_space<vmem>>
        %parallel_loop3A_319 = tpu.vector_load_idx %parallel_loop3A_318[%parallel_loop3A_223] : memref<15488xf32, #tpu.memory_space<vmem>>[vector<16xi32>], vector<16xf32>,
        %parallel_loop3A_320 = arith.constant 7 : i32
        %parallel_loop3A_321 = arith.shrsi %parallel_loop3A_169, %parallel_loop3A_320 : i32
        %parallel_loop3A_322 = arith.constant 10 : i32
        %parallel_loop3A_323 = arith.shli %parallel_loop3A_321, %parallel_loop3A_322 : i32
        %parallel_loop3A_324 = arith.constant 127 : i32
        %parallel_loop3A_325 = arith.andi %parallel_loop3A_169, %parallel_loop3A_324 : i32
        %parallel_loop3A_326 = arith.ori %parallel_loop3A_323, %parallel_loop3A_325 : i32
        %parallel_loop3A_327 = arith.constant 0 : i32
        %parallel_loop3A_328 = arith.addi %parallel_loop3A_326, %parallel_loop3A_327 : i32
        %parallel_loop3A_329 = tpu.assume_multiple %parallel_loop3A_328, 16 : i32
        %parallel_loop3A_330 = arith.mulf %parallel_loop3A_226, %parallel_loop3A_197 : vector<16xf32>
        %parallel_loop3A_331 = arith.mulf %parallel_loop3A_274, %parallel_loop3A_194 : vector<16xf32>
        %parallel_loop3A_332 = arith.addf %parallel_loop3A_330, %parallel_loop3A_331 : vector<16xf32>
        %parallel_loop3A_333 = arith.constant 0 : i32
        %parallel_loop3A_334 = arith.index_cast %parallel_loop3A_333 : i32 to index
        %parallel_loop3A_335 = arith.index_cast %parallel_loop3A_329 : i32 to index
        %parallel_loop3A_336 = tpu.vector_load %arg9[%parallel_loop3A_334, %parallel_loop3A_335] {strides = array<i32>} : memref<2x8192xf32, #tpu.memory_space<vmem>>, vector<16xf32>,
        tpu.vector_store %arg9[%parallel_loop3A_334, %parallel_loop3A_335], %parallel_loop3A_332 {strides = array<i32>} : memref<2x8192xf32, #tpu.memory_space<vmem>>, vector<16xf32>,
        %parallel_loop3A_337 = arith.constant 128 : i32
        %parallel_loop3A_338 = arith.addi %parallel_loop3A_326, %parallel_loop3A_337 : i32
        %parallel_loop3A_339 = tpu.assume_multiple %parallel_loop3A_338, 16 : i32
        %parallel_loop3A_340 = arith.mulf %parallel_loop3A_229, %parallel_loop3A_197 : vector<16xf32>
        %parallel_loop3A_341 = arith.mulf %parallel_loop3A_277, %parallel_loop3A_194 : vector<16xf32>
        %parallel_loop3A_342 = arith.addf %parallel_loop3A_340, %parallel_loop3A_341 : vector<16xf32>
        %parallel_loop3A_343 = arith.constant 0 : i32
        %parallel_loop3A_344 = arith.index_cast %parallel_loop3A_343 : i32 to index
        %parallel_loop3A_345 = arith.index_cast %parallel_loop3A_339 : i32 to index
        %parallel_loop3A_346 = tpu.vector_load %arg9[%parallel_loop3A_344, %parallel_loop3A_345] {strides = array<i32>} : memref<2x8192xf32, #tpu.memory_space<vmem>>, vector<16xf32>,
        tpu.vector_store %arg9[%parallel_loop3A_344, %parallel_loop3A_345], %parallel_loop3A_342 {strides = array<i32>} : memref<2x8192xf32, #tpu.memory_space<vmem>>, vector<16xf32>,
        %parallel_loop3A_347 = arith.constant 256 : i32
        %parallel_loop3A_348 = arith.addi %parallel_loop3A_326, %parallel_loop3A_347 : i32
        %parallel_loop3A_349 = tpu.assume_multiple %parallel_loop3A_348, 16 : i32
        %parallel_loop3A_350 = arith.mulf %parallel_loop3A_232, %parallel_loop3A_197 : vector<16xf32>
        %parallel_loop3A_351 = arith.mulf %parallel_loop3A_280, %parallel_loop3A_194 : vector<16xf32>
        %parallel_loop3A_352 = arith.addf %parallel_loop3A_350, %parallel_loop3A_351 : vector<16xf32>
        %parallel_loop3A_353 = arith.constant 0 : i32
        %parallel_loop3A_354 = arith.index_cast %parallel_loop3A_353 : i32 to index
        %parallel_loop3A_355 = arith.index_cast %parallel_loop3A_349 : i32 to index
        %parallel_loop3A_356 = tpu.vector_load %arg9[%parallel_loop3A_354, %parallel_loop3A_355] {strides = array<i32>} : memref<2x8192xf32, #tpu.memory_space<vmem>>, vector<16xf32>,
        tpu.vector_store %arg9[%parallel_loop3A_354, %parallel_loop3A_355], %parallel_loop3A_352 {strides = array<i32>} : memref<2x8192xf32, #tpu.memory_space<vmem>>, vector<16xf32>,
        %parallel_loop3A_357 = arith.constant 384 : i32
        %parallel_loop3A_358 = arith.addi %parallel_loop3A_326, %parallel_loop3A_357 : i32
        %parallel_loop3A_359 = tpu.assume_multiple %parallel_loop3A_358, 16 : i32
        %parallel_loop3A_360 = arith.mulf %parallel_loop3A_235, %parallel_loop3A_197 : vector<16xf32>
        %parallel_loop3A_361 = arith.mulf %parallel_loop3A_283, %parallel_loop3A_194 : vector<16xf32>
        %parallel_loop3A_362 = arith.addf %parallel_loop3A_360, %parallel_loop3A_361 : vector<16xf32>
        %parallel_loop3A_363 = arith.constant 0 : i32
        %parallel_loop3A_364 = arith.index_cast %parallel_loop3A_363 : i32 to index
        %parallel_loop3A_365 = arith.index_cast %parallel_loop3A_359 : i32 to index
        %parallel_loop3A_366 = tpu.vector_load %arg9[%parallel_loop3A_364, %parallel_loop3A_365] {strides = array<i32>} : memref<2x8192xf32, #tpu.memory_space<vmem>>, vector<16xf32>,
        tpu.vector_store %arg9[%parallel_loop3A_364, %parallel_loop3A_365], %parallel_loop3A_362 {strides = array<i32>} : memref<2x8192xf32, #tpu.memory_space<vmem>>, vector<16xf32>,
        %parallel_loop3A_367 = arith.constant 512 : i32
        %parallel_loop3A_368 = arith.addi %parallel_loop3A_326, %parallel_loop3A_367 : i32
        %parallel_loop3A_369 = tpu.assume_multiple %parallel_loop3A_368, 16 : i32
        %parallel_loop3A_370 = arith.mulf %parallel_loop3A_238, %parallel_loop3A_197 : vector<16xf32>
        %parallel_loop3A_371 = arith.mulf %parallel_loop3A_286, %parallel_loop3A_194 : vector<16xf32>
        %parallel_loop3A_372 = arith.addf %parallel_loop3A_370, %parallel_loop3A_371 : vector<16xf32>
        %parallel_loop3A_373 = arith.constant 0 : i32
        %parallel_loop3A_374 = arith.index_cast %parallel_loop3A_373 : i32 to index
        %parallel_loop3A_375 = arith.index_cast %parallel_loop3A_369 : i32 to index
        %parallel_loop3A_376 = tpu.vector_load %arg9[%parallel_loop3A_374, %parallel_loop3A_375] {strides = array<i32>} : memref<2x8192xf32, #tpu.memory_space<vmem>>, vector<16xf32>,
        tpu.vector_store %arg9[%parallel_loop3A_374, %parallel_loop3A_375], %parallel_loop3A_372 {strides = array<i32>} : memref<2x8192xf32, #tpu.memory_space<vmem>>, vector<16xf32>,
        %parallel_loop3A_377 = arith.constant 640 : i32
        %parallel_loop3A_378 = arith.addi %parallel_loop3A_326, %parallel_loop3A_377 : i32
        %parallel_loop3A_379 = tpu.assume_multiple %parallel_loop3A_378, 16 : i32
        %parallel_loop3A_380 = arith.mulf %parallel_loop3A_241, %parallel_loop3A_197 : vector<16xf32>
        %parallel_loop3A_381 = arith.mulf %parallel_loop3A_289, %parallel_loop3A_194 : vector<16xf32>
        %parallel_loop3A_382 = arith.addf %parallel_loop3A_380, %parallel_loop3A_381 : vector<16xf32>
        %parallel_loop3A_383 = arith.constant 0 : i32
        %parallel_loop3A_384 = arith.index_cast %parallel_loop3A_383 : i32 to index
        %parallel_loop3A_385 = arith.index_cast %parallel_loop3A_379 : i32 to index
        %parallel_loop3A_386 = tpu.vector_load %arg9[%parallel_loop3A_384, %parallel_loop3A_385] {strides = array<i32>} : memref<2x8192xf32, #tpu.memory_space<vmem>>, vector<16xf32>,
        tpu.vector_store %arg9[%parallel_loop3A_384, %parallel_loop3A_385], %parallel_loop3A_382 {strides = array<i32>} : memref<2x8192xf32, #tpu.memory_space<vmem>>, vector<16xf32>,
        %parallel_loop3A_387 = arith.constant 768 : i32
        %parallel_loop3A_388 = arith.addi %parallel_loop3A_326, %parallel_loop3A_387 : i32
        %parallel_loop3A_389 = tpu.assume_multiple %parallel_loop3A_388, 16 : i32
        %parallel_loop3A_390 = arith.mulf %parallel_loop3A_244, %parallel_loop3A_197 : vector<16xf32>
        %parallel_loop3A_391 = arith.mulf %parallel_loop3A_292, %parallel_loop3A_194 : vector<16xf32>
        %parallel_loop3A_392 = arith.addf %parallel_loop3A_390, %parallel_loop3A_391 : vector<16xf32>
        %parallel_loop3A_393 = arith.constant 0 : i32
        %parallel_loop3A_394 = arith.index_cast %parallel_loop3A_393 : i32 to index
        %parallel_loop3A_395 = arith.index_cast %parallel_loop3A_389 : i32 to index
        %parallel_loop3A_396 = tpu.vector_load %arg9[%parallel_loop3A_394, %parallel_loop3A_395] {strides = array<i32>} : memref<2x8192xf32, #tpu.memory_space<vmem>>, vector<16xf32>,
        tpu.vector_store %arg9[%parallel_loop3A_394, %parallel_loop3A_395], %parallel_loop3A_392 {strides = array<i32>} : memref<2x8192xf32, #tpu.memory_space<vmem>>, vector<16xf32>,
        %parallel_loop3A_397 = arith.constant 896 : i32
        %parallel_loop3A_398 = arith.addi %parallel_loop3A_326, %parallel_loop3A_397 : i32
        %parallel_loop3A_399 = tpu.assume_multiple %parallel_loop3A_398, 16 : i32
        %parallel_loop3A_400 = arith.mulf %parallel_loop3A_247, %parallel_loop3A_197 : vector<16xf32>
        %parallel_loop3A_401 = arith.mulf %parallel_loop3A_295, %parallel_loop3A_194 : vector<16xf32>
        %parallel_loop3A_402 = arith.addf %parallel_loop3A_400, %parallel_loop3A_401 : vector<16xf32>
        %parallel_loop3A_403 = arith.constant 0 : i32
        %parallel_loop3A_404 = arith.index_cast %parallel_loop3A_403 : i32 to index
        %parallel_loop3A_405 = arith.index_cast %parallel_loop3A_399 : i32 to index
        %parallel_loop3A_406 = tpu.vector_load %arg9[%parallel_loop3A_404, %parallel_loop3A_405] {strides = array<i32>} : memref<2x8192xf32, #tpu.memory_space<vmem>>, vector<16xf32>,
        tpu.vector_store %arg9[%parallel_loop3A_404, %parallel_loop3A_405], %parallel_loop3A_402 {strides = array<i32>} : memref<2x8192xf32, #tpu.memory_space<vmem>>, vector<16xf32>,
        %parallel_loop3A_407 = arith.constant 0 : i32
        %parallel_loop3A_408 = arith.addi %parallel_loop3A_326, %parallel_loop3A_407 : i32
        %parallel_loop3A_409 = tpu.assume_multiple %parallel_loop3A_408, 16 : i32
        %parallel_loop3A_410 = arith.mulf %parallel_loop3A_250, %parallel_loop3A_197 : vector<16xf32>
        %parallel_loop3A_411 = arith.mulf %parallel_loop3A_298, %parallel_loop3A_194 : vector<16xf32>
        %parallel_loop3A_412 = arith.addf %parallel_loop3A_410, %parallel_loop3A_411 : vector<16xf32>
        %parallel_loop3A_413 = arith.constant 1 : i32
        %parallel_loop3A_414 = arith.index_cast %parallel_loop3A_413 : i32 to index
        %parallel_loop3A_415 = arith.index_cast %parallel_loop3A_409 : i32 to index
        %parallel_loop3A_416 = tpu.vector_load %arg9[%parallel_loop3A_414, %parallel_loop3A_415] {strides = array<i32>} : memref<2x8192xf32, #tpu.memory_space<vmem>>, vector<16xf32>,
        tpu.vector_store %arg9[%parallel_loop3A_414, %parallel_loop3A_415], %parallel_loop3A_412 {strides = array<i32>} : memref<2x8192xf32, #tpu.memory_space<vmem>>, vector<16xf32>,
        %parallel_loop3A_417 = arith.constant 128 : i32
        %parallel_loop3A_418 = arith.addi %parallel_loop3A_326, %parallel_loop3A_417 : i32
        %parallel_loop3A_419 = tpu.assume_multiple %parallel_loop3A_418, 16 : i32
        %parallel_loop3A_420 = arith.mulf %parallel_loop3A_253, %parallel_loop3A_197 : vector<16xf32>
        %parallel_loop3A_421 = arith.mulf %parallel_loop3A_301, %parallel_loop3A_194 : vector<16xf32>
        %parallel_loop3A_422 = arith.addf %parallel_loop3A_420, %parallel_loop3A_421 : vector<16xf32>
        %parallel_loop3A_423 = arith.constant 1 : i32
        %parallel_loop3A_424 = arith.index_cast %parallel_loop3A_423 : i32 to index
        %parallel_loop3A_425 = arith.index_cast %parallel_loop3A_419 : i32 to index
        %parallel_loop3A_426 = tpu.vector_load %arg9[%parallel_loop3A_424, %parallel_loop3A_425] {strides = array<i32>} : memref<2x8192xf32, #tpu.memory_space<vmem>>, vector<16xf32>,
        tpu.vector_store %arg9[%parallel_loop3A_424, %parallel_loop3A_425], %parallel_loop3A_422 {strides = array<i32>} : memref<2x8192xf32, #tpu.memory_space<vmem>>, vector<16xf32>,
        %parallel_loop3A_427 = arith.constant 256 : i32
        %parallel_loop3A_428 = arith.addi %parallel_loop3A_326, %parallel_loop3A_427 : i32
        %parallel_loop3A_429 = tpu.assume_multiple %parallel_loop3A_428, 16 : i32
        %parallel_loop3A_430 = arith.mulf %parallel_loop3A_256, %parallel_loop3A_197 : vector<16xf32>
        %parallel_loop3A_431 = arith.mulf %parallel_loop3A_304, %parallel_loop3A_194 : vector<16xf32>
        %parallel_loop3A_432 = arith.addf %parallel_loop3A_430, %parallel_loop3A_431 : vector<16xf32>
        %parallel_loop3A_433 = arith.constant 1 : i32
        %parallel_loop3A_434 = arith.index_cast %parallel_loop3A_433 : i32 to index
        %parallel_loop3A_435 = arith.index_cast %parallel_loop3A_429 : i32 to index
        %parallel_loop3A_436 = tpu.vector_load %arg9[%parallel_loop3A_434, %parallel_loop3A_435] {strides = array<i32>} : memref<2x8192xf32, #tpu.memory_space<vmem>>, vector<16xf32>,
        tpu.vector_store %arg9[%parallel_loop3A_434, %parallel_loop3A_435], %parallel_loop3A_432 {strides = array<i32>} : memref<2x8192xf32, #tpu.memory_space<vmem>>, vector<16xf32>,
        %parallel_loop3A_437 = arith.constant 384 : i32
        %parallel_loop3A_438 = arith.addi %parallel_loop3A_326, %parallel_loop3A_437 : i32
        %parallel_loop3A_439 = tpu.assume_multiple %parallel_loop3A_438, 16 : i32
        %parallel_loop3A_440 = arith.mulf %parallel_loop3A_259, %parallel_loop3A_197 : vector<16xf32>
        %parallel_loop3A_441 = arith.mulf %parallel_loop3A_307, %parallel_loop3A_194 : vector<16xf32>
        %parallel_loop3A_442 = arith.addf %parallel_loop3A_440, %parallel_loop3A_441 : vector<16xf32>
        %parallel_loop3A_443 = arith.constant 1 : i32
        %parallel_loop3A_444 = arith.index_cast %parallel_loop3A_443 : i32 to index
        %parallel_loop3A_445 = arith.index_cast %parallel_loop3A_439 : i32 to index
        %parallel_loop3A_446 = tpu.vector_load %arg9[%parallel_loop3A_444, %parallel_loop3A_445] {strides = array<i32>} : memref<2x8192xf32, #tpu.memory_space<vmem>>, vector<16xf32>,
        tpu.vector_store %arg9[%parallel_loop3A_444, %parallel_loop3A_445], %parallel_loop3A_442 {strides = array<i32>} : memref<2x8192xf32, #tpu.memory_space<vmem>>, vector<16xf32>,
        %parallel_loop3A_447 = arith.constant 512 : i32
        %parallel_loop3A_448 = arith.addi %parallel_loop3A_326, %parallel_loop3A_447 : i32
        %parallel_loop3A_449 = tpu.assume_multiple %parallel_loop3A_448, 16 : i32
        %parallel_loop3A_450 = arith.mulf %parallel_loop3A_262, %parallel_loop3A_197 : vector<16xf32>
        %parallel_loop3A_451 = arith.mulf %parallel_loop3A_310, %parallel_loop3A_194 : vector<16xf32>
        %parallel_loop3A_452 = arith.addf %parallel_loop3A_450, %parallel_loop3A_451 : vector<16xf32>
        %parallel_loop3A_453 = arith.constant 1 : i32
        %parallel_loop3A_454 = arith.index_cast %parallel_loop3A_453 : i32 to index
        %parallel_loop3A_455 = arith.index_cast %parallel_loop3A_449 : i32 to index
        %parallel_loop3A_456 = tpu.vector_load %arg9[%parallel_loop3A_454, %parallel_loop3A_455] {strides = array<i32>} : memref<2x8192xf32, #tpu.memory_space<vmem>>, vector<16xf32>,
        tpu.vector_store %arg9[%parallel_loop3A_454, %parallel_loop3A_455], %parallel_loop3A_452 {strides = array<i32>} : memref<2x8192xf32, #tpu.memory_space<vmem>>, vector<16xf32>,
        %parallel_loop3A_457 = arith.constant 640 : i32
        %parallel_loop3A_458 = arith.addi %parallel_loop3A_326, %parallel_loop3A_457 : i32
        %parallel_loop3A_459 = tpu.assume_multiple %parallel_loop3A_458, 16 : i32
        %parallel_loop3A_460 = arith.mulf %parallel_loop3A_265, %parallel_loop3A_197 : vector<16xf32>
        %parallel_loop3A_461 = arith.mulf %parallel_loop3A_313, %parallel_loop3A_194 : vector<16xf32>
        %parallel_loop3A_462 = arith.addf %parallel_loop3A_460, %parallel_loop3A_461 : vector<16xf32>
        %parallel_loop3A_463 = arith.constant 1 : i32
        %parallel_loop3A_464 = arith.index_cast %parallel_loop3A_463 : i32 to index
        %parallel_loop3A_465 = arith.index_cast %parallel_loop3A_459 : i32 to index
        %parallel_loop3A_466 = tpu.vector_load %arg9[%parallel_loop3A_464, %parallel_loop3A_465] {strides = array<i32>} : memref<2x8192xf32, #tpu.memory_space<vmem>>, vector<16xf32>,
        tpu.vector_store %arg9[%parallel_loop3A_464, %parallel_loop3A_465], %parallel_loop3A_462 {strides = array<i32>} : memref<2x8192xf32, #tpu.memory_space<vmem>>, vector<16xf32>,
        %parallel_loop3A_467 = arith.constant 768 : i32
        %parallel_loop3A_468 = arith.addi %parallel_loop3A_326, %parallel_loop3A_467 : i32
        %parallel_loop3A_469 = tpu.assume_multiple %parallel_loop3A_468, 16 : i32
        %parallel_loop3A_470 = arith.mulf %parallel_loop3A_268, %parallel_loop3A_197 : vector<16xf32>
        %parallel_loop3A_471 = arith.mulf %parallel_loop3A_316, %parallel_loop3A_194 : vector<16xf32>
        %parallel_loop3A_472 = arith.addf %parallel_loop3A_470, %parallel_loop3A_471 : vector<16xf32>
        %parallel_loop3A_473 = arith.constant 1 : i32
        %parallel_loop3A_474 = arith.index_cast %parallel_loop3A_473 : i32 to index
        %parallel_loop3A_475 = arith.index_cast %parallel_loop3A_469 : i32 to index
        %parallel_loop3A_476 = tpu.vector_load %arg9[%parallel_loop3A_474, %parallel_loop3A_475] {strides = array<i32>} : memref<2x8192xf32, #tpu.memory_space<vmem>>, vector<16xf32>,
        tpu.vector_store %arg9[%parallel_loop3A_474, %parallel_loop3A_475], %parallel_loop3A_472 {strides = array<i32>} : memref<2x8192xf32, #tpu.memory_space<vmem>>, vector<16xf32>,
        %parallel_loop3A_477 = arith.constant 896 : i32
        %parallel_loop3A_478 = arith.addi %parallel_loop3A_326, %parallel_loop3A_477 : i32
        %parallel_loop3A_479 = tpu.assume_multiple %parallel_loop3A_478, 16 : i32
        %parallel_loop3A_480 = arith.mulf %parallel_loop3A_271, %parallel_loop3A_197 : vector<16xf32>
        %parallel_loop3A_481 = arith.mulf %parallel_loop3A_319, %parallel_loop3A_194 : vector<16xf32>
        %parallel_loop3A_482 = arith.addf %parallel_loop3A_480, %parallel_loop3A_481 : vector<16xf32>
        %parallel_loop3A_483 = arith.constant 1 : i32
        %parallel_loop3A_484 = arith.index_cast %parallel_loop3A_483 : i32 to index
        %parallel_loop3A_485 = arith.index_cast %parallel_loop3A_479 : i32 to index
        %parallel_loop3A_486 = tpu.vector_load %arg9[%parallel_loop3A_484, %parallel_loop3A_485] {strides = array<i32>} : memref<2x8192xf32, #tpu.memory_space<vmem>>, vector<16xf32>,
        tpu.vector_store %arg9[%parallel_loop3A_484, %parallel_loop3A_485], %parallel_loop3A_482 {strides = array<i32>} : memref<2x8192xf32, #tpu.memory_space<vmem>>, vector<16xf32>,
      } {sc.loop_unroll_factor = 2 : i64, sc.parallel_access}
      %dma_start3A_140 = arith.constant 0 : i32
      %dma_start3A_141 = arith.constant 0 : i32
      %dma_start3A_142 = arith.constant 0 : i32
      %dma_start3A_143 = tpu.memref_slice %arg4[%add3A_131, %dma_start3A_141, %dma_start3A_140, %dma_start3A_142] : memref<1024x2x2x8192xf32, #tpu.memory_space<hbm>> -> memref<1x2x1x8192xf32, #tpu.memory_space<hbm>>
      %dma_start3A_144 = tpu.memref_squeeze %dma_start3A_143 : memref<1x2x1x8192xf32, #tpu.memory_space<hbm>> -> memref<2x8192xf32, #tpu.memory_space<hbm>>
      %dma_start3A_145 = arith.constant 0 : i32
      %dma_start3A_146 = arith.constant 0 : i32
      %dma_start3A_147 = tpu.memref_slice %arg4[%add3A_131, %dma_start3A_145, %dma_start3A_140, %dma_start3A_146] : memref<1024x2x2x8192xf32, #tpu.memory_space<hbm>> -> memref<1x2x1x8192xf32, #tpu.memory_space<hbm>>
      %dma_start3A_148 = tpu.memref_squeeze %dma_start3A_147 : memref<1x2x1x8192xf32, #tpu.memory_space<hbm>> -> memref<2x8192xf32, #tpu.memory_space<hbm>>
      tpu.enqueue_dma source(%arg9 : memref<2x8192xf32, #tpu.memory_space<vmem>>) target(%dma_start3A_148 : memref<2x8192xf32, #tpu.memory_space<hbm>>) target_semaphore(%arg15 : memref<!tpu.dma_semaphore, #tpu.memory_space<semaphore_mem>>)
      %gt3A_149 = arith.constant 0 : i32
      %gt3A_150 = arith.cmpi sgt, %add3A_106, %gt3A_149 : i32
      %convert_element_type3A_151 = arith.extui %gt3A_150 : i1 to i32
      %cond3A_152 = arith.constant 0 : i32
      %cond3A_153 = arith.cmpi ne, %convert_element_type3A_151, %cond3A_152 : i32
      scf.if %cond3A_153 {
        %dma_wait3A_166 = arith.constant 0 : i32
        %dma_wait3A_167 = arith.constant 0 : i32
        %dma_wait3A_168 = arith.constant 0 : i32
        %dma_wait3A_169 = arith.constant 0 : i32
        %dma_wait3A_170 = tpu.memref_slice %arg4[%dma_wait3A_166, %dma_wait3A_168, %dma_wait3A_167, %dma_wait3A_169] : memref<1024x2x2x8192xf32, #tpu.memory_space<hbm>> -> memref<1x2x1x8192xf32, #tpu.memory_space<hbm>>
        %dma_wait3A_171 = tpu.memref_squeeze %dma_wait3A_170 : memref<1x2x1x8192xf32, #tpu.memory_space<hbm>> -> memref<2x8192xf32, #tpu.memory_space<hbm>>
        %dma_wait3A_172 = arith.constant 0 : i32
        %dma_wait3A_173 = arith.constant 0 : i32
        %dma_wait3A_174 = tpu.memref_slice %arg4[%dma_wait3A_166, %dma_wait3A_172, %dma_wait3A_167, %dma_wait3A_173] : memref<1024x2x2x8192xf32, #tpu.memory_space<hbm>> -> memref<1x2x1x8192xf32, #tpu.memory_space<hbm>>
        %dma_wait3A_175 = tpu.memref_squeeze %dma_wait3A_174 : memref<1x2x1x8192xf32, #tpu.memory_space<hbm>> -> memref<2x8192xf32, #tpu.memory_space<hbm>>
        tpu.wait_dma2 semaphore(%arg16 : memref<!tpu.dma_semaphore, #tpu.memory_space<semaphore_mem>>) src(%arg10 : memref<2x8192xf32, #tpu.memory_space<vmem>>) dst(%dma_wait3A_175 : memref<2x8192xf32, #tpu.memory_space<hbm>>)
      } else {
      }
      %parallel_loop3A_154 = arith.constant 0 : i32
      %parallel_loop3A_155 = arith.constant 64 : i32
      %parallel_loop3A_156 = arith.constant 1 : i32
      scf.for %parallel_loop3A_166 = %parallel_loop3A_154 to %parallel_loop3A_155 step %parallel_loop3A_156  : i32 {
        %parallel_loop3A_167 = arith.constant 16 : i32
        %parallel_loop3A_168 = arith.muli %parallel_loop3A_166, %parallel_loop3A_167 : i32
        %parallel_loop3A_169 = tpu.assume_multiple %parallel_loop3A_168, 16 : i32
        %parallel_loop3A_170 = arith.constant 1024 : i32
        %parallel_loop3A_171 = arith.addi %parallel_loop3A_170, %parallel_loop3A_169 : i32
        %parallel_loop3A_172 = arith.constant 7 : i32
        %parallel_loop3A_173 = arith.shrsi %parallel_loop3A_171, %parallel_loop3A_172 : i32
        %parallel_loop3A_174 = arith.constant 127 : i32
        %parallel_loop3A_175 = arith.andi %parallel_loop3A_171, %parallel_loop3A_174 : i32
        %parallel_loop3A_176 = tpu.assume_multiple %parallel_loop3A_175, 16 : i32
        %parallel_loop3A_177 = arith.index_cast %parallel_loop3A_173 : i32 to index
        %parallel_loop3A_178 = arith.index_cast %parallel_loop3A_176 : i32 to index
        %parallel_loop3A_179 = tpu.vector_load %arg8[%parallel_loop3A_177, %parallel_loop3A_178] {strides = array<i32>} : memref<16x128xf32, #tpu.memory_space<vmem>>, vector<16xf32>,
        %parallel_loop3A_180 = arith.constant 2.048000e+03 : f32
        %parallel_loop3A_181 = vector.broadcast %parallel_loop3A_180 : f32 to vector<16xf32>
        %parallel_loop3A_182 = arith.mulf %parallel_loop3A_179, %parallel_loop3A_181 : vector<16xf32>
        %parallel_loop3A_183 = arith.constant 5.000000e-01 : f32
        %parallel_loop3A_184 = vector.broadcast %parallel_loop3A_183 : f32 to vector<16xf32>
        %parallel_loop3A_185 = arith.subf %parallel_loop3A_182, %parallel_loop3A_184 : vector<16xf32>
        %parallel_loop3A_186 = arith.constant 0.000000e+00 : f32
        %parallel_loop3A_187 = arith.constant 2.047000e+03 : f32
        %parallel_loop3A_188 = vector.broadcast %parallel_loop3A_186 : f32 to vector<16xf32>
        %parallel_loop3A_189 = arith.maximumf %parallel_loop3A_188, %parallel_loop3A_185 : vector<16xf32>
        %parallel_loop3A_190 = vector.broadcast %parallel_loop3A_187 : f32 to vector<16xf32>
        %parallel_loop3A_191 = arith.minimumf %parallel_loop3A_190, %parallel_loop3A_189 : vector<16xf32>
        %parallel_loop3A_192 = arith.fptosi %parallel_loop3A_191 : vector<16xf32> to vector<16xi32>
        %parallel_loop3A_193 = arith.sitofp %parallel_loop3A_192 : vector<16xi32> to vector<16xf32>
        %parallel_loop3A_194 = arith.subf %parallel_loop3A_191, %parallel_loop3A_193 : vector<16xf32>
        %parallel_loop3A_195 = arith.constant 1.000000e+00 : f32
        %parallel_loop3A_196 = vector.broadcast %parallel_loop3A_195 : f32 to vector<16xf32>
        %parallel_loop3A_197 = arith.subf %parallel_loop3A_196, %parallel_loop3A_194 : vector<16xf32>
        %parallel_loop3A_198 = arith.constant 1 : i32
        %parallel_loop3A_199 = vector.broadcast %parallel_loop3A_198 : i32 to vector<16xi32>
        %parallel_loop3A_200 = arith.addi %parallel_loop3A_192, %parallel_loop3A_199 : vector<16xi32>
        %parallel_loop3A_201 = arith.constant 2047 : i32
        %parallel_loop3A_202 = vector.broadcast %parallel_loop3A_201 : i32 to vector<16xi32>
        %parallel_loop3A_203 = arith.minsi %parallel_loop3A_200, %parallel_loop3A_202 : vector<16xi32>
        %parallel_loop3A_204 = arith.constant 7 : i32
        %parallel_loop3A_205 = vector.broadcast %parallel_loop3A_204 : i32 to vector<16xi32>
        %parallel_loop3A_206 = arith.shrsi %parallel_loop3A_192, %parallel_loop3A_205 : vector<16xi32>
        %parallel_loop3A_207 = arith.constant 10 : i32
        %parallel_loop3A_208 = vector.broadcast %parallel_loop3A_207 : i32 to vector<16xi32>
        %parallel_loop3A_209 = arith.shli %parallel_loop3A_206, %parallel_loop3A_208 : vector<16xi32>
        %parallel_loop3A_210 = arith.constant 127 : i32
        %parallel_loop3A_211 = vector.broadcast %parallel_loop3A_210 : i32 to vector<16xi32>
        %parallel_loop3A_212 = arith.andi %parallel_loop3A_192, %parallel_loop3A_211 : vector<16xi32>
        %parallel_loop3A_213 = arith.ori %parallel_loop3A_209, %parallel_loop3A_212 : vector<16xi32>
        %parallel_loop3A_214 = arith.constant 7 : i32
        %parallel_loop3A_215 = vector.broadcast %parallel_loop3A_214 : i32 to vector<16xi32>
        %parallel_loop3A_216 = arith.shrsi %parallel_loop3A_203, %parallel_loop3A_215 : vector<16xi32>
        %parallel_loop3A_217 = arith.constant 10 : i32
        %parallel_loop3A_218 = vector.broadcast %parallel_loop3A_217 : i32 to vector<16xi32>
        %parallel_loop3A_219 = arith.shli %parallel_loop3A_216, %parallel_loop3A_218 : vector<16xi32>
        %parallel_loop3A_220 = arith.constant 127 : i32
        %parallel_loop3A_221 = vector.broadcast %parallel_loop3A_220 : i32 to vector<16xi32>
        %parallel_loop3A_222 = arith.andi %parallel_loop3A_203, %parallel_loop3A_221 : vector<16xi32>
        %parallel_loop3A_223 = arith.ori %parallel_loop3A_219, %parallel_loop3A_222 : vector<16xi32>
        %parallel_loop3A_224 = arith.constant 0 : i32
        %parallel_loop3A_225 = tpu.memref_slice %arg6[%parallel_loop3A_224] : memref<32768xf32, #tpu.memory_space<vmem>> -> memref<15488xf32, #tpu.memory_space<vmem>>
        %parallel_loop3A_226 = tpu.vector_load_idx %parallel_loop3A_225[%parallel_loop3A_213] : memref<15488xf32, #tpu.memory_space<vmem>>[vector<16xi32>], vector<16xf32>,
        %parallel_loop3A_227 = arith.constant 128 : i32
        %parallel_loop3A_228 = tpu.memref_slice %arg6[%parallel_loop3A_227] : memref<32768xf32, #tpu.memory_space<vmem>> -> memref<15488xf32, #tpu.memory_space<vmem>>
        %parallel_loop3A_229 = tpu.vector_load_idx %parallel_loop3A_228[%parallel_loop3A_213] : memref<15488xf32, #tpu.memory_space<vmem>>[vector<16xi32>], vector<16xf32>,
        %parallel_loop3A_230 = arith.constant 256 : i32
        %parallel_loop3A_231 = tpu.memref_slice %arg6[%parallel_loop3A_230] : memref<32768xf32, #tpu.memory_space<vmem>> -> memref<15488xf32, #tpu.memory_space<vmem>>
        %parallel_loop3A_232 = tpu.vector_load_idx %parallel_loop3A_231[%parallel_loop3A_213] : memref<15488xf32, #tpu.memory_space<vmem>>[vector<16xi32>], vector<16xf32>,
        %parallel_loop3A_233 = arith.constant 384 : i32
        %parallel_loop3A_234 = tpu.memref_slice %arg6[%parallel_loop3A_233] : memref<32768xf32, #tpu.memory_space<vmem>> -> memref<15488xf32, #tpu.memory_space<vmem>>
        %parallel_loop3A_235 = tpu.vector_load_idx %parallel_loop3A_234[%parallel_loop3A_213] : memref<15488xf32, #tpu.memory_space<vmem>>[vector<16xi32>], vector<16xf32>,
        %parallel_loop3A_236 = arith.constant 512 : i32
        %parallel_loop3A_237 = tpu.memref_slice %arg6[%parallel_loop3A_236] : memref<32768xf32, #tpu.memory_space<vmem>> -> memref<15488xf32, #tpu.memory_space<vmem>>
        %parallel_loop3A_238 = tpu.vector_load_idx %parallel_loop3A_237[%parallel_loop3A_213] : memref<15488xf32, #tpu.memory_space<vmem>>[vector<16xi32>], vector<16xf32>,
        %parallel_loop3A_239 = arith.constant 640 : i32
        %parallel_loop3A_240 = tpu.memref_slice %arg6[%parallel_loop3A_239] : memref<32768xf32, #tpu.memory_space<vmem>> -> memref<15488xf32, #tpu.memory_space<vmem>>
        %parallel_loop3A_241 = tpu.vector_load_idx %parallel_loop3A_240[%parallel_loop3A_213] : memref<15488xf32, #tpu.memory_space<vmem>>[vector<16xi32>], vector<16xf32>,
        %parallel_loop3A_242 = arith.constant 768 : i32
        %parallel_loop3A_243 = tpu.memref_slice %arg6[%parallel_loop3A_242] : memref<32768xf32, #tpu.memory_space<vmem>> -> memref<15488xf32, #tpu.memory_space<vmem>>
        %parallel_loop3A_244 = tpu.vector_load_idx %parallel_loop3A_243[%parallel_loop3A_213] : memref<15488xf32, #tpu.memory_space<vmem>>[vector<16xi32>], vector<16xf32>,
        %parallel_loop3A_245 = arith.constant 896 : i32
        %parallel_loop3A_246 = tpu.memref_slice %arg6[%parallel_loop3A_245] : memref<32768xf32, #tpu.memory_space<vmem>> -> memref<15488xf32, #tpu.memory_space<vmem>>
        %parallel_loop3A_247 = tpu.vector_load_idx %parallel_loop3A_246[%parallel_loop3A_213] : memref<15488xf32, #tpu.memory_space<vmem>>[vector<16xi32>], vector<16xf32>,
        %parallel_loop3A_248 = arith.constant 16384 : i32
        %parallel_loop3A_249 = tpu.memref_slice %arg6[%parallel_loop3A_248] : memref<32768xf32, #tpu.memory_space<vmem>> -> memref<15488xf32, #tpu.memory_space<vmem>>
        %parallel_loop3A_250 = tpu.vector_load_idx %parallel_loop3A_249[%parallel_loop3A_213] : memref<15488xf32, #tpu.memory_space<vmem>>[vector<16xi32>], vector<16xf32>,
        %parallel_loop3A_251 = arith.constant 16512 : i32
        %parallel_loop3A_252 = tpu.memref_slice %arg6[%parallel_loop3A_251] : memref<32768xf32, #tpu.memory_space<vmem>> -> memref<15488xf32, #tpu.memory_space<vmem>>
        %parallel_loop3A_253 = tpu.vector_load_idx %parallel_loop3A_252[%parallel_loop3A_213] : memref<15488xf32, #tpu.memory_space<vmem>>[vector<16xi32>], vector<16xf32>,
        %parallel_loop3A_254 = arith.constant 16640 : i32
        %parallel_loop3A_255 = tpu.memref_slice %arg6[%parallel_loop3A_254] : memref<32768xf32, #tpu.memory_space<vmem>> -> memref<15488xf32, #tpu.memory_space<vmem>>
        %parallel_loop3A_256 = tpu.vector_load_idx %parallel_loop3A_255[%parallel_loop3A_213] : memref<15488xf32, #tpu.memory_space<vmem>>[vector<16xi32>], vector<16xf32>,
        %parallel_loop3A_257 = arith.constant 16768 : i32
        %parallel_loop3A_258 = tpu.memref_slice %arg6[%parallel_loop3A_257] : memref<32768xf32, #tpu.memory_space<vmem>> -> memref<15488xf32, #tpu.memory_space<vmem>>
        %parallel_loop3A_259 = tpu.vector_load_idx %parallel_loop3A_258[%parallel_loop3A_213] : memref<15488xf32, #tpu.memory_space<vmem>>[vector<16xi32>], vector<16xf32>,
        %parallel_loop3A_260 = arith.constant 16896 : i32
        %parallel_loop3A_261 = tpu.memref_slice %arg6[%parallel_loop3A_260] : memref<32768xf32, #tpu.memory_space<vmem>> -> memref<15488xf32, #tpu.memory_space<vmem>>
        %parallel_loop3A_262 = tpu.vector_load_idx %parallel_loop3A_261[%parallel_loop3A_213] : memref<15488xf32, #tpu.memory_space<vmem>>[vector<16xi32>], vector<16xf32>,
        %parallel_loop3A_263 = arith.constant 17024 : i32
        %parallel_loop3A_264 = tpu.memref_slice %arg6[%parallel_loop3A_263] : memref<32768xf32, #tpu.memory_space<vmem>> -> memref<15488xf32, #tpu.memory_space<vmem>>
        %parallel_loop3A_265 = tpu.vector_load_idx %parallel_loop3A_264[%parallel_loop3A_213] : memref<15488xf32, #tpu.memory_space<vmem>>[vector<16xi32>], vector<16xf32>,
        %parallel_loop3A_266 = arith.constant 17152 : i32
        %parallel_loop3A_267 = tpu.memref_slice %arg6[%parallel_loop3A_266] : memref<32768xf32, #tpu.memory_space<vmem>> -> memref<15488xf32, #tpu.memory_space<vmem>>
        %parallel_loop3A_268 = tpu.vector_load_idx %parallel_loop3A_267[%parallel_loop3A_213] : memref<15488xf32, #tpu.memory_space<vmem>>[vector<16xi32>], vector<16xf32>,
        %parallel_loop3A_269 = arith.constant 17280 : i32
        %parallel_loop3A_270 = tpu.memref_slice %arg6[%parallel_loop3A_269] : memref<32768xf32, #tpu.memory_space<vmem>> -> memref<15488xf32, #tpu.memory_space<vmem>>
        %parallel_loop3A_271 = tpu.vector_load_idx %parallel_loop3A_270[%parallel_loop3A_213] : memref<15488xf32, #tpu.memory_space<vmem>>[vector<16xi32>], vector<16xf32>,
        %parallel_loop3A_272 = arith.constant 0 : i32
        %parallel_loop3A_273 = tpu.memref_slice %arg6[%parallel_loop3A_272] : memref<32768xf32, #tpu.memory_space<vmem>> -> memref<15488xf32, #tpu.memory_space<vmem>>
        %parallel_loop3A_274 = tpu.vector_load_idx %parallel_loop3A_273[%parallel_loop3A_223] : memref<15488xf32, #tpu.memory_space<vmem>>[vector<16xi32>], vector<16xf32>,
        %parallel_loop3A_275 = arith.constant 128 : i32
        %parallel_loop3A_276 = tpu.memref_slice %arg6[%parallel_loop3A_275] : memref<32768xf32, #tpu.memory_space<vmem>> -> memref<15488xf32, #tpu.memory_space<vmem>>
        %parallel_loop3A_277 = tpu.vector_load_idx %parallel_loop3A_276[%parallel_loop3A_223] : memref<15488xf32, #tpu.memory_space<vmem>>[vector<16xi32>], vector<16xf32>,
        %parallel_loop3A_278 = arith.constant 256 : i32
        %parallel_loop3A_279 = tpu.memref_slice %arg6[%parallel_loop3A_278] : memref<32768xf32, #tpu.memory_space<vmem>> -> memref<15488xf32, #tpu.memory_space<vmem>>
        %parallel_loop3A_280 = tpu.vector_load_idx %parallel_loop3A_279[%parallel_loop3A_223] : memref<15488xf32, #tpu.memory_space<vmem>>[vector<16xi32>], vector<16xf32>,
        %parallel_loop3A_281 = arith.constant 384 : i32
        %parallel_loop3A_282 = tpu.memref_slice %arg6[%parallel_loop3A_281] : memref<32768xf32, #tpu.memory_space<vmem>> -> memref<15488xf32, #tpu.memory_space<vmem>>
        %parallel_loop3A_283 = tpu.vector_load_idx %parallel_loop3A_282[%parallel_loop3A_223] : memref<15488xf32, #tpu.memory_space<vmem>>[vector<16xi32>], vector<16xf32>,
        %parallel_loop3A_284 = arith.constant 512 : i32
        %parallel_loop3A_285 = tpu.memref_slice %arg6[%parallel_loop3A_284] : memref<32768xf32, #tpu.memory_space<vmem>> -> memref<15488xf32, #tpu.memory_space<vmem>>
        %parallel_loop3A_286 = tpu.vector_load_idx %parallel_loop3A_285[%parallel_loop3A_223] : memref<15488xf32, #tpu.memory_space<vmem>>[vector<16xi32>], vector<16xf32>,
        %parallel_loop3A_287 = arith.constant 640 : i32
        %parallel_loop3A_288 = tpu.memref_slice %arg6[%parallel_loop3A_287] : memref<32768xf32, #tpu.memory_space<vmem>> -> memref<15488xf32, #tpu.memory_space<vmem>>
        %parallel_loop3A_289 = tpu.vector_load_idx %parallel_loop3A_288[%parallel_loop3A_223] : memref<15488xf32, #tpu.memory_space<vmem>>[vector<16xi32>], vector<16xf32>,
        %parallel_loop3A_290 = arith.constant 768 : i32
        %parallel_loop3A_291 = tpu.memref_slice %arg6[%parallel_loop3A_290] : memref<32768xf32, #tpu.memory_space<vmem>> -> memref<15488xf32, #tpu.memory_space<vmem>>
        %parallel_loop3A_292 = tpu.vector_load_idx %parallel_loop3A_291[%parallel_loop3A_223] : memref<15488xf32, #tpu.memory_space<vmem>>[vector<16xi32>], vector<16xf32>,
        %parallel_loop3A_293 = arith.constant 896 : i32
        %parallel_loop3A_294 = tpu.memref_slice %arg6[%parallel_loop3A_293] : memref<32768xf32, #tpu.memory_space<vmem>> -> memref<15488xf32, #tpu.memory_space<vmem>>
        %parallel_loop3A_295 = tpu.vector_load_idx %parallel_loop3A_294[%parallel_loop3A_223] : memref<15488xf32, #tpu.memory_space<vmem>>[vector<16xi32>], vector<16xf32>,
        %parallel_loop3A_296 = arith.constant 16384 : i32
        %parallel_loop3A_297 = tpu.memref_slice %arg6[%parallel_loop3A_296] : memref<32768xf32, #tpu.memory_space<vmem>> -> memref<15488xf32, #tpu.memory_space<vmem>>
        %parallel_loop3A_298 = tpu.vector_load_idx %parallel_loop3A_297[%parallel_loop3A_223] : memref<15488xf32, #tpu.memory_space<vmem>>[vector<16xi32>], vector<16xf32>,
        %parallel_loop3A_299 = arith.constant 16512 : i32
        %parallel_loop3A_300 = tpu.memref_slice %arg6[%parallel_loop3A_299] : memref<32768xf32, #tpu.memory_space<vmem>> -> memref<15488xf32, #tpu.memory_space<vmem>>
        %parallel_loop3A_301 = tpu.vector_load_idx %parallel_loop3A_300[%parallel_loop3A_223] : memref<15488xf32, #tpu.memory_space<vmem>>[vector<16xi32>], vector<16xf32>,
        %parallel_loop3A_302 = arith.constant 16640 : i32
        %parallel_loop3A_303 = tpu.memref_slice %arg6[%parallel_loop3A_302] : memref<32768xf32, #tpu.memory_space<vmem>> -> memref<15488xf32, #tpu.memory_space<vmem>>
        %parallel_loop3A_304 = tpu.vector_load_idx %parallel_loop3A_303[%parallel_loop3A_223] : memref<15488xf32, #tpu.memory_space<vmem>>[vector<16xi32>], vector<16xf32>,
        %parallel_loop3A_305 = arith.constant 16768 : i32
        %parallel_loop3A_306 = tpu.memref_slice %arg6[%parallel_loop3A_305] : memref<32768xf32, #tpu.memory_space<vmem>> -> memref<15488xf32, #tpu.memory_space<vmem>>
        %parallel_loop3A_307 = tpu.vector_load_idx %parallel_loop3A_306[%parallel_loop3A_223] : memref<15488xf32, #tpu.memory_space<vmem>>[vector<16xi32>], vector<16xf32>,
        %parallel_loop3A_308 = arith.constant 16896 : i32
        %parallel_loop3A_309 = tpu.memref_slice %arg6[%parallel_loop3A_308] : memref<32768xf32, #tpu.memory_space<vmem>> -> memref<15488xf32, #tpu.memory_space<vmem>>
        %parallel_loop3A_310 = tpu.vector_load_idx %parallel_loop3A_309[%parallel_loop3A_223] : memref<15488xf32, #tpu.memory_space<vmem>>[vector<16xi32>], vector<16xf32>,
        %parallel_loop3A_311 = arith.constant 17024 : i32
        %parallel_loop3A_312 = tpu.memref_slice %arg6[%parallel_loop3A_311] : memref<32768xf32, #tpu.memory_space<vmem>> -> memref<15488xf32, #tpu.memory_space<vmem>>
        %parallel_loop3A_313 = tpu.vector_load_idx %parallel_loop3A_312[%parallel_loop3A_223] : memref<15488xf32, #tpu.memory_space<vmem>>[vector<16xi32>], vector<16xf32>,
        %parallel_loop3A_314 = arith.constant 17152 : i32
        %parallel_loop3A_315 = tpu.memref_slice %arg6[%parallel_loop3A_314] : memref<32768xf32, #tpu.memory_space<vmem>> -> memref<15488xf32, #tpu.memory_space<vmem>>
        %parallel_loop3A_316 = tpu.vector_load_idx %parallel_loop3A_315[%parallel_loop3A_223] : memref<15488xf32, #tpu.memory_space<vmem>>[vector<16xi32>], vector<16xf32>,
        %parallel_loop3A_317 = arith.constant 17280 : i32
        %parallel_loop3A_318 = tpu.memref_slice %arg6[%parallel_loop3A_317] : memref<32768xf32, #tpu.memory_space<vmem>> -> memref<15488xf32, #tpu.memory_space<vmem>>
        %parallel_loop3A_319 = tpu.vector_load_idx %parallel_loop3A_318[%parallel_loop3A_223] : memref<15488xf32, #tpu.memory_space<vmem>>[vector<16xi32>], vector<16xf32>,
        %parallel_loop3A_320 = arith.constant 7 : i32
        %parallel_loop3A_321 = arith.shrsi %parallel_loop3A_169, %parallel_loop3A_320 : i32
        %parallel_loop3A_322 = arith.constant 10 : i32
        %parallel_loop3A_323 = arith.shli %parallel_loop3A_321, %parallel_loop3A_322 : i32
        %parallel_loop3A_324 = arith.constant 127 : i32
        %parallel_loop3A_325 = arith.andi %parallel_loop3A_169, %parallel_loop3A_324 : i32
        %parallel_loop3A_326 = arith.ori %parallel_loop3A_323, %parallel_loop3A_325 : i32
        %parallel_loop3A_327 = arith.constant 0 : i32
        %parallel_loop3A_328 = arith.addi %parallel_loop3A_326, %parallel_loop3A_327 : i32
        %parallel_loop3A_329 = tpu.assume_multiple %parallel_loop3A_328, 16 : i32
        %parallel_loop3A_330 = arith.mulf %parallel_loop3A_226, %parallel_loop3A_197 : vector<16xf32>
        %parallel_loop3A_331 = arith.mulf %parallel_loop3A_274, %parallel_loop3A_194 : vector<16xf32>
        %parallel_loop3A_332 = arith.addf %parallel_loop3A_330, %parallel_loop3A_331 : vector<16xf32>
        %parallel_loop3A_333 = arith.constant 0 : i32
        %parallel_loop3A_334 = arith.index_cast %parallel_loop3A_333 : i32 to index
        %parallel_loop3A_335 = arith.index_cast %parallel_loop3A_329 : i32 to index
        %parallel_loop3A_336 = tpu.vector_load %arg10[%parallel_loop3A_334, %parallel_loop3A_335] {strides = array<i32>} : memref<2x8192xf32, #tpu.memory_space<vmem>>, vector<16xf32>,
        tpu.vector_store %arg10[%parallel_loop3A_334, %parallel_loop3A_335], %parallel_loop3A_332 {strides = array<i32>} : memref<2x8192xf32, #tpu.memory_space<vmem>>, vector<16xf32>,
        %parallel_loop3A_337 = arith.constant 128 : i32
        %parallel_loop3A_338 = arith.addi %parallel_loop3A_326, %parallel_loop3A_337 : i32
        %parallel_loop3A_339 = tpu.assume_multiple %parallel_loop3A_338, 16 : i32
        %parallel_loop3A_340 = arith.mulf %parallel_loop3A_229, %parallel_loop3A_197 : vector<16xf32>
        %parallel_loop3A_341 = arith.mulf %parallel_loop3A_277, %parallel_loop3A_194 : vector<16xf32>
        %parallel_loop3A_342 = arith.addf %parallel_loop3A_340, %parallel_loop3A_341 : vector<16xf32>
        %parallel_loop3A_343 = arith.constant 0 : i32
        %parallel_loop3A_344 = arith.index_cast %parallel_loop3A_343 : i32 to index
        %parallel_loop3A_345 = arith.index_cast %parallel_loop3A_339 : i32 to index
        %parallel_loop3A_346 = tpu.vector_load %arg10[%parallel_loop3A_344, %parallel_loop3A_345] {strides = array<i32>} : memref<2x8192xf32, #tpu.memory_space<vmem>>, vector<16xf32>,
        tpu.vector_store %arg10[%parallel_loop3A_344, %parallel_loop3A_345], %parallel_loop3A_342 {strides = array<i32>} : memref<2x8192xf32, #tpu.memory_space<vmem>>, vector<16xf32>,
        %parallel_loop3A_347 = arith.constant 256 : i32
        %parallel_loop3A_348 = arith.addi %parallel_loop3A_326, %parallel_loop3A_347 : i32
        %parallel_loop3A_349 = tpu.assume_multiple %parallel_loop3A_348, 16 : i32
        %parallel_loop3A_350 = arith.mulf %parallel_loop3A_232, %parallel_loop3A_197 : vector<16xf32>
        %parallel_loop3A_351 = arith.mulf %parallel_loop3A_280, %parallel_loop3A_194 : vector<16xf32>
        %parallel_loop3A_352 = arith.addf %parallel_loop3A_350, %parallel_loop3A_351 : vector<16xf32>
        %parallel_loop3A_353 = arith.constant 0 : i32
        %parallel_loop3A_354 = arith.index_cast %parallel_loop3A_353 : i32 to index
        %parallel_loop3A_355 = arith.index_cast %parallel_loop3A_349 : i32 to index
        %parallel_loop3A_356 = tpu.vector_load %arg10[%parallel_loop3A_354, %parallel_loop3A_355] {strides = array<i32>} : memref<2x8192xf32, #tpu.memory_space<vmem>>, vector<16xf32>,
        tpu.vector_store %arg10[%parallel_loop3A_354, %parallel_loop3A_355], %parallel_loop3A_352 {strides = array<i32>} : memref<2x8192xf32, #tpu.memory_space<vmem>>, vector<16xf32>,
        %parallel_loop3A_357 = arith.constant 384 : i32
        %parallel_loop3A_358 = arith.addi %parallel_loop3A_326, %parallel_loop3A_357 : i32
        %parallel_loop3A_359 = tpu.assume_multiple %parallel_loop3A_358, 16 : i32
        %parallel_loop3A_360 = arith.mulf %parallel_loop3A_235, %parallel_loop3A_197 : vector<16xf32>
        %parallel_loop3A_361 = arith.mulf %parallel_loop3A_283, %parallel_loop3A_194 : vector<16xf32>
        %parallel_loop3A_362 = arith.addf %parallel_loop3A_360, %parallel_loop3A_361 : vector<16xf32>
        %parallel_loop3A_363 = arith.constant 0 : i32
        %parallel_loop3A_364 = arith.index_cast %parallel_loop3A_363 : i32 to index
        %parallel_loop3A_365 = arith.index_cast %parallel_loop3A_359 : i32 to index
        %parallel_loop3A_366 = tpu.vector_load %arg10[%parallel_loop3A_364, %parallel_loop3A_365] {strides = array<i32>} : memref<2x8192xf32, #tpu.memory_space<vmem>>, vector<16xf32>,
        tpu.vector_store %arg10[%parallel_loop3A_364, %parallel_loop3A_365], %parallel_loop3A_362 {strides = array<i32>} : memref<2x8192xf32, #tpu.memory_space<vmem>>, vector<16xf32>,
        %parallel_loop3A_367 = arith.constant 512 : i32
        %parallel_loop3A_368 = arith.addi %parallel_loop3A_326, %parallel_loop3A_367 : i32
        %parallel_loop3A_369 = tpu.assume_multiple %parallel_loop3A_368, 16 : i32
        %parallel_loop3A_370 = arith.mulf %parallel_loop3A_238, %parallel_loop3A_197 : vector<16xf32>
        %parallel_loop3A_371 = arith.mulf %parallel_loop3A_286, %parallel_loop3A_194 : vector<16xf32>
        %parallel_loop3A_372 = arith.addf %parallel_loop3A_370, %parallel_loop3A_371 : vector<16xf32>
        %parallel_loop3A_373 = arith.constant 0 : i32
        %parallel_loop3A_374 = arith.index_cast %parallel_loop3A_373 : i32 to index
        %parallel_loop3A_375 = arith.index_cast %parallel_loop3A_369 : i32 to index
        %parallel_loop3A_376 = tpu.vector_load %arg10[%parallel_loop3A_374, %parallel_loop3A_375] {strides = array<i32>} : memref<2x8192xf32, #tpu.memory_space<vmem>>, vector<16xf32>,
        tpu.vector_store %arg10[%parallel_loop3A_374, %parallel_loop3A_375], %parallel_loop3A_372 {strides = array<i32>} : memref<2x8192xf32, #tpu.memory_space<vmem>>, vector<16xf32>,
        %parallel_loop3A_377 = arith.constant 640 : i32
        %parallel_loop3A_378 = arith.addi %parallel_loop3A_326, %parallel_loop3A_377 : i32
        %parallel_loop3A_379 = tpu.assume_multiple %parallel_loop3A_378, 16 : i32
        %parallel_loop3A_380 = arith.mulf %parallel_loop3A_241, %parallel_loop3A_197 : vector<16xf32>
        %parallel_loop3A_381 = arith.mulf %parallel_loop3A_289, %parallel_loop3A_194 : vector<16xf32>
        %parallel_loop3A_382 = arith.addf %parallel_loop3A_380, %parallel_loop3A_381 : vector<16xf32>
        %parallel_loop3A_383 = arith.constant 0 : i32
        %parallel_loop3A_384 = arith.index_cast %parallel_loop3A_383 : i32 to index
        %parallel_loop3A_385 = arith.index_cast %parallel_loop3A_379 : i32 to index
        %parallel_loop3A_386 = tpu.vector_load %arg10[%parallel_loop3A_384, %parallel_loop3A_385] {strides = array<i32>} : memref<2x8192xf32, #tpu.memory_space<vmem>>, vector<16xf32>,
        tpu.vector_store %arg10[%parallel_loop3A_384, %parallel_loop3A_385], %parallel_loop3A_382 {strides = array<i32>} : memref<2x8192xf32, #tpu.memory_space<vmem>>, vector<16xf32>,
        %parallel_loop3A_387 = arith.constant 768 : i32
        %parallel_loop3A_388 = arith.addi %parallel_loop3A_326, %parallel_loop3A_387 : i32
        %parallel_loop3A_389 = tpu.assume_multiple %parallel_loop3A_388, 16 : i32
        %parallel_loop3A_390 = arith.mulf %parallel_loop3A_244, %parallel_loop3A_197 : vector<16xf32>
        %parallel_loop3A_391 = arith.mulf %parallel_loop3A_292, %parallel_loop3A_194 : vector<16xf32>
        %parallel_loop3A_392 = arith.addf %parallel_loop3A_390, %parallel_loop3A_391 : vector<16xf32>
        %parallel_loop3A_393 = arith.constant 0 : i32
        %parallel_loop3A_394 = arith.index_cast %parallel_loop3A_393 : i32 to index
        %parallel_loop3A_395 = arith.index_cast %parallel_loop3A_389 : i32 to index
        %parallel_loop3A_396 = tpu.vector_load %arg10[%parallel_loop3A_394, %parallel_loop3A_395] {strides = array<i32>} : memref<2x8192xf32, #tpu.memory_space<vmem>>, vector<16xf32>,
        tpu.vector_store %arg10[%parallel_loop3A_394, %parallel_loop3A_395], %parallel_loop3A_392 {strides = array<i32>} : memref<2x8192xf32, #tpu.memory_space<vmem>>, vector<16xf32>,
        %parallel_loop3A_397 = arith.constant 896 : i32
        %parallel_loop3A_398 = arith.addi %parallel_loop3A_326, %parallel_loop3A_397 : i32
        %parallel_loop3A_399 = tpu.assume_multiple %parallel_loop3A_398, 16 : i32
        %parallel_loop3A_400 = arith.mulf %parallel_loop3A_247, %parallel_loop3A_197 : vector<16xf32>
        %parallel_loop3A_401 = arith.mulf %parallel_loop3A_295, %parallel_loop3A_194 : vector<16xf32>
        %parallel_loop3A_402 = arith.addf %parallel_loop3A_400, %parallel_loop3A_401 : vector<16xf32>
        %parallel_loop3A_403 = arith.constant 0 : i32
        %parallel_loop3A_404 = arith.index_cast %parallel_loop3A_403 : i32 to index
        %parallel_loop3A_405 = arith.index_cast %parallel_loop3A_399 : i32 to index
        %parallel_loop3A_406 = tpu.vector_load %arg10[%parallel_loop3A_404, %parallel_loop3A_405] {strides = array<i32>} : memref<2x8192xf32, #tpu.memory_space<vmem>>, vector<16xf32>,
        tpu.vector_store %arg10[%parallel_loop3A_404, %parallel_loop3A_405], %parallel_loop3A_402 {strides = array<i32>} : memref<2x8192xf32, #tpu.memory_space<vmem>>, vector<16xf32>,
        %parallel_loop3A_407 = arith.constant 0 : i32
        %parallel_loop3A_408 = arith.addi %parallel_loop3A_326, %parallel_loop3A_407 : i32
        %parallel_loop3A_409 = tpu.assume_multiple %parallel_loop3A_408, 16 : i32
        %parallel_loop3A_410 = arith.mulf %parallel_loop3A_250, %parallel_loop3A_197 : vector<16xf32>
        %parallel_loop3A_411 = arith.mulf %parallel_loop3A_298, %parallel_loop3A_194 : vector<16xf32>
        %parallel_loop3A_412 = arith.addf %parallel_loop3A_410, %parallel_loop3A_411 : vector<16xf32>
        %parallel_loop3A_413 = arith.constant 1 : i32
        %parallel_loop3A_414 = arith.index_cast %parallel_loop3A_413 : i32 to index
        %parallel_loop3A_415 = arith.index_cast %parallel_loop3A_409 : i32 to index
        %parallel_loop3A_416 = tpu.vector_load %arg10[%parallel_loop3A_414, %parallel_loop3A_415] {strides = array<i32>} : memref<2x8192xf32, #tpu.memory_space<vmem>>, vector<16xf32>,
        tpu.vector_store %arg10[%parallel_loop3A_414, %parallel_loop3A_415], %parallel_loop3A_412 {strides = array<i32>} : memref<2x8192xf32, #tpu.memory_space<vmem>>, vector<16xf32>,
        %parallel_loop3A_417 = arith.constant 128 : i32
        %parallel_loop3A_418 = arith.addi %parallel_loop3A_326, %parallel_loop3A_417 : i32
        %parallel_loop3A_419 = tpu.assume_multiple %parallel_loop3A_418, 16 : i32
        %parallel_loop3A_420 = arith.mulf %parallel_loop3A_253, %parallel_loop3A_197 : vector<16xf32>
        %parallel_loop3A_421 = arith.mulf %parallel_loop3A_301, %parallel_loop3A_194 : vector<16xf32>
        %parallel_loop3A_422 = arith.addf %parallel_loop3A_420, %parallel_loop3A_421 : vector<16xf32>
        %parallel_loop3A_423 = arith.constant 1 : i32
        %parallel_loop3A_424 = arith.index_cast %parallel_loop3A_423 : i32 to index
        %parallel_loop3A_425 = arith.index_cast %parallel_loop3A_419 : i32 to index
        %parallel_loop3A_426 = tpu.vector_load %arg10[%parallel_loop3A_424, %parallel_loop3A_425] {strides = array<i32>} : memref<2x8192xf32, #tpu.memory_space<vmem>>, vector<16xf32>,
        tpu.vector_store %arg10[%parallel_loop3A_424, %parallel_loop3A_425], %parallel_loop3A_422 {strides = array<i32>} : memref<2x8192xf32, #tpu.memory_space<vmem>>, vector<16xf32>,
        %parallel_loop3A_427 = arith.constant 256 : i32
        %parallel_loop3A_428 = arith.addi %parallel_loop3A_326, %parallel_loop3A_427 : i32
        %parallel_loop3A_429 = tpu.assume_multiple %parallel_loop3A_428, 16 : i32
        %parallel_loop3A_430 = arith.mulf %parallel_loop3A_256, %parallel_loop3A_197 : vector<16xf32>
        %parallel_loop3A_431 = arith.mulf %parallel_loop3A_304, %parallel_loop3A_194 : vector<16xf32>
        %parallel_loop3A_432 = arith.addf %parallel_loop3A_430, %parallel_loop3A_431 : vector<16xf32>
        %parallel_loop3A_433 = arith.constant 1 : i32
        %parallel_loop3A_434 = arith.index_cast %parallel_loop3A_433 : i32 to index
        %parallel_loop3A_435 = arith.index_cast %parallel_loop3A_429 : i32 to index
        %parallel_loop3A_436 = tpu.vector_load %arg10[%parallel_loop3A_434, %parallel_loop3A_435] {strides = array<i32>} : memref<2x8192xf32, #tpu.memory_space<vmem>>, vector<16xf32>,
        tpu.vector_store %arg10[%parallel_loop3A_434, %parallel_loop3A_435], %parallel_loop3A_432 {strides = array<i32>} : memref<2x8192xf32, #tpu.memory_space<vmem>>, vector<16xf32>,
        %parallel_loop3A_437 = arith.constant 384 : i32
        %parallel_loop3A_438 = arith.addi %parallel_loop3A_326, %parallel_loop3A_437 : i32
        %parallel_loop3A_439 = tpu.assume_multiple %parallel_loop3A_438, 16 : i32
        %parallel_loop3A_440 = arith.mulf %parallel_loop3A_259, %parallel_loop3A_197 : vector<16xf32>
        %parallel_loop3A_441 = arith.mulf %parallel_loop3A_307, %parallel_loop3A_194 : vector<16xf32>
        %parallel_loop3A_442 = arith.addf %parallel_loop3A_440, %parallel_loop3A_441 : vector<16xf32>
        %parallel_loop3A_443 = arith.constant 1 : i32
        %parallel_loop3A_444 = arith.index_cast %parallel_loop3A_443 : i32 to index
        %parallel_loop3A_445 = arith.index_cast %parallel_loop3A_439 : i32 to index
        %parallel_loop3A_446 = tpu.vector_load %arg10[%parallel_loop3A_444, %parallel_loop3A_445] {strides = array<i32>} : memref<2x8192xf32, #tpu.memory_space<vmem>>, vector<16xf32>,
        tpu.vector_store %arg10[%parallel_loop3A_444, %parallel_loop3A_445], %parallel_loop3A_442 {strides = array<i32>} : memref<2x8192xf32, #tpu.memory_space<vmem>>, vector<16xf32>,
        %parallel_loop3A_447 = arith.constant 512 : i32
        %parallel_loop3A_448 = arith.addi %parallel_loop3A_326, %parallel_loop3A_447 : i32
        %parallel_loop3A_449 = tpu.assume_multiple %parallel_loop3A_448, 16 : i32
        %parallel_loop3A_450 = arith.mulf %parallel_loop3A_262, %parallel_loop3A_197 : vector<16xf32>
        %parallel_loop3A_451 = arith.mulf %parallel_loop3A_310, %parallel_loop3A_194 : vector<16xf32>
        %parallel_loop3A_452 = arith.addf %parallel_loop3A_450, %parallel_loop3A_451 : vector<16xf32>
        %parallel_loop3A_453 = arith.constant 1 : i32
        %parallel_loop3A_454 = arith.index_cast %parallel_loop3A_453 : i32 to index
        %parallel_loop3A_455 = arith.index_cast %parallel_loop3A_449 : i32 to index
        %parallel_loop3A_456 = tpu.vector_load %arg10[%parallel_loop3A_454, %parallel_loop3A_455] {strides = array<i32>} : memref<2x8192xf32, #tpu.memory_space<vmem>>, vector<16xf32>,
        tpu.vector_store %arg10[%parallel_loop3A_454, %parallel_loop3A_455], %parallel_loop3A_452 {strides = array<i32>} : memref<2x8192xf32, #tpu.memory_space<vmem>>, vector<16xf32>,
        %parallel_loop3A_457 = arith.constant 640 : i32
        %parallel_loop3A_458 = arith.addi %parallel_loop3A_326, %parallel_loop3A_457 : i32
        %parallel_loop3A_459 = tpu.assume_multiple %parallel_loop3A_458, 16 : i32
        %parallel_loop3A_460 = arith.mulf %parallel_loop3A_265, %parallel_loop3A_197 : vector<16xf32>
        %parallel_loop3A_461 = arith.mulf %parallel_loop3A_313, %parallel_loop3A_194 : vector<16xf32>
        %parallel_loop3A_462 = arith.addf %parallel_loop3A_460, %parallel_loop3A_461 : vector<16xf32>
        %parallel_loop3A_463 = arith.constant 1 : i32
        %parallel_loop3A_464 = arith.index_cast %parallel_loop3A_463 : i32 to index
        %parallel_loop3A_465 = arith.index_cast %parallel_loop3A_459 : i32 to index
        %parallel_loop3A_466 = tpu.vector_load %arg10[%parallel_loop3A_464, %parallel_loop3A_465] {strides = array<i32>} : memref<2x8192xf32, #tpu.memory_space<vmem>>, vector<16xf32>,
        tpu.vector_store %arg10[%parallel_loop3A_464, %parallel_loop3A_465], %parallel_loop3A_462 {strides = array<i32>} : memref<2x8192xf32, #tpu.memory_space<vmem>>, vector<16xf32>,
        %parallel_loop3A_467 = arith.constant 768 : i32
        %parallel_loop3A_468 = arith.addi %parallel_loop3A_326, %parallel_loop3A_467 : i32
        %parallel_loop3A_469 = tpu.assume_multiple %parallel_loop3A_468, 16 : i32
        %parallel_loop3A_470 = arith.mulf %parallel_loop3A_268, %parallel_loop3A_197 : vector<16xf32>
        %parallel_loop3A_471 = arith.mulf %parallel_loop3A_316, %parallel_loop3A_194 : vector<16xf32>
        %parallel_loop3A_472 = arith.addf %parallel_loop3A_470, %parallel_loop3A_471 : vector<16xf32>
        %parallel_loop3A_473 = arith.constant 1 : i32
        %parallel_loop3A_474 = arith.index_cast %parallel_loop3A_473 : i32 to index
        %parallel_loop3A_475 = arith.index_cast %parallel_loop3A_469 : i32 to index
        %parallel_loop3A_476 = tpu.vector_load %arg10[%parallel_loop3A_474, %parallel_loop3A_475] {strides = array<i32>} : memref<2x8192xf32, #tpu.memory_space<vmem>>, vector<16xf32>,
        tpu.vector_store %arg10[%parallel_loop3A_474, %parallel_loop3A_475], %parallel_loop3A_472 {strides = array<i32>} : memref<2x8192xf32, #tpu.memory_space<vmem>>, vector<16xf32>,
        %parallel_loop3A_477 = arith.constant 896 : i32
        %parallel_loop3A_478 = arith.addi %parallel_loop3A_326, %parallel_loop3A_477 : i32
        %parallel_loop3A_479 = tpu.assume_multiple %parallel_loop3A_478, 16 : i32
        %parallel_loop3A_480 = arith.mulf %parallel_loop3A_271, %parallel_loop3A_197 : vector<16xf32>
        %parallel_loop3A_481 = arith.mulf %parallel_loop3A_319, %parallel_loop3A_194 : vector<16xf32>
        %parallel_loop3A_482 = arith.addf %parallel_loop3A_480, %parallel_loop3A_481 : vector<16xf32>
        %parallel_loop3A_483 = arith.constant 1 : i32
        %parallel_loop3A_484 = arith.index_cast %parallel_loop3A_483 : i32 to index
        %parallel_loop3A_485 = arith.index_cast %parallel_loop3A_479 : i32 to index
        %parallel_loop3A_486 = tpu.vector_load %arg10[%parallel_loop3A_484, %parallel_loop3A_485] {strides = array<i32>} : memref<2x8192xf32, #tpu.memory_space<vmem>>, vector<16xf32>,
        tpu.vector_store %arg10[%parallel_loop3A_484, %parallel_loop3A_485], %parallel_loop3A_482 {strides = array<i32>} : memref<2x8192xf32, #tpu.memory_space<vmem>>, vector<16xf32>,
      } {sc.loop_unroll_factor = 2 : i64, sc.parallel_access}
      %dma_start3A_157 = arith.constant 1 : i32
      %dma_start3A_158 = arith.constant 0 : i32
      %dma_start3A_159 = arith.constant 0 : i32
      %dma_start3A_160 = tpu.memref_slice %arg4[%add3A_131, %dma_start3A_158, %dma_start3A_157, %dma_start3A_159] : memref<1024x2x2x8192xf32, #tpu.memory_space<hbm>> -> memref<1x2x1x8192xf32, #tpu.memory_space<hbm>>
      %dma_start3A_161 = tpu.memref_squeeze %dma_start3A_160 : memref<1x2x1x8192xf32, #tpu.memory_space<hbm>> -> memref<2x8192xf32, #tpu.memory_space<hbm>>
      %dma_start3A_162 = arith.constant 0 : i32
      %dma_start3A_163 = arith.constant 0 : i32
      %dma_start3A_164 = tpu.memref_slice %arg4[%add3A_131, %dma_start3A_162, %dma_start3A_157, %dma_start3A_163] : memref<1024x2x2x8192xf32, #tpu.memory_space<hbm>> -> memref<1x2x1x8192xf32, #tpu.memory_space<hbm>>
      %dma_start3A_165 = tpu.memref_squeeze %dma_start3A_164 : memref<1x2x1x8192xf32, #tpu.memory_space<hbm>> -> memref<2x8192xf32, #tpu.memory_space<hbm>>
      tpu.enqueue_dma source(%arg10 : memref<2x8192xf32, #tpu.memory_space<vmem>>) target(%dma_start3A_165 : memref<2x8192xf32, #tpu.memory_space<hbm>>) target_semaphore(%arg16 : memref<!tpu.dma_semaphore, #tpu.memory_space<semaphore_mem>>)
    }
    %scan3A_24 = arith.constant 16 : i32
    %dma_wait3A = arith.constant 0 : i32
    %dma_wait3A_25 = arith.constant 0 : i32
    %dma_wait3A_26 = arith.constant 0 : i32
    %dma_wait3A_27 = arith.constant 0 : i32
    %dma_wait3A_28 = tpu.memref_slice %arg4[%dma_wait3A, %dma_wait3A_26, %dma_wait3A_25, %dma_wait3A_27] : memref<1024x2x2x8192xf32, #tpu.memory_space<hbm>> -> memref<1x2x1x8192xf32, #tpu.memory_space<hbm>>
    %dma_wait3A_29 = tpu.memref_squeeze %dma_wait3A_28 : memref<1x2x1x8192xf32, #tpu.memory_space<hbm>> -> memref<2x8192xf32, #tpu.memory_space<hbm>>
    %dma_wait3A_30 = arith.constant 0 : i32
    %dma_wait3A_31 = arith.constant 0 : i32
    %dma_wait3A_32 = tpu.memref_slice %arg4[%dma_wait3A, %dma_wait3A_30, %dma_wait3A_25, %dma_wait3A_31] : memref<1024x2x2x8192xf32, #tpu.memory_space<hbm>> -> memref<1x2x1x8192xf32, #tpu.memory_space<hbm>>
    %dma_wait3A_33 = tpu.memref_squeeze %dma_wait3A_32 : memref<1x2x1x8192xf32, #tpu.memory_space<hbm>> -> memref<2x8192xf32, #tpu.memory_space<hbm>>
    tpu.wait_dma2 semaphore(%arg15 : memref<!tpu.dma_semaphore, #tpu.memory_space<semaphore_mem>>) src(%arg9 : memref<2x8192xf32, #tpu.memory_space<vmem>>) dst(%dma_wait3A_33 : memref<2x8192xf32, #tpu.memory_space<hbm>>)
    %dma_wait3A_34 = arith.constant 0 : i32
    %dma_wait3A_35 = arith.constant 0 : i32
    %dma_wait3A_36 = arith.constant 0 : i32
    %dma_wait3A_37 = arith.constant 0 : i32
    %dma_wait3A_38 = tpu.memref_slice %arg4[%dma_wait3A_34, %dma_wait3A_36, %dma_wait3A_35, %dma_wait3A_37] : memref<1024x2x2x8192xf32, #tpu.memory_space<hbm>> -> memref<1x2x1x8192xf32, #tpu.memory_space<hbm>>
    %dma_wait3A_39 = tpu.memref_squeeze %dma_wait3A_38 : memref<1x2x1x8192xf32, #tpu.memory_space<hbm>> -> memref<2x8192xf32, #tpu.memory_space<hbm>>
    %dma_wait3A_40 = arith.constant 0 : i32
    %dma_wait3A_41 = arith.constant 0 : i32
    %dma_wait3A_42 = tpu.memref_slice %arg4[%dma_wait3A_34, %dma_wait3A_40, %dma_wait3A_35, %dma_wait3A_41] : memref<1024x2x2x8192xf32, #tpu.memory_space<hbm>> -> memref<1x2x1x8192xf32, #tpu.memory_space<hbm>>
    %dma_wait3A_43 = tpu.memref_squeeze %dma_wait3A_42 : memref<1x2x1x8192xf32, #tpu.memory_space<hbm>> -> memref<2x8192xf32, #tpu.memory_space<hbm>>
    tpu.wait_dma2 semaphore(%arg16 : memref<!tpu.dma_semaphore, #tpu.memory_space<semaphore_mem>>) src(%arg10 : memref<2x8192xf32, #tpu.memory_space<vmem>>) dst(%dma_wait3A_43 : memref<2x8192xf32, #tpu.memory_space<hbm>>)
    return
  }
}

</mosaic_0001>

<sc_bundles>
// kernel: kernel.3.cloned.1.call-start
scs
__scs_entry_jumppad:
0x0: {  	(pc) =	sbr.rel $0x88, $3  }
0x1: {  	(tag) =	ssettag $0x0;
	lr =	simm.s32 $0x1  }
0x2: {  	[smem:$0x3F9F] =	sst lr;
	_ =	strace $0xD0000000  }
0x3: {  	_ = 	snop  }
0x4: {  	_ = 	snop  }
0x5: {  	_ = 	snop  }
0x6: {  	_ = 	snop  }
0x7: {  	_ = 	snop  }
__scs_overlays_trampoline_lowered:
0x8: {  	[smem:$0x3FAE] =	sst s0  }
0x9: {  	[smem:$0x3FAF] =	sst s1  }
0xa: {  	[smem:$0x3FB0] =	sst s2  }
0xb: {  	[smem:$0x3FB1] =	sst s3  }
0xc: {  	[smem:$0x3FB2] =	sst s4  }
0xd: {  	[smem:$0x3FB3] =	sst s5  }
0xe: {  	[smem:$0x3FB4] =	sst s6  }
0xf: {  	[smem:$0x3FB5] =	sst s7  }
0x10: {  	[smem:$0x3FB6] =	sst s8  }
0x11: {  	[smem:$0x3FB7] =	sst s9;
	s0 =	simm.s32 @!p0 $0x0  }
0x12: {  	s1 =	sld [smem:$0x3F9D];
	s0 =	simm.s32 @p0 $0x1  }
0x13: {  	[smem:$0x3FB8] =	sst s0;
	s0 =	simm.s32 @!p1 $0x0  }
0x14: {  	s2 =	sld [smem:$0x3F9C];
	s0 =	simm.s32 @p1 $0x1  }
0x15: {  	[smem:$0x3FB9] =	sst s0;
	s0 =	simm.s32 @!p2 $0x0  }
0x16: {  	s3 =	sld [smem:$0x3FDB];
	s0 =	simm.s32 @p2 $0x1  }
0x17: {  	s4 =	simm.s32 $0x1BF5;
	[smem:$0x3FBB] =	sst s0  }
0x18: {  	s0 =	sld [smem:$0x3F9E];
	_ =	swait.ge [sflag:s4], $0x0  }
0x19: {  	s7 =	sld [smem:$0x3F9F]  }
0x1a: {  	s8 =	sadd.s32 $0xFFFFE003, lr  }
0x1b: {  	s9 =	sadd.s32 $0xFFFFFEF7, lr;
	s5 =	simm.s32 $0xFFFFFFFF;
	p2 =	slt.u32 s8, $0xFFFFF086  }
0x1c: {  	p1 =	slt.u32 s9, $0xF7A;
	s5 =	simm.s32 @!p2 $0x0  }
0x1d: {  	s5 =	simm.s32 @p1 $0x1;
	p0 =	seq.s32 s7, s2  }
0x1e: {  	s7 =	smul.u32 @!p0 $0xF7A, s2;
	p2 =	seq.s32 @!p0 s5, $0x0  }
0x1f: {  	s9 =	smul.u32 $0xF7A, s1;
	s8 =	simm.s32 @!p0 $0x1BF5;
	p2 =	por !p2, p0  }
0x20: {  	[sflag:s8] =	ssyncset.s32 @!p0 $0xFFFFF086;
	s6 =	sadd.s32 @!p0 s3, s7;
	s7 =	simm.s32 @!p0 $0x108  }
0x21: {  	s3 =	sadd.s32 s3, s9;
	s6 =	sadd.s32 @!p0 $0x88, s6;
	s7 =	simm.s32 @p2 $0x1082  }
0x22: {  	[simem:s7], [sflag:s8] =	dma.local @!p0 [hbm:s6], $0xF7A  }
0x23: {  	s9 =	sor.u32 $0xD0000000, s2;
	s6 =	simm.s32 $0x108;
	_ =	swait.ge @!p0 [sflag:s8], $0x0  }
0x24: {  	s3 =	sadd.s32 $0x88, s3;
	s6 =	simm.s32 @!p1 $0x1082;
	[sflag:s4] =	ssyncset.s32 $0xFFFFF086  }
0x25: {  	[simem:s6], [sflag:s4] =	dma.local [hbm:s3], $0xF7A  }
0x26: {  	[smem:$0x3F9F] =	sst s1;
	(tag) =	ssettag s2;
	_ =	strace s9  }
0x27: {  	s1 =	sld [smem:$0x3FAF]  }
0x28: {  	s2 =	sld [smem:$0x3FB0]  }
0x29: {  	s4 =	sld [smem:$0x3FB2]  }
0x2a: {  	p0 =	seq.s32 s5, $0x0;
	s5 =	sld [smem:$0x3FB3]  }
0x2b: {  	s6 =	sld [smem:$0x3FB4]  }
0x2c: {  	s7 =	sld [smem:$0x3FB5]  }
0x2d: {  	s3 =	simm.s32 $0x108;
	s8 =	sld [smem:$0x3FB6]  }
0x2e: {  	s3 =	simm.s32 @!p0 $0x1082;
	s9 =	sld [smem:$0x3FB7]  }
0x2f: {  	lr =	sadd.s32 s0, s3;
	s0 =	sld [smem:$0x3FAE]  }
0x30: {  	s3 =	sld [smem:$0x3FB1]  }
0x31: {  	[smem:$0x3FBA] =	sst s10  }
0x32: {  	s10 =	sld [smem:$0x3FB8];
	_ =	sdelay $0x3  }
0x33: {  	p0 =	seq.s32 s10, $0x1;
	s10 =	sld [smem:$0x3FBA];
	_ =	sdelay $0x3  }
0x34: {  	[smem:$0x3FBA] =	sst s10  }
0x35: {  	s10 =	sld [smem:$0x3FB9];
	_ =	sdelay $0x3  }
0x36: {  	p1 =	seq.s32 s10, $0x1;
	s10 =	sld [smem:$0x3FBA];
	_ =	sdelay $0x3  }
0x37: {  	[smem:$0x3FBA] =	sst s10  }
0x38: {  	s10 =	sld [smem:$0x3FBB]  }
0x39: {  	_ = 	snop;
	(pc) =	sbr.ind lr, $3  }
0x3a: {  	_ = 	snop  }
0x3b: {  	_ = 	snop  }
0x3c: {  	p2 =	seq.s32 s10, $0x1;
	s10 =	sld [smem:$0x3FBA]  }
0x3d: {  	_ =	shalt  }
0x3e: {  	_ =	shalt  }
0x3f: {  	_ =	shalt  }
0x40: {  	_ =	shalt  }
0x41: {  	_ =	shalt  }
0x42: {  	_ =	shalt  }
0x43: {  	_ =	shalt  }
0x44: {  	_ =	shalt  }
0x45: {  	_ =	shalt  }
0x46: {  	_ =	shalt  }
0x47: {  	_ =	shalt  }
0x48: {  	_ =	shalt  }
0x49: {  	_ =	shalt  }
0x4a: {  	_ =	shalt  }
0x4b: {  	_ =	shalt  }
0x4c: {  	_ =	shalt  }
0x4d: {  	_ =	shalt  }
0x4e: {  	_ =	shalt  }
0x4f: {  	_ =	shalt  }
0x50: {  	_ =	shalt  }
0x51: {  	_ =	shalt  }
0x52: {  	_ =	shalt  }
0x53: {  	_ =	shalt  }
0x54: {  	_ =	shalt  }
0x55: {  	_ =	shalt  }
0x56: {  	_ =	shalt  }
0x57: {  	_ =	shalt  }
0x58: {  	_ =	shalt  }
0x59: {  	_ =	shalt  }
0x5a: {  	_ =	shalt  }
0x5b: {  	_ =	shalt  }
0x5c: {  	_ =	shalt  }
0x5d: {  	_ =	shalt  }
0x5e: {  	_ =	shalt  }
0x5f: {  	_ =	shalt  }
0x60: {  	_ =	shalt  }
0x61: {  	_ =	shalt  }
0x62: {  	_ =	shalt  }
0x63: {  	_ =	shalt  }
0x64: {  	_ =	shalt  }
0x65: {  	_ =	shalt  }
0x66: {  	_ =	shalt  }
0x67: {  	_ =	shalt  }
0x68: {  	_ =	shalt  }
0x69: {  	_ =	shalt  }
0x6a: {  	_ =	shalt  }
0x6b: {  	_ =	shalt  }
0x6c: {  	_ =	shalt  }
0x6d: {  	_ =	shalt  }
0x6e: {  	_ =	shalt  }
0x6f: {  	_ =	shalt  }
0x70: {  	_ =	shalt  }
0x71: {  	_ =	shalt  }
0x72: {  	_ =	shalt  }
0x73: {  	_ =	shalt  }
0x74: {  	_ =	shalt  }
0x75: {  	_ =	shalt  }
0x76: {  	_ =	shalt  }
0x77: {  	_ =	shalt  }
0x78: {  	_ =	shalt  }
0x79: {  	_ =	shalt  }
0x7a: {  	_ =	shalt  }
0x7b: {  	_ =	shalt  }
0x7c: {  	_ =	shalt  }
0x7d: {  	_ =	shalt  }
0x7e: {  	_ =	shalt  }
0x7f: {  	_ =	shalt  }
0x80: {  	_ =	shalt  }
0x81: {  	_ =	shalt  }
0x82: {  	_ =	shalt  }
0x83: {  	_ =	shalt  }
0x84: {  	_ =	shalt  }
0x85: {  	_ =	shalt  }
0x86: {  	_ =	shalt  }
0x87: {  	_ =	shalt  }
.Lfunc_end0:
.L_simem_size_0:
called_computation_lowered:
.L_overlay_start_0:
0x88: {  	s2 =	sld [smem:$0x3FD9]  }
0x89: {  	s3 =	sld [smem:$0x3FFE];
	_ =	sdelay $0x1  }
0x8a: {  	s1 =	srdreg.scid  }
0x8b: {  	s0 =	sand.u32 $0x1, s1  }
0x8c: {  	s18 =	sshll.u32 s0, $0xA;
	s2 =	sadd.s32 s3, s2  }
0x8d: {  	s2 =	sadd.s32 s2, s18  }
0x8e: {  	[smem:$0x3FC6] =	sst s2  }
0x8f: {  	_ = 	snop  }
0x90: {  	s2 =	sld [smem:$0x3FC9]  }
0x91: {  	s19 =	sld [smem:$0x3FC8]  }
0x92: {  	s4 =	sld [smem:$0x3FD0];
	(tm) =	ssettm $0x1  }
0x93: {  	s5 =	sld [smem:$0x3FFB];
	_ =	sdelay $0x3  }
0x94: {  	_ =	strace s5  }
0x95: {  	s5 =	sld [smem:$0x3FFC];
	_ =	sdelay $0x3  }
0x96: {  	_ =	strace s5  }
0x97: {  	s5 =	sld [smem:$0x3FFD];
	_ =	sdelay $0x3  }
0x98: {  	_ =	strace s5  }
0x99: {  	_ =	strace $0x8FFFFFFF  }
0x9a: {  	s20 =	sld [smem:$0x3FDB];
	_ =	sdelay $0x1  }
0x9b: {  	s6 =	simm.s32 $_scs_section_size  }
0x9c: {  	s7 =	simm.s32 $_size__tile_overlayer_lowered;
	s8 =	simm.s32 $_tile_overlayer_lowered  }
0x9d: {  	s23 =	simm.s32 $0x1BFF;
	s22 =	sshll.u32 s8, $0x1;
	s5 =	sadd.s32 s6, s20  }
0x9e: {  	s9 =	simm.s32 $0x0;
	s21 =	sshll.u32 s7, $0x1;
	s7 =	sadd.s32 s22, s5  }
0x9f: {  	[timem:s9], [sflag:s23] =	dma.local [hbm:s7], s21  }
0xa0: {  	_ =	swait.ge [sflag:s23], s21  }
0xa1: {  	s6 =	ssub.s32 $0x0, s21;
	[sflag:s23] =	ssyncset.done $0x0  }
0xa2: {  	[sflag:s23] =	ssyncadd.s32 s6;
	_ =	sdelay $0x1  }
0xa3: {  	s24 =	simm.s32 $0x1B8B  }
0xa4: {  	_ =	swait.ge [sflag:s24], $0x1  }
0xa5: {  	[sflag:s24] =	ssyncset.done $0x0  }
0xa6: {  	s25 =	simm.s32 $0x1B8E;
	[sflag:s24] =	ssyncadd.s32 $0xFFFFFFFF  }
0xa7: {  	s26 =	simm.s32 $execute0_lowered;
	[smem:$0x3FD2] =	sst s25  }
0xa8: {  	s6 =	sshll.u32 s26, $0x1;
	_ =	strace $0x80000046;
	[dreg:$0x1] =	wrdreg $0xFFFFFFFF  }
0xa9: {  	s28 =	simm.s32 $_size_execute0_lowered;
	s5 =	sadd.s32 s5, s6;
	[dreg:$0x0] =	wrdreg $0x0  }
0xaa: {  	s6 =	sshll.u32 s28, $0x1;
	[dreg:$0x2] =	wrdreg s5  }
0xab: {  	[dreg:$0x3] =	wrdreg s6  }
0xac: {  	[dreg:$0x4] =	wrdreg $0xC0  }
0xad: {  	_ =	task [dreg:s9], $0x5FFFF  }
0xae: {  	[dreg:$0x1] =	wrdreg $0xFFFFFFFF  }
0xaf: {  	[dreg:$0x0] =	wrdreg $0x60  }
0xb0: {  	[dreg:$0x2] =	wrdreg s2  }
0xb1: {  	[dreg:$0x3] =	wrdreg s19  }
0xb2: {  	[dreg:$0x4] =	wrdreg s4  }
0xb3: {  	[dreg:$0x5] =	wrdreg $0x9  }
0xb4: {  	_ =	task.clear_ibuf [dreg:s9], $0x6FFFF;
	_ =	strace $0x90000046  }
0xb5: {  	s29 =	simm.s32 $0x9;
	_ =	strace $0x80000048  }
0xb6: {  	_ =	swait.ge [sflag:s29], $0x1  }
0xb7: {  	[sflag:s29] =	ssyncadd.s32 $0xFFFFFFFF  }
0xb8: {  	_ =	strace $0x90000048  }
0xb9: {  	_ =	sfence  }
0xba: {  	s30 =	sld [smem:$0x0];
	_ =	sdelay $0x2  }
0xbb: {  	s31 =	sshll.u32 s1, $0xD;
	s1 =	sshrl.u32 s1, $0x2  }
0xbc: {  	s3 =	sand.u32 $0x4000, s31;
	s1 =	sadd.s32 s1, s30  }
0xbd: {  	s0 =	sor.u32 s3, s0;
	s1 =	sshll.u32 s1, $0x11  }
0xbe: {  	s0 =	sor.u32 s1, s0  }
0xbf: {  	s0 =	sadd.s32 $0x8F2B, s0  }
0xc0: {  	[sflag:s0] =	ssyncadd.remote.s32 $0x1  }
0xc1: {  	_ =	sfence.sel $0xFFFF  }
0xc2: {  	[dreg:$0x0] =	wrdreg $0xFFFFFFFF;
	(pc) =	sbr.abs _section_cstart, $3  }
0xc3: {  	[dreg:$0x1] =	wrdreg $0xFFFFFFFF  }
0xc4: {  	_ =	task.clear_ibuf [dreg:s9], $0x2FFFF;
	_ =	strace $0x9FFFFFFF  }
0xc5: {  	(tm) =	ssettm $0x7FFFFFFF  }
tec
execute0_lowered:
.L_overlay_start_1:
0x0: {  	(tag) =	ssettag $0x1  }
0x1: {  	s4 =	rddreg [dreg:$0x0]  }
0x2: {  	s5 =	rddreg [dreg:$0x1]  }
0x3: {  	s6 =	rddreg [dreg:$0x2]  }
0x4: {  	s23 =	simm.s32 $0x0;
	s0 =	srdreg.scid;
	s2 =	stileid.u32  }
0x5: {  	s21 =	simm.s32 $0x80;
	s28 =	simm.s32 $0x280;
	s29 =	simm.s32 $0x300  }
0x6: {  	s9 =	simm.s32 $0x380;
	s31 =	simm.s32 $0x4000;
	s12 =	simm.s32 $0x4100  }
0x7: {  	s8 =	simm.s32 $0x4280;
	s13 =	simm.s32 $0x4300;
	s7 =	simm.s32 $0x4380  }
0x8: {  	[smem:$0x7FF] =	sst s23;
	s0 =	sand.u32 $0x1, s0;
	s2 =	sshll.u32 s2, $0x6  }
0x9: {  	s30 =	sadd.s32 $0x400, s6;
	s6 =	simm.s32 $0xC200;
	s1 =	ssub.s32 $0x2, s0  }
0xa: {  	s0 =	sshll.u32 s0, $0x5;
	_ =	strace $0x80000047;
	s3 =	sshrl.u32 s1, $0x1  }
0xb: {  	[dreg:$0x7] =	wrdreg s30;
	s2 =	sor.u32 s0, s2;
	s24 =	ssub.s32 s1, s3  }
0xc: {  	s25 =	sshll.u32 s2, $0xC;
	[dreg:$0x4] =	wrdreg s2;
	s2 =	sshll.u32 s2, $0x8  }
0xd: {  	s3 =	simm.s32 $0x4200;
	s1 =	sadd.s32 s5, s25;
	s26 =	sadd.s32 s4, s2  }
0xe: {  	s0 =	smax.u32 s24, $0x1;
	s25 =	simm.s32 $0x8000;
	[dreg:$0x5] =	wrdreg s1  }
0xf: {  	s5 =	simm.s32 $0xC280;
	s2 =	simm.s32 $0x0;
	[dreg:$0x6] =	wrdreg s26  }
0x10: {  	[dreg:$0x8] =	wrdreg s0;
	s26 =	simm.s32 $0x200;
	s0 =	simm.s32 $0x4080  }
.LBB2_1:
0x11: {  	[dreg:$0x9] =	wrdreg s2  }
0x12: {  	s11 =	rddreg [dreg:$0x5]  }
0x13: {  	s30 =	rddreg [dreg:$0x6]  }
0x14: {  	[tilespmem:s23], [sflag:$0x1] =	stream.linear.gather [hbm4b:s11+s23], $0x8000, $0x38;
	[tilespmem:$0x19000] =	vst v63  }
0x15: {  	s14 =	simm.s32 $0x400;
	s18 =	simm.s32 $0x10000;
	s4 =	simm.s32 $0x0  }
0x16: {  	[tilespmem:s18], [sflag:$0x3] =	stream.strided.gather [hbm4b:s30+s21], $0x800, s14, s21, $0x38;
	[tilespmem:$0x19000] =	vst v63  }
.LBB2_2:
0x17: {  	s20 =	rddreg [dreg:$0x4]  }
0x18: {  	s18 =	rddreg [dreg:$0x1]  }
0x19: {  	s11 =	sshllo.u32 s4, $0x1;
	s10 =	rddreg [dreg:$0x0];
	s15 =	simm.s32 $0x400  }
0x1a: {  	s16 =	simm.s32 $0x10800;
	s14 =	sor.u32 s20, s11;
	s11 =	sshll.u32 s11, $0x4  }
0x1b: {  	s1 =	sshll.u32 s14, $0xC;
	s14 =	sshll.u32 s14, $0x8;
	s11 =	sand.u32 $0x70, s11  }
0x1c: {  	s18 =	sadd.s32 s18, s1;
	s14 =	sand.u32 $0x3F800, s14;
	s11 =	sadd.s32 s10, s11  }
0x1d: {  	[tilespmem:s25], [sflag:$0x2] =	stream.linear.gather [hbm4b:s18+s23], $0x8000, $0x38;
	[tilespmem:$0x19000] =	vst v63  }
0x1e: {  	s17 =	simm.s32 $0x1;
	[dreg:$0xb] =	wrdreg s1;
	s11 =	sadd.s32 s14, s11  }
0x1f: {  	[tilespmem:s16], [sflag:$0x4] =	stream.strided.gather [hbm4b:s11+s21], $0x800, s15, s21, $0x38;
	[tilespmem:$0x19000] =	vst v63  }
0x20: {  	_ =	swait.ge [sflag:s17], $0x8000  }
0x21: {  	[sflag:s17] =	ssyncset.done $0x0  }
0x22: {  	s18 =	simm.s32 $0x3;
	[sflag:s17] =	ssyncadd.s32 $0xFFFF8000  }
0x23: {  	_ =	swait.ge [sflag:s18], $0x800  }
0x24: {  	p0 =	seq.s32 s4, $0x0;
	[sflag:s18] =	ssyncset.done $0x0  }
0x25: {  	s11 =	simm.s32 @!p0 $0x5;
	[sflag:s18] =	ssyncadd.s32 $0xFFFFF800  }
0x26: {  	_ =	swait.ge @!p0 [sflag:s11], $0x4000  }
0x27: {  	[sflag:s11] =	ssyncset.done @!p0 $0x0  }
0x28: {  	s19 =	simm.s32 $0x10000;
	[sflag:s11] =	ssyncadd.s32 @!p0 $0xFFFFC000  }
0x29: {  	v0 =	vld [tilespmem:s19+$0x0];
	_ =	sdelay $0x4  }
0x2a: {  	v0 =	vmul.f32 $2.048000000e+03, v0;
	_ =	sdelay $0x1  }
0x2b: {  	v0 =	vadd.f32 $-5.000000000e-01, v0;
	_ =	sdelay $0x1  }
0x2c: {  	v0 =	vmax.f32 v0, $0.0e+00  }
0x2d: {  	v0 =	vmin.f32 v0, $2.047000000e+03  }
0x2e: {  	v1 =	vtrunc.f32 v0  }
0x2f: {  	v1 =	vcvt.f32.s32 v1;
	_ =	sdelay $0x1  }
0x30: {  	v3 =	vshll.u32 v1, $0x3  }
0x31: {  	v4 =	vand.u32 $0x7F, v1;
	v3 =	vand.u32 $0xFFFFFC00, v3  }
0x32: {  	s11 =	simm.s32 $0x0;
	v2 =	vadd.s32 $0x1, v1;
	v3 =	vor.u32 v4, v3  }
0x33: {  	s19 =	sand.u32 $0x60, s11;
	vm0 =	vlt.s32 v2, $0x7FF  }
0x34: {  	s22 =	sand.u32 $0x380, s11;
	s14 =	sor.u32 $0x10, s19;
	v2 =	vnsel vm0, $0x7FF, v2  }
0x35: {  	s18 =	sor.u32 s14, s22;
	v4 =	vshll.u32 v2, $0x3  }
0x36: {  	v16 =	vld [tilespmem:s18+$0x10000];
	v2 =	vand.u32 $0x7F, v2;
	v4 =	vand.u32 $0xFFFFFC00, v4  }
0x37: {  	v2 =	vor.u32 v2, v4;
	v4 =	vld.idx.msk [tilespmem:v3+s12+$0x0], $0xffff  }
0x38: {  	v5 =	vld.idx.msk [tilespmem:v3+s13+$0x0], $0xffff  }
0x39: {  	v6 =	vld.idx.msk [tilespmem:v3+s21+$0x0], $0xffff  }
0x3a: {  	v8 =	vld.idx.msk [tilespmem:v3+s23+$0x0], $0xffff  }
0x3b: {  	v10 =	vld.idx.msk [tilespmem:v3+s0+$0x0], $0xffff  }
0x3c: {  	v13 =	vld.idx.msk [tilespmem:v3+s28+$0x0], $0xffff  }
0x3d: {  	v17 =	vld.idx.msk [tilespmem:v3+s29+$0x0], $0xffff  }
0x3e: {  	v21 =	vld.idx.msk [tilespmem:v3+s7+$0x0], $0xffff  }
0x3f: {  	v23 =	vld.idx.msk [tilespmem:v3+s9+$0x0], $0xffff  }
0x40: {  	s24 =	simm.s32 $0x100;
	v56 =	vld.idx.msk [tilespmem:v3+s3+$0x0], $0xffff  }
0x41: {  	s2 =	simm.s32 $0x4180;
	v57 =	vld.idx.msk [tilespmem:v3+s24+$0x0], $0xffff  }
0x42: {  	v58 =	vld.idx.msk [tilespmem:v3+s2+$0x0], $0xffff  }
0x43: {  	v7 =	vld.idx.msk [tilespmem:v2+s24+$0x0], $0xffff  }
0x44: {  	v16 =	vmul.f32 $2.048000000e+03, v16;
	v9 =	vld.idx.msk [tilespmem:v2+s29+$0x0], $0xffff  }
0x45: {  	v11 =	vld.idx.msk [tilespmem:v2+s0+$0x0], $0xffff  }
0x46: {  	v16 =	vadd.f32 $-5.000000000e-01, v16;
	v1 =	vcvt.s32.f32 v1;
	v12 =	vld.idx.msk [tilespmem:v2+s9+$0x0], $0xffff  }
0x47: {  	v14 =	vld.idx.msk [tilespmem:v2+s13+$0x0], $0xffff  }
0x48: {  	v16 =	vmax.f32 v16, $0.0e+00;
	v19 =	vsub.f32 v0, v1;
	v15 =	vld.idx.msk [tilespmem:v2+s26+$0x0], $0xffff  }
0x49: {  	v16 =	vmin.f32 v16, $2.047000000e+03;
	v1 =	vld.idx.msk [tilespmem:v2+s21+$0x0], $0xffff  }
0x4a: {  	v27 =	vtrunc.f32 v16;
	v18 =	vsub.f32 $1.000000000e+00, v19;
	v0 =	vld.idx.msk [tilespmem:v2+s31+$0x0], $0xffff  }
0x4b: {  	v55 =	vcvt.f32.s32 v27;
	v20 =	vld.idx.msk [tilespmem:v2+s23+$0x0], $0xffff  }
0x4c: {  	v22 =	vld.idx.msk [tilespmem:v2+s3+$0x0], $0xffff;
	s26 =	simm.s32 $0x180;
	v17 =	vmul.f32 v18, v17  }
0x4d: {  	v31 =	vand.u32 $0x7F, v55;
	v25 =	vld.idx.msk [tilespmem:v3+s26+$0x0], $0xffff;
	v6 =	vmul.f32 v18, v6;
	v9 =	vmul.f32 v9, v19  }
0x4e: {  	v26 =	vld.idx.msk [tilespmem:v2+s26+$0x0], $0xffff;
	v29 =	vmul.f32 v4, v18;
	v4 =	vshll.u32 v55, $0x3;
	v1 =	vmul.f32 v1, v19  }
0x4f: {  	v10 =	vmul.f32 v10, v18;
	v4 =	vand.u32 $0xFFFFFC00, v4;
	v9 =	vadd.f32 v9, v17;
	v17 =	vld.idx.msk [tilespmem:v3+s8+$0x0], $0xffff  }
0x50: {  	s0 =	simm.s32 $0x4000;
	v13 =	vmul.f32 v18, v13;
	v4 =	vor.u32 v31, v4;
	v28 =	vadd.f32 v1, v6;
	v6 =	vld.idx.msk [tilespmem:v2+s8+$0x0], $0xffff  }
0x51: {  	v8 =	vmul.f32 v18, v8;
	v30 =	vmul.f32 v5, v18;
	v5 =	vld.idx.msk [tilespmem:v3+s0+$0x0], $0xffff  }
0x52: {  	v24 =	vld.idx.msk [tilespmem:v2+s7+$0x0], $0xffff;
	v12 =	vmul.f32 v12, v19;
	v1 =	vmul.f32 v18, v23  }
0x53: {  	s28 =	simm.s32 $0x200;
	v32 =	vld.idx.msk [tilespmem:v2+s2+$0x0], $0xffff;
	v20 =	vmul.f32 v20, v19;
	v11 =	vmul.f32 v11, v19  }
0x54: {  	s13 =	simm.s32 $0x4280;
	v26 =	vmul.f32 v26, v19;
	v3 =	vld.idx.msk [tilespmem:v3+s28+$0x0], $0xffff;
	v12 =	vadd.f32 v12, v1;
	v1 =	vmul.f32 v18, v25  }
0x55: {  	s1 =	simm.s32 $0x4100;
	s25 =	sand.u32 $0x1C00, s11;
	v8 =	vadd.f32 v20, v8;
	v33 =	vld.idx.msk [tilespmem:v4+s13+$0x0], $0xffff;
	v17 =	vmul.f32 v17, v18;
	v6 =	vmul.f32 v6, v19  }
0x56: {  	s18 =	sadd.s32 $0x11000, s25;
	v20 =	vadd.s32 $0x1, v55;
	v60 =	vmul.f32 v5, v18;
	v5 =	vld.idx.msk [tilespmem:v4+s1+$0x0], $0xffff;
	v26 =	vadd.f32 v26, v1  }
0x57: {  	s22 =	sor.u32 s19, s18;
	s29 =	simm.s32 $0x280;
	v10 =	vadd.f32 v11, v10;
	vm15 =	vlt.s32 v20, $0x7FF;
	v6 =	vadd.f32 v6, v17;
	v17 =	vld.idx.msk [tilespmem:v2+s1+$0x0], $0xffff  }
0x58: {  	s3 =	simm.s32 $0x4200;
	v59 =	vmul.f32 v56, v18;
	v31 =	vmul.f32 v58, v18;
	v20 =	vnsel vm15, $0x7FF, v20;
	v2 =	vld.idx.msk [tilespmem:v2+s29+$0x0], $0xffff;
	[tilespmem:s22+$0x180] =	vst v26  }
0x59: {  	v15 =	vmul.f32 v15, v19;
	v0 =	vmul.f32 v0, v19;
	v62 =	vld.idx.msk [tilespmem:v4+s3+$0x0], $0xffff;
	v11 =	vshll.u32 v20, $0x3;
	[tilespmem:s22+$0x2080] =	vst v10  }
0x5a: {  	v63 =	vld.idx.msk [tilespmem:v4+s29+$0x0], $0xffff;
	v1 =	vand.u32 $0xFFFFFC00, v11;
	v11 =	vand.u32 $0x7F, v20;
	v20 =	vmul.f32 v21, v18;
	[tilespmem:s22+$0x0] =	vst v8  }
0x5b: {  	s12 =	simm.s32 $0x4080;
	v1 =	vor.u32 v11, v1;
	v61 =	vmul.f32 v18, v3;
	v3 =	vmul.f32 v7, v19;
	[tilespmem:s22+$0x300] =	vst v9  }
0x5c: {  	s7 =	simm.s32 $0x4300;
	v7 =	vmul.f32 v24, v19;
	v11 =	vld.idx.msk [tilespmem:v4+s12+$0x0], $0xffff;
	[tilespmem:s22+$0x2280] =	vst v6;
	v6 =	vmul.f32 v18, v57  }
0x5d: {  	v10 =	vld.idx.msk [tilespmem:v4+s7+$0x0], $0xffff;
	v9 =	vadd.f32 v0, v60;
	v0 =	vcvt.s32.f32 v55;
	[tilespmem:s22+$0x380] =	vst v12;
	v12 =	vmul.f32 v32, v19  }
0x5e: {  	s16 =	simm.s32 $0x4380;
	v15 =	vadd.f32 v15, v61;
	[tilespmem:s22+$0x80] =	vst v28;
	v3 =	vadd.f32 v3, v6;
	v8 =	vmul.f32 v17, v19  }
0x5f: {  	v0 =	vsub.f32 v16, v0;
	[tilespmem:s22+$0x2000] =	vst v9;
	v18 =	vld.idx.msk [tilespmem:v4+s16+$0x0], $0xffff;
	v2 =	vmul.f32 v2, v19  }
0x60: {  	v16 =	vmul.f32 v14, v19;
	v14 =	vld.idx.msk [tilespmem:v4+s24+$0x0], $0xffff;
	[tilespmem:s22+$0x100] =	vst v3;
	v3 =	vadd.f32 v8, v29  }
0x61: {  	v12 =	vadd.f32 v12, v31;
	[tilespmem:s22+$0x200] =	vst v15;
	v2 =	vadd.f32 v2, v13;
	v13 =	vld.idx.msk [tilespmem:v4+s28+$0x0], $0xffff  }
0x62: {  	v6 =	vld.idx.msk [tilespmem:v4+s0+$0x0], $0xffff;
	v8 =	vmul.f32 v22, v19;
	[tilespmem:s22+$0x2100] =	vst v3;
	v3 =	vsub.f32 $1.000000000e+00, v0  }
0x63: {  	s30 =	simm.s32 $0x300;
	s25 =	simm.s32 $0x80;
	v7 =	vadd.f32 v7, v20;
	[tilespmem:s22+$0x2180] =	vst v12;
	v17 =	vld.idx.msk [tilespmem:v1+s29+$0x0], $0xffff  }
0x64: {  	s19 =	simm.s32 $0x0;
	s31 =	simm.s32 $0x380;
	s9 =	sshll.u32 s4, $0x1;
	v19 =	vld.idx.msk [tilespmem:v1+s16+$0x0], $0xffff;
	[tilespmem:s22+$0x280] =	vst v2;
	v9 =	vadd.f32 v8, v59;
	v2 =	vmul.f32 v33, v3  }
0x65: {  	s21 =	simm.s32 $0x0;
	s8 =	sor.u32 s20, s9;
	s20 =	simm.s32 $0x10020;
	v8 =	vadd.f32 v16, v30;
	v16 =	vld.idx.msk [tilespmem:v1+s3+$0x0], $0xffff;
	v15 =	vmul.f32 v3, v63;
	v12 =	vmul.f32 v62, v3  }
.LBB2_3:
0x66: {  	s19 =	sadd.s32 $0x2, s19;
	[tilespmem:s22+$0x2200] =	vst v9;
	v9 =	vld.idx.msk [tilespmem:v4+s23+$0x0], $0xffff;
	v13 =	vmul.f32 v3, v13;
	s11 =	sadd.s32 $0x100, s11;
	s21 =	sadd.s32 $0x20, s21  }
0x67: {  	v10 =	vmul.f32 v10, v3;
	v20 =	vld [tilespmem:s20+$0x0];
	p1 =	slt.u32 s19, $0x3E;
	[tilespmem:s22+$0x2300] =	vst v8;
	v8 =	vmul.f32 v11, v3  }
0x68: {  	[tilespmem:s22+$0x2380] =	vst v7;
	v7 =	vld.idx.msk [tilespmem:v1+s7+$0x0], $0xffff  }
0x69: {  	v18 =	vmul.f32 v18, v3;
	v19 =	vmul.f32 v19, v0;
	v11 =	vld.idx.msk [tilespmem:v1+s12+$0x0], $0xffff  }
0x6a: {  	v21 =	vld.idx.msk [tilespmem:v1+s31+$0x0], $0xffff  }
0x6b: {  	v14 =	vmul.f32 v3, v14;
	v16 =	vmul.f32 v16, v0;
	v18 =	vadd.f32 v19, v18;
	v22 =	vld.idx.msk [tilespmem:v4+s31+$0x0], $0xffff  }
0x6c: {  	v23 =	vmul.f32 v6, v3;
	v19 =	vmul.f32 $2.048000000e+03, v20;
	v20 =	vld.idx.msk [tilespmem:v4+s30+$0x0], $0xffff  }
0x6d: {  	v12 =	vadd.f32 v16, v12;
	v6 =	vld.idx.msk [tilespmem:v1+s13+$0x0], $0xffff  }
0x6e: {  	v24 =	vmul.f32 v5, v3;
	v5 =	vmul.f32 v7, v0;
	v16 =	vadd.f32 $-5.000000000e-01, v19;
	v19 =	vld.idx.msk [tilespmem:v4+s26+$0x0], $0xffff  }
0x6f: {  	v9 =	vmul.f32 v3, v9;
	v11 =	vmul.f32 v11, v0;
	v7 =	vld.idx.msk [tilespmem:v4+s2+$0x0], $0xffff  }
0x70: {  	v21 =	vmul.f32 v21, v0;
	v10 =	vadd.f32 v5, v10;
	v16 =	vmax.f32 v16, $0.0e+00;
	v4 =	vld.idx.msk [tilespmem:v4+s25+$0x0], $0xffff  }
0x71: {  	v17 =	vmul.f32 v17, v0;
	v8 =	vadd.f32 v11, v8;
	v16 =	vmin.f32 v16, $2.047000000e+03;
	v5 =	vld.idx.msk [tilespmem:v1+s1+$0x0], $0xffff  }
0x72: {  	v11 =	vtrunc.f32 v16;
	v25 =	vld.idx.msk [tilespmem:v1+s25+$0x0], $0xffff  }
0x73: {  	v15 =	vadd.f32 v17, v15;
	v17 =	vmul.f32 v3, v22;
	v22 =	vmul.f32 v6, v0;
	v26 =	vld.idx.msk [tilespmem:v1+s2+$0x0], $0xffff  }
0x74: {  	v11 =	vcvt.f32.s32 v11;
	v19 =	vmul.f32 v3, v19;
	v27 =	vld.idx.msk [tilespmem:v1+s23+$0x0], $0xffff  }
0x75: {  	v17 =	vadd.f32 v21, v17;
	v7 =	vmul.f32 v7, v3;
	v28 =	vld.idx.msk [tilespmem:v1+s28+$0x0], $0xffff  }
0x76: {  	v6 =	vadd.s32 $0x1, v11;
	v21 =	vshll.u32 v11, $0x3;
	v29 =	vand.u32 $0x7F, v11;
	v30 =	vld.idx.msk [tilespmem:v1+s26+$0x0], $0xffff  }
0x77: {  	vm0 =	vlt.s32 v6, $0x7FF;
	v21 =	vand.u32 $0xFFFFFC00, v21;
	v32 =	vmul.f32 v5, v0;
	v31 =	vld.idx.msk [tilespmem:v1+s0+$0x0], $0xffff  }
0x78: {  	v20 =	vmul.f32 v3, v20;
	v6 =	vnsel vm0, $0x7FF, v6;
	v5 =	vor.u32 v29, v21;
	v21 =	vld.idx.msk [tilespmem:v1+s30+$0x0], $0xffff  }
0x79: {  	s14 =	sor.u32 s14, s18;
	v29 =	vshll.u32 v6, $0x3;
	v6 =	vand.u32 $0x7F, v6;
	v26 =	vmul.f32 v26, v0;
	v1 =	vld.idx.msk [tilespmem:v1+s24+$0x0], $0xffff  }
0x7a: {  	v25 =	vmul.f32 v25, v0;
	v29 =	vand.u32 $0xFFFFFC00, v29;
	[tilespmem:s14+$0x2080] =	vst v8;
	v8 =	vadd.f32 v32, v24  }
0x7b: {  	v3 =	vmul.f32 v3, v4;
	v6 =	vor.u32 v6, v29;
	v24 =	vmul.f32 v27, v0;
	[tilespmem:s14+$0x2300] =	vst v10  }
0x7c: {  	v7 =	vadd.f32 v26, v7;
	v4 =	vmul.f32 v30, v0;
	v10 =	vmul.f32 v28, v0;
	[tilespmem:s14+$0x280] =	vst v15  }
0x7d: {  	v3 =	vadd.f32 v25, v3;
	v9 =	vadd.f32 v24, v9;
	v24 =	vmul.f32 v31, v0;
	v15 =	vld.idx.msk [tilespmem:v5+s1+$0x0], $0xffff  }
0x7e: {  	v11 =	vcvt.s32.f32 v11;
	v10 =	vadd.f32 v10, v13;
	v13 =	vmul.f32 v21, v0;
	v25 =	vld.idx.msk [tilespmem:v5+s7+$0x0], $0xffff;
	[tilespmem:s14+$0x2380] =	vst v18  }
0x7f: {  	v0 =	vmul.f32 v1, v0;
	v1 =	vadd.f32 v4, v19;
	v18 =	vld.idx.msk [tilespmem:v5+s25+$0x0], $0xffff;
	[tilespmem:s14+$0x0] =	vst v9  }
0x80: {  	v9 =	vadd.f32 v13, v20;
	v13 =	vadd.f32 v24, v23;
	v4 =	vld.idx.msk [tilespmem:v6+s24+$0x0], $0xffff;
	[tilespmem:s14+$0x2180] =	vst v7  }
0x81: {  	v0 =	vadd.f32 v0, v14;
	v7 =	vld.idx.msk [tilespmem:v5+s23+$0x0], $0xffff;
	[tilespmem:s14+$0x380] =	vst v17  }
0x82: {  	v14 =	vld.idx.msk [tilespmem:v6+s30+$0x0], $0xffff;
	[tilespmem:s14+$0x300] =	vst v9  }
0x83: {  	v9 =	vld.idx.msk [tilespmem:v5+s12+$0x0], $0xffff;
	[tilespmem:s14+$0x100] =	vst v0  }
0x84: {  	v2 =	vadd.f32 v22, v2;
	v17 =	vld.idx.msk [tilespmem:v6+s12+$0x0], $0xffff;
	[tilespmem:s14+$0x200] =	vst v10  }
0x85: {  	v0 =	vsub.f32 v16, v11;
	v10 =	vld.idx.msk [tilespmem:v6+s31+$0x0], $0xffff;
	[tilespmem:s14+$0x80] =	vst v3  }
0x86: {  	v3 =	vld.idx.msk [tilespmem:v6+s7+$0x0], $0xffff;
	[tilespmem:s14+$0x2280] =	vst v2  }
0x87: {  	v2 =	vsub.f32 $1.000000000e+00, v0;
	v11 =	vld.idx.msk [tilespmem:v5+s29+$0x0], $0xffff;
	[tilespmem:s14+$0x2200] =	vst v12  }
0x88: {  	v12 =	vld.idx.msk [tilespmem:v6+s28+$0x0], $0xffff;
	[tilespmem:s14+$0x2100] =	vst v8  }
0x89: {  	v8 =	vld.idx.msk [tilespmem:v5+s30+$0x0], $0xffff;
	[tilespmem:s14+$0x180] =	vst v1  }
0x8a: {  	s18 =	sand.u32 $0x1C00, s11;
	v16 =	vmul.f32 v9, v2;
	v1 =	vld.idx.msk [tilespmem:v6+s0+$0x0], $0xffff;
	[tilespmem:s14+$0x2000] =	vst v13  }
0x8b: {  	s18 =	sadd.s32 $0x11000, s18;
	s14 =	sand.u32 $0x60, s21;
	v9 =	vld.idx.msk [tilespmem:v6+s25+$0x0], $0xffff  }
0x8c: {  	s22 =	sor.u32 s14, s18;
	s14 =	sor.u32 $0x10, s14;
	v13 =	vld.idx.msk [tilespmem:v6+s23+$0x0], $0xffff;
	s23 =	sand.u32 $0x380, s21  }
0x8d: {  	v20 =	vmul.f32 v2, v11;
	v19 =	vld.idx.msk [tilespmem:v5+s16+$0x0], $0xffff;
	s23 =	sor.u32 s14, s23  }
0x8e: {  	v10 =	vmul.f32 v10, v0;
	v12 =	vmul.f32 v12, v0;
	v11 =	vld [tilespmem:s23+$0x10000];
	s23 =	simm.s32 $0x0  }
0x8f: {  	v14 =	vmul.f32 v14, v0;
	v8 =	vmul.f32 v2, v8;
	v21 =	vld.idx.msk [tilespmem:v6+s3+$0x0], $0xffff  }
0x90: {  	v23 =	vmul.f32 v4, v0;
	v24 =	vmul.f32 v1, v0;
	v22 =	vld.idx.msk [tilespmem:v6+s16+$0x0], $0xffff  }
0x91: {  	v4 =	vmul.f32 v9, v0;
	v14 =	vadd.f32 v14, v8;
	v1 =	vld.idx.msk [tilespmem:v5+s3+$0x0], $0xffff  }
0x92: {  	v9 =	vmul.f32 v13, v0;
	v13 =	vmul.f32 v2, v18;
	v8 =	vld.idx.msk [tilespmem:v5+s31+$0x0], $0xffff  }
0x93: {  	v17 =	vmul.f32 v17, v0;
	v11 =	vmul.f32 $2.048000000e+03, v11  }
0x94: {  	v7 =	vmul.f32 v2, v7;
	v26 =	vadd.f32 v4, v13;
	v13 =	vmul.f32 v15, v2  }
0x95: {  	v3 =	vmul.f32 v3, v0;
	v4 =	vmul.f32 v25, v2;
	v11 =	vadd.f32 $-5.000000000e-01, v11  }
0x96: {  	v18 =	vadd.f32 v9, v7;
	v7 =	vmul.f32 v19, v2;
	v9 =	vmul.f32 v22, v0;
	v15 =	vld.idx.msk [tilespmem:v5+s26+$0x0], $0xffff  }
0x97: {  	v21 =	vmul.f32 v21, v0;
	v1 =	vmul.f32 v1, v2;
	v19 =	vld.idx.msk [tilespmem:v6+s26+$0x0], $0xffff;
	v11 =	vmax.f32 v11, $0.0e+00  }
0x98: {  	v25 =	vmul.f32 v2, v8;
	v7 =	vadd.f32 v9, v7;
	v22 =	vld.idx.msk [tilespmem:v5+s13+$0x0], $0xffff;
	v27 =	vmin.f32 v11, $2.047000000e+03  }
0x99: {  	v8 =	vadd.f32 v3, v4;
	v9 =	vadd.f32 v21, v1;
	v11 =	vld.idx.msk [tilespmem:v6+s13+$0x0], $0xffff;
	v1 =	vtrunc.f32 v27  }
0x9a: {  	v3 =	vadd.f32 v10, v25;
	v21 =	vcvt.f32.s32 v1  }
0x9b: {  	v10 =	vadd.f32 v17, v16  }
0x9c: {  	v1 =	vmul.f32 v2, v15;
	v16 =	vld.idx.msk [tilespmem:v5+s0+$0x0], $0xffff;
	v4 =	vadd.s32 $0x1, v21;
	v15 =	vshll.u32 v21, $0x3  }
0x9d: {  	v25 =	vand.u32 $0x7F, v21;
	v17 =	vld.idx.msk [tilespmem:v5+s24+$0x0], $0xffff;
	vm0 =	vlt.s32 v4, $0x7FF;
	v15 =	vand.u32 $0xFFFFFC00, v15  }
0x9e: {  	v19 =	vmul.f32 v19, v0;
	v28 =	vld.idx.msk [tilespmem:v5+s2+$0x0], $0xffff;
	v29 =	vnsel vm0, $0x7FF, v4;
	v4 =	vor.u32 v25, v15  }
0x9f: {  	v11 =	vmul.f32 v11, v0;
	v15 =	vld.idx.msk [tilespmem:v5+s28+$0x0], $0xffff;
	v5 =	vmul.f32 v22, v2;
	v22 =	vshll.u32 v29, $0x3  }
0xa0: {  	v19 =	vadd.f32 v19, v1;
	v25 =	vld.idx.msk [tilespmem:v6+s2+$0x0], $0xffff;
	v1 =	vand.u32 $0xFFFFFC00, v22;
	v22 =	vand.u32 $0x7F, v29  }
0xa1: {  	v29 =	vld.idx.msk [tilespmem:v6+s1+$0x0], $0xffff;
	v5 =	vadd.f32 v11, v5;
	v1 =	vor.u32 v22, v1  }
0xa2: {  	v11 =	vmul.f32 v16, v2;
	v6 =	vld.idx.msk [tilespmem:v6+s29+$0x0], $0xffff  }
0xa3: {  	[tilespmem:s22+$0x2280] =	vst v5;
	v16 =	vld.idx.msk [tilespmem:v4+s13+$0x0], $0xffff  }
0xa4: {  	v22 =	vmul.f32 v28, v2;
	[tilespmem:s22+$0x180] =	vst v19;
	v19 =	vadd.f32 v24, v11;
	v5 =	vld.idx.msk [tilespmem:v4+s1+$0x0], $0xffff  }
0xa5: {  	v17 =	vmul.f32 v2, v17;
	v2 =	vmul.f32 v2, v15;
	[tilespmem:s22+$0x2080] =	vst v10;
	v10 =	vld.idx.msk [tilespmem:v4+s7+$0x0], $0xffff  }
0xa6: {  	v15 =	vmul.f32 v25, v0;
	[tilespmem:s22+$0x0] =	vst v18;
	v18 =	vcvt.s32.f32 v21;
	v11 =	vld.idx.msk [tilespmem:v4+s12+$0x0], $0xffff  }
0xa7: {  	v17 =	vadd.f32 v23, v17;
	[tilespmem:s22+$0x300] =	vst v14;
	v14 =	vmul.f32 v29, v0;
	v21 =	vld.idx.msk [tilespmem:v4+s3+$0x0], $0xffff  }
0xa8: {  	v23 =	vmul.f32 v6, v0;
	[tilespmem:s22+$0x380] =	vst v3;
	v0 =	vsub.f32 v27, v18;
	v6 =	vld.idx.msk [tilespmem:v4+s0+$0x0], $0xffff  }
0xa9: {  	v15 =	vadd.f32 v15, v22;
	[tilespmem:s22+$0x100] =	vst v17;
	v14 =	vadd.f32 v14, v13;
	v22 =	vld.idx.msk [tilespmem:v4+s29+$0x0], $0xffff  }
0xaa: {  	v17 =	vadd.f32 v23, v20;
	[tilespmem:s22+$0x2000] =	vst v19;
	v3 =	vsub.f32 $1.000000000e+00, v0;
	v13 =	vld.idx.msk [tilespmem:v4+s28+$0x0], $0xffff  }
.Ltmp0:
0xab: {  	v12 =	vadd.f32 v12, v2;
	[tilespmem:s22+$0x2100] =	vst v14;
	v18 =	vld.idx.msk [tilespmem:v4+s16+$0x0], $0xffff;
	(pc) =	sbr.rel @p1 .LBB2_3-.Ltmp0, $4  }
0xac: {  	[tilespmem:s22+$0x280] =	vst v17;
	v14 =	vld.idx.msk [tilespmem:v4+s24+$0x0], $0xffff;
	v2 =	vmul.f32 v16, v3  }
0xad: {  	[tilespmem:s22+$0x2180] =	vst v15;
	v19 =	vld.idx.msk [tilespmem:v1+s16+$0x0], $0xffff  }
0xae: {  	[tilespmem:s22+$0x200] =	vst v12;
	v17 =	vld.idx.msk [tilespmem:v1+s29+$0x0], $0xffff  }
0xaf: {  	s20 =	sadd.s32 $0x20, s20;
	v15 =	vmul.f32 v3, v22;
	v12 =	vmul.f32 v21, v3;
	[tilespmem:s22+$0x80] =	vst v26;
	v16 =	vld.idx.msk [tilespmem:v1+s3+$0x0], $0xffff  }
0xb0: {  	_ =	sdelay $0x3  }
0xb1: {  	v20 =	vld.idx.msk [tilespmem:v4+s23+$0x0], $0xffff  }
0xb2: {  	v21 =	vld.idx.msk [tilespmem:v1+s7+$0x0], $0xffff  }
0xb3: {  	v22 =	vld.idx.msk [tilespmem:v1+s12+$0x0], $0xffff  }
0xb4: {  	v23 =	vld.idx.msk [tilespmem:v1+s31+$0x0], $0xffff  }
0xb5: {  	v24 =	vld.idx.msk [tilespmem:v4+s31+$0x0], $0xffff  }
0xb6: {  	v25 =	vld.idx.msk [tilespmem:v4+s30+$0x0], $0xffff  }
0xb7: {  	v26 =	vld.idx.msk [tilespmem:v1+s13+$0x0], $0xffff  }
0xb8: {  	v27 =	vld.idx.msk [tilespmem:v4+s26+$0x0], $0xffff  }
0xb9: {  	v28 =	vld.idx.msk [tilespmem:v4+s2+$0x0], $0xffff  }
0xba: {  	v4 =	vld.idx.msk [tilespmem:v4+s25+$0x0], $0xffff  }
0xbb: {  	v29 =	vld.idx.msk [tilespmem:v1+s1+$0x0], $0xffff  }
0xbc: {  	v30 =	vld.idx.msk [tilespmem:v1+s25+$0x0], $0xffff  }
0xbd: {  	v31 =	vld.idx.msk [tilespmem:v1+s2+$0x0], $0xffff  }
0xbe: {  	v32 =	vld.idx.msk [tilespmem:v1+s23+$0x0], $0xffff  }
0xbf: {  	v33 =	vld.idx.msk [tilespmem:v1+s28+$0x0], $0xffff;
	[tilespmem:s22+$0x2200] =	vst v9;
	v9 =	vmul.f32 v11, v3  }
0xc0: {  	[tilespmem:s22+$0x2300] =	vst v8;
	v8 =	vmul.f32 v10, v3;
	v11 =	vmul.f32 v22, v0;
	v22 =	vld.idx.msk [tilespmem:v1+s26+$0x0], $0xffff  }
0xc1: {  	[tilespmem:s22+$0x2380] =	vst v7;
	v7 =	vmul.f32 v17, v0;
	v10 =	vmul.f32 v21, v0;
	v21 =	vld.idx.msk [tilespmem:v1+s0+$0x0], $0xffff  }
0xc2: {  	v9 =	vadd.f32 v11, v9;
	v11 =	vld.idx.msk [tilespmem:v1+s30+$0x0], $0xffff  }
0xc3: {  	s11 =	sor.u32 s14, s18;
	v17 =	vmul.f32 v18, v3;
	v18 =	vmul.f32 v19, v0;
	v7 =	vadd.f32 v7, v15;
	v1 =	vld.idx.msk [tilespmem:v1+s24+$0x0], $0xffff  }
0xc4: {  	v8 =	vadd.f32 v10, v8;
	v10 =	vmul.f32 v3, v20;
	[tilespmem:s11+$0x2080] =	vst v9;
	v9 =	vmul.f32 v32, v0  }
0xc5: {  	v15 =	vadd.f32 v18, v17;
	v17 =	vmul.f32 v28, v3;
	v18 =	vmul.f32 v31, v0;
	[tilespmem:s11+$0x280] =	vst v7  }
0xc6: {  	v19 =	vmul.f32 v3, v24;
	[tilespmem:s11+$0x2300] =	vst v8;
	v8 =	vmul.f32 v23, v0;
	v7 =	vadd.f32 v9, v10  }
0xc7: {  	[tilespmem:s11+$0x2380] =	vst v15;
	v9 =	vmul.f32 v3, v25;
	v10 =	vadd.f32 v18, v17;
	v11 =	vmul.f32 v11, v0  }
0xc8: {  	v14 =	vmul.f32 v3, v14;
	v8 =	vadd.f32 v8, v19;
	v1 =	vmul.f32 v1, v0;
	[tilespmem:s11+$0x0] =	vst v7  }
0xc9: {  	v7 =	vmul.f32 v3, v13;
	v13 =	vmul.f32 v33, v0;
	[tilespmem:s11+$0x2180] =	vst v10;
	v9 =	vadd.f32 v11, v9  }
0xca: {  	v4 =	vmul.f32 v3, v4;
	v10 =	vmul.f32 v30, v0;
	[tilespmem:s11+$0x380] =	vst v8;
	v1 =	vadd.f32 v1, v14  }
0xcb: {  	v8 =	vmul.f32 v26, v0;
	v7 =	vadd.f32 v13, v7;
	[tilespmem:s11+$0x300] =	vst v9  }
0xcc: {  	v4 =	vadd.f32 v10, v4;
	v9 =	vmul.f32 v16, v0;
	[tilespmem:s11+$0x100] =	vst v1  }
0xcd: {  	v2 =	vadd.f32 v8, v2;
	v1 =	vmul.f32 v5, v3;
	v5 =	vmul.f32 v29, v0;
	[tilespmem:s11+$0x200] =	vst v7  }
0xce: {  	v8 =	vmul.f32 v3, v27;
	[tilespmem:s11+$0x80] =	vst v4;
	v7 =	vadd.f32 v9, v12;
	v9 =	vmul.f32 v22, v0  }
0xcf: {  	v3 =	vmul.f32 v6, v3;
	[tilespmem:s11+$0x2280] =	vst v2;
	v1 =	vadd.f32 v5, v1;
	v0 =	vmul.f32 v21, v0  }
0xd0: {  	v2 =	vadd.f32 v9, v8;
	[tilespmem:s11+$0x2200] =	vst v7  }
0xd1: {  	v0 =	vadd.f32 v0, v3;
	[tilespmem:s11+$0x2100] =	vst v1  }
0xd2: {  	s10 =	sshll.u32 s8, $0xC;
	s17 =	rddreg [dreg:$0x2];
	s18 =	simm.s32 $0x2000;
	[tilespmem:s11+$0x180] =	vst v2  }
0xd3: {  	s19 =	simm.s32 $0x11000;
	s14 =	simm.s32 @!p0 $0x6;
	[tilespmem:s11+$0x2000] =	vst v0;
	s11 =	sadd.s32 s17, s10  }
0xd4: {  	[hbm4b:s11+s18] =	stream.strided.scatter [tilespmem:s19], [sflag:$0x5], $0x4000, s0, s18, $0x38;
	[tilespmem:$0x19000] =	vst v63  }
0xd5: {  	_ =	swait.ge @!p0 [sflag:s14], $0x4000  }
0xd6: {  	s11 =	simm.s32 $0x0;
	[sflag:s14] =	ssyncset.done @!p0 $0x0  }
0xd7: {  	s20 =	sand.u32 $0x3E0, s11;
	[sflag:s14] =	ssyncadd.s32 @!p0 $0xFFFFC000  }
0xd8: {  	v0 =	vld [tilespmem:s20+$0x10400];
	_ =	sdelay $0x4  }
0xd9: {  	v0 =	vmul.f32 $2.048000000e+03, v0;
	_ =	sdelay $0x1  }
0xda: {  	v0 =	vadd.f32 $-5.000000000e-01, v0;
	_ =	sdelay $0x1  }
0xdb: {  	v0 =	vmax.f32 v0, $0.0e+00  }
0xdc: {  	v0 =	vmin.f32 v0, $2.047000000e+03  }
0xdd: {  	v1 =	vtrunc.f32 v0  }
0xde: {  	v1 =	vcvt.f32.s32 v1;
	_ =	sdelay $0x1  }
0xdf: {  	v2 =	vshll.u32 v1, $0x3  }
0xe0: {  	v3 =	vand.u32 $0x7F, v1;
	v2 =	vand.u32 $0xFFFFFC00, v2  }
0xe1: {  	v3 =	vor.u32 v3, v2;
	_ =	sdelay $0x2  }
0xe2: {  	s21 =	simm.s32 $0x10410  }
0xe3: {  	v2 =	vld [tilespmem:s21+$0x0]  }
0xe4: {  	v4 =	vld.idx.msk [tilespmem:v3+s1+$0x0], $0xffff  }
0xe5: {  	v6 =	vld.idx.msk [tilespmem:v3+s12+$0x0], $0xffff  }
0xe6: {  	v5 =	vld.idx.msk [tilespmem:v3+s0+$0x0], $0xffff  }
0xe7: {  	v8 =	vld.idx.msk [tilespmem:v3+s31+$0x0], $0xffff  }
0xe8: {  	v7 =	vadd.s32 $0x1, v1;
	v9 =	vld.idx.msk [tilespmem:v3+s30+$0x0], $0xffff  }
0xe9: {  	vm0 =	vlt.s32 v7, $0x7FF;
	v10 =	vld.idx.msk [tilespmem:v3+s29+$0x0], $0xffff  }
0xea: {  	v7 =	vnsel vm0, $0x7FF, v7;
	v12 =	vld.idx.msk [tilespmem:v3+s28+$0x0], $0xffff  }
0xeb: {  	v11 =	vshll.u32 v7, $0x3;
	v13 =	vld.idx.msk [tilespmem:v3+s3+$0x0], $0xffff  }
0xec: {  	v7 =	vand.u32 $0x7F, v7;
	v11 =	vand.u32 $0xFFFFFC00, v11;
	v14 =	vld.idx.msk [tilespmem:v3+s24+$0x0], $0xffff  }
0xed: {  	v7 =	vor.u32 v7, v11;
	v11 =	vld.idx.msk [tilespmem:v3+s25+$0x0], $0xffff  }
0xee: {  	v15 =	vld.idx.msk [tilespmem:v3+s7+$0x0], $0xffff  }
0xef: {  	v16 =	vld.idx.msk [tilespmem:v3+s13+$0x0], $0xffff  }
0xf0: {  	v17 =	vld.idx.msk [tilespmem:v3+s2+$0x0], $0xffff  }
0xf1: {  	v22 =	vld.idx.msk [tilespmem:v3+s16+$0x0], $0xffff  }
0xf2: {  	v1 =	vcvt.s32.f32 v1;
	v19 =	vld.idx.msk [tilespmem:v3+s23+$0x0], $0xffff  }
0xf3: {  	v3 =	vld.idx.msk [tilespmem:v3+s26+$0x0], $0xffff  }
0xf4: {  	v24 =	vsub.f32 v0, v1;
	v0 =	vmul.f32 $2.048000000e+03, v2;
	v23 =	vld.idx.msk [tilespmem:v7+s13+$0x0], $0xffff  }
0xf5: {  	v20 =	vld.idx.msk [tilespmem:v7+s23+$0x0], $0xffff  }
0xf6: {  	v25 =	vsub.f32 $1.000000000e+00, v24;
	v0 =	vadd.f32 $-5.000000000e-01, v0;
	v21 =	vld.idx.msk [tilespmem:v7+s16+$0x0], $0xffff  }
0xf7: {  	v1 =	vld.idx.msk [tilespmem:v7+s30+$0x0], $0xffff  }
0xf8: {  	v18 =	vld.idx.msk [tilespmem:v7+s29+$0x0], $0xffff;
	v0 =	vmax.f32 v0, $0.0e+00;
	v26 =	vmul.f32 v5, v25;
	v56 =	vmul.f32 v13, v25  }
0xf9: {  	v27 =	vld.idx.msk [tilespmem:v7+s26+$0x0], $0xffff;
	v14 =	vmul.f32 v25, v14;
	v5 =	vmin.f32 v0, $2.047000000e+03;
	v2 =	vmul.f32 v16, v25  }
0xfa: {  	v58 =	vld.idx.msk [tilespmem:v7+s0+$0x0], $0xffff;
	v57 =	vmul.f32 v6, v25;
	v16 =	vtrunc.f32 v5  }
0xfb: {  	v34 =	vld.idx.msk [tilespmem:v7+s3+$0x0], $0xffff;
	v10 =	vmul.f32 v25, v10;
	v59 =	vcvt.f32.s32 v16  }
0xfc: {  	v13 =	vld.idx.msk [tilespmem:v7+s1+$0x0], $0xffff;
	v60 =	vmul.f32 v25, v9;
	v4 =	vmul.f32 v4, v25  }
0xfd: {  	v0 =	vld.idx.msk [tilespmem:v7+s31+$0x0], $0xffff;
	v36 =	vmul.f32 v25, v8;
	v61 =	vmul.f32 v1, v24;
	v1 =	vshll.u32 v59, $0x3  }
0xfe: {  	v9 =	vld.idx.msk [tilespmem:v7+s12+$0x0], $0xffff;
	v3 =	vmul.f32 v25, v3;
	v6 =	vand.u32 $0x7F, v59;
	v1 =	vand.u32 $0xFFFFFC00, v1  }
0xff: {  	v35 =	vld.idx.msk [tilespmem:v7+s2+$0x0], $0xffff;
	v17 =	vmul.f32 v17, v25;
	v12 =	vmul.f32 v25, v12;
	v6 =	vor.u32 v6, v1  }
0x100: {  	v38 =	vld.idx.msk [tilespmem:v7+s24+$0x0], $0xffff;
	v11 =	vmul.f32 v25, v11;
	v16 =	vmul.f32 v15, v25;
	v15 =	vadd.s32 $0x1, v59  }
0x101: {  	v39 =	vld.idx.msk [tilespmem:v7+s7+$0x0], $0xffff;
	v18 =	vmul.f32 v18, v24;
	vm15 =	vlt.s32 v15, $0x7FF;
	v1 =	vmul.f32 v13, v24  }
0x102: {  	v27 =	vmul.f32 v27, v24;
	v37 =	vmul.f32 v0, v24;
	v13 =	vnsel vm15, $0x7FF, v15;
	v15 =	vld.idx.msk [tilespmem:v7+s28+$0x0], $0xffff  }
0x103: {  	s22 =	sand.u32 $0x60, s11;
	s30 =	sand.u32 $0x1C00, s11;
	v9 =	vmul.f32 v9, v24;
	v0 =	vshll.u32 v13, $0x3;
	v8 =	vadd.f32 v1, v4;
	v4 =	vld.idx.msk [tilespmem:v7+s25+$0x0], $0xffff  }
0x104: {  	s21 =	sor.u32 s22, s30;
	v3 =	vadd.f32 v27, v3;
	v0 =	vand.u32 $0xFFFFFC00, v0;
	v1 =	vand.u32 $0x7F, v13;
	v7 =	vld.idx.msk [tilespmem:v6+s25+$0x0], $0xffff  }
0x105: {  	s14 =	sadd.s32 $0x15000, s21;
	v13 =	vadd.f32 v18, v10;
	v18 =	vmul.f32 v35, v24;
	v1 =	vor.u32 v1, v0;
	v0 =	vld.idx.msk [tilespmem:v6+s2+$0x0], $0xffff  }
0x106: {  	v9 =	vadd.f32 v9, v57;
	[tilespmem:s14+$0x180] =	vst v3;
	v3 =	vmul.f32 v38, v24;
	v10 =	vld.idx.msk [tilespmem:v6+s1+$0x0], $0xffff  }
0x107: {  	v62 =	vmul.f32 v25, v19;
	v17 =	vadd.f32 v18, v17;
	v27 =	vmul.f32 v15, v24;
	v15 =	vld.idx.msk [tilespmem:v6+s3+$0x0], $0xffff  }
0x108: {  	[tilespmem:s14+$0x2080] =	vst v9;
	v9 =	vadd.f32 v3, v14;
	v3 =	vld.idx.msk [tilespmem:v6+s23+$0x0], $0xffff;
	v18 =	vmul.f32 v4, v24  }
0x109: {  	v14 =	vld.idx.msk [tilespmem:v6+s31+$0x0], $0xffff;
	[tilespmem:s14+$0x2180] =	vst v17;
	v17 =	vmul.f32 v39, v24;
	v12 =	vadd.f32 v27, v12  }
0x10a: {  	v19 =	vld.idx.msk [tilespmem:v6+s12+$0x0], $0xffff;
	[tilespmem:s14+$0x100] =	vst v9;
	v27 =	vmul.f32 v34, v24;
	v11 =	vadd.f32 v18, v11  }
0x10b: {  	s8 =	simm.s32 $0x380;
	s18 =	simm.s32 $0x0;
	v9 =	vld.idx.msk [tilespmem:v6+s24+$0x0], $0xffff;
	[tilespmem:s14+$0x200] =	vst v12;
	v12 =	vadd.f32 v17, v16  }
0x10c: {  	s19 =	simm.s32 $0x10430;
	s20 =	simm.s32 $0x20;
	s13 =	simm.s32 $0x4300;
	v4 =	vld.idx.msk [tilespmem:v6+s0+$0x0], $0xffff;
	v17 =	vadd.f32 v27, v56;
	v27 =	vmul.f32 v58, v24;
	[tilespmem:s14+$0x80] =	vst v11  }
0x10d: {  	v63 =	vmul.f32 v20, v24;
	s28 =	simm.s32 $0x280;
	s25 =	simm.s32 $0x180;
	s31 =	simm.s32 $0x4000;
	v16 =	vld.idx.msk [tilespmem:v6+s7+$0x0], $0xffff;
	v11 =	vadd.f32 v61, v60;
	[tilespmem:s14+$0x2300] =	vst v12  }
0x10e: {  	v20 =	vmul.f32 v22, v25;
	s12 =	simm.s32 $0x4100;
	s1 =	simm.s32 $0x4180;
	s2 =	simm.s32 $0x4200;
	v26 =	vadd.f32 v27, v26;
	[tilespmem:s14+$0x2200] =	vst v17;
	v12 =	vld.idx.msk [tilespmem:v6+s29+$0x0], $0xffff  }
0x10f: {  	v21 =	vmul.f32 v21, v24;
	v23 =	vmul.f32 v23, v24;
	s3 =	simm.s32 $0x4280;
	s24 =	simm.s32 $0x100;
	s0 =	simm.s32 $0x4080;
	v17 =	vld.idx.msk [tilespmem:v1+s7+$0x0], $0xffff;
	[tilespmem:s14+$0x300] =	vst v11  }
0x110: {  	v22 =	vadd.f32 v63, v62;
	v18 =	vadd.f32 v37, v36;
	v24 =	vcvt.s32.f32 v59;
	s29 =	simm.s32 $0x300;
	s7 =	simm.s32 $0x4380;
	v11 =	vld.idx.msk [tilespmem:v6+s26+$0x0], $0xffff;
	[tilespmem:s14+$0x2000] =	vst v26;
	s26 =	simm.s32 $0x200  }
.LBB2_5:
0x111: {  	s22 =	sand.u32 $0x3E0, s20;
	s18 =	sadd.s32 $0x2, s18;
	[tilespmem:s14+$0x280] =	vst v13;
	v13 =	vld.idx.msk [tilespmem:v1+s12+$0x0], $0xffff;
	s11 =	sadd.s32 $0x100, s11  }
0x112: {  	p0 =	slt.u32 s18, $0x3E;
	[tilespmem:s14+$0x380] =	vst v18;
	v5 =	vsub.f32 v5, v24;
	v18 =	vld.idx.msk [tilespmem:v1+s1+$0x0], $0xffff  }
0x113: {  	v2 =	vadd.f32 v23, v2;
	[tilespmem:s21+$0x15000] =	vst v22;
	v22 =	vld.idx.msk [tilespmem:v1+s2+$0x0], $0xffff  }
0x114: {  	v23 =	vld [tilespmem:s22+$0x10400];
	s22 =	simm.s32 $0x80;
	[tilespmem:s14+$0x2100] =	vst v8;
	v8 =	vadd.f32 v21, v20;
	v20 =	vsub.f32 $1.000000000e+00, v5  }
0x115: {  	[tilespmem:s14+$0x2280] =	vst v2;
	v2 =	vld.idx.msk [tilespmem:v6+s29+$0x0], $0xffff  }
0x116: {  	[tilespmem:s14+$0x2380] =	vst v8;
	v8 =	vld.idx.msk [tilespmem:v1+s0+$0x0], $0xffff;
	v11 =	vmul.f32 v20, v11;
	v10 =	vmul.f32 v10, v20  }
0x117: {  	v17 =	vmul.f32 v17, v5;
	v15 =	vmul.f32 v15, v20;
	v21 =	vld.idx.msk [tilespmem:v6+s7+$0x0], $0xffff  }
0x118: {  	v19 =	vmul.f32 v19, v20;
	v13 =	vmul.f32 v13, v5;
	v24 =	vld.idx.msk [tilespmem:v1+s7+$0x0], $0xffff  }
0x119: {  	v14 =	vmul.f32 v20, v14;
	v23 =	vmul.f32 $2.048000000e+03, v23;
	v25 =	vld.idx.msk [tilespmem:v1+s8+$0x0], $0xffff  }
0x11a: {  	v9 =	vmul.f32 v20, v9;
	v18 =	vmul.f32 v18, v5;
	v26 =	vld.idx.msk [tilespmem:v1+s31+$0x0], $0xffff  }
0x11b: {  	v7 =	vmul.f32 v20, v7;
	v22 =	vmul.f32 v22, v5;
	v23 =	vadd.f32 $-5.000000000e-01, v23;
	v27 =	vld.idx.msk [tilespmem:v1+s29+$0x0], $0xffff  }
0x11c: {  	v16 =	vmul.f32 v16, v20;
	v8 =	vmul.f32 v8, v5;
	v28 =	vld.idx.msk [tilespmem:v6+s26+$0x0], $0xffff  }
0x11d: {  	v2 =	vmul.f32 v20, v2;
	v15 =	vadd.f32 v22, v15;
	v23 =	vmax.f32 v23, $0.0e+00;
	v6 =	vld.idx.msk [tilespmem:v6+s3+$0x0], $0xffff  }
0x11e: {  	v12 =	vmul.f32 v20, v12;
	v8 =	vadd.f32 v8, v19;
	v22 =	vmin.f32 v23, $2.047000000e+03;
	v23 =	vld.idx.msk [tilespmem:v1+s25+$0x0], $0xffff  }
0x11f: {  	v25 =	vmul.f32 v25, v5;
	v19 =	vtrunc.f32 v22;
	v29 =	vld.idx.msk [tilespmem:v1+s26+$0x0], $0xffff  }
0x120: {  	v21 =	vmul.f32 v21, v20;
	v19 =	vcvt.f32.s32 v19;
	v30 =	vld.idx.msk [tilespmem:v1+s28+$0x0], $0xffff  }
0x121: {  	v24 =	vmul.f32 v24, v5;
	v27 =	vmul.f32 v27, v5;
	v14 =	vadd.f32 v25, v14;
	v31 =	vld.idx.msk [tilespmem:v1+s23+$0x0], $0xffff  }
0x122: {  	v28 =	vmul.f32 v20, v28;
	v25 =	vshll.u32 v19, $0x3;
	v32 =	vand.u32 $0x7F, v19;
	v33 =	vld.idx.msk [tilespmem:v1+s3+$0x0], $0xffff  }
0x123: {  	v21 =	vadd.f32 v24, v21;
	v34 =	vadd.s32 $0x1, v19;
	v25 =	vand.u32 $0xFFFFFC00, v25;
	v35 =	vld.idx.msk [tilespmem:v1+s22+$0x0], $0xffff  }
0x124: {  	v16 =	vadd.f32 v17, v16;
	v2 =	vadd.f32 v27, v2;
	v24 =	vor.u32 v32, v25;
	v1 =	vld.idx.msk [tilespmem:v1+s24+$0x0], $0xffff  }
0x125: {  	v10 =	vadd.f32 v13, v10;
	v17 =	vmul.f32 v23, v5;
	v23 =	vmul.f32 v29, v5;
	[tilespmem:s14+$0x2210] =	vst v15  }
0x126: {  	v3 =	vmul.f32 v20, v3;
	vm0 =	vlt.s32 v34, $0x7FF;
	v13 =	vmul.f32 v30, v5;
	[tilespmem:s14+$0x2090] =	vst v8  }
0x127: {  	v6 =	vmul.f32 v6, v20;
	v8 =	vadd.f32 v17, v11;
	v11 =	vmul.f32 v26, v5;
	[tilespmem:s14+$0x2390] =	vst v21  }
0x128: {  	v17 =	vmul.f32 v31, v5;
	v21 =	vadd.f32 v23, v28;
	v15 =	vld [tilespmem:s19+$0x0];
	[tilespmem:s14+$0x310] =	vst v2;
	v2 =	vmul.f32 v4, v20  }
0x129: {  	v12 =	vadd.f32 v13, v12;
	v13 =	vmul.f32 v33, v5;
	v4 =	vcvt.s32.f32 v19;
	v19 =	vld.idx.msk [tilespmem:v24+s12+$0x0], $0xffff;
	[tilespmem:s14+$0x2310] =	vst v16  }
0x12a: {  	v3 =	vadd.f32 v17, v3;
	v17 =	vmul.f32 v35, v5;
	v1 =	vmul.f32 v1, v5;
	v16 =	vld.idx.msk [tilespmem:v24+s0+$0x0], $0xffff  }
0x12b: {  	v5 =	vnsel vm0, $0x7FF, v34;
	v6 =	vadd.f32 v13, v6;
	v2 =	vadd.f32 v11, v2;
	v23 =	vld.idx.msk [tilespmem:v24+s31+$0x0], $0xffff;
	[tilespmem:s14+$0x390] =	vst v14  }
0x12c: {  	v7 =	vadd.f32 v17, v7;
	v1 =	vadd.f32 v1, v9;
	v13 =	vld.idx.msk [tilespmem:v24+s8+$0x0], $0xffff;
	[tilespmem:s14+$0x2110] =	vst v10  }
0x12d: {  	v0 =	vmul.f32 v0, v20;
	v11 =	vsub.f32 v22, v4;
	v4 =	vld.idx.msk [tilespmem:v24+s29+$0x0], $0xffff;
	[tilespmem:s14+$0x190] =	vst v8  }
0x12e: {  	v8 =	vld.idx.msk [tilespmem:v24+s28+$0x0], $0xffff;
	[tilespmem:s14+$0x2010] =	vst v2  }
0x12f: {  	v2 =	vshll.u32 v5, $0x3;
	v9 =	vld.idx.msk [tilespmem:v24+s26+$0x0], $0xffff;
	[tilespmem:s14+$0x210] =	vst v21  }
0x130: {  	v0 =	vadd.f32 v18, v0;
	v5 =	vand.u32 $0x7F, v5;
	v2 =	vand.u32 $0xFFFFFC00, v2;
	v10 =	vld.idx.msk [tilespmem:v24+s2+$0x0], $0xffff;
	[tilespmem:s14+$0x90] =	vst v7  }
0x131: {  	v14 =	vor.u32 v5, v2;
	v7 =	vld.idx.msk [tilespmem:v24+s24+$0x0], $0xffff;
	[tilespmem:s14+$0x290] =	vst v12  }
0x132: {  	v12 =	vld.idx.msk [tilespmem:v24+s22+$0x0], $0xffff;
	[tilespmem:s14+$0x2290] =	vst v6  }
0x133: {  	v5 =	vld.idx.msk [tilespmem:v24+s13+$0x0], $0xffff;
	[tilespmem:s14+$0x2190] =	vst v0  }
0x134: {  	v0 =	vld.idx.msk [tilespmem:v24+s3+$0x0], $0xffff;
	[tilespmem:s14+$0x10] =	vst v3  }
0x135: {  	v3 =	vld.idx.msk [tilespmem:v24+s1+$0x0], $0xffff;
	[tilespmem:s14+$0x110] =	vst v1  }
0x136: {  	v17 =	vld.idx.msk [tilespmem:v14+s3+$0x0], $0xffff  }
0x137: {  	v20 =	vld.idx.msk [tilespmem:v14+s23+$0x0], $0xffff  }
0x138: {  	v21 =	vld.idx.msk [tilespmem:v14+s7+$0x0], $0xffff  }
0x139: {  	v1 =	vmul.f32 $2.048000000e+03, v15;
	v22 =	vld.idx.msk [tilespmem:v24+s7+$0x0], $0xffff  }
0x13a: {  	v25 =	vsub.f32 $1.000000000e+00, v11;
	v26 =	vld.idx.msk [tilespmem:v24+s23+$0x0], $0xffff  }
0x13b: {  	v1 =	vadd.f32 $-5.000000000e-01, v1;
	v6 =	vld.idx.msk [tilespmem:v14+s29+$0x0], $0xffff  }
0x13c: {  	v23 =	vmul.f32 v23, v25;
	v27 =	vmul.f32 v10, v25;
	v15 =	vld.idx.msk [tilespmem:v14+s28+$0x0], $0xffff  }
0x13d: {  	v28 =	vmul.f32 v25, v7;
	v2 =	vmul.f32 v0, v25;
	v0 =	vmax.f32 v1, $0.0e+00;
	v10 =	vld.idx.msk [tilespmem:v14+s25+$0x0], $0xffff  }
0x13e: {  	v16 =	vmul.f32 v16, v25;
	v29 =	vmul.f32 v5, v25;
	v5 =	vmin.f32 v0, $2.047000000e+03;
	v1 =	vld.idx.msk [tilespmem:v14+s12+$0x0], $0xffff  }
0x13f: {  	v7 =	vmul.f32 v25, v8;
	v8 =	vtrunc.f32 v5;
	v0 =	vld.idx.msk [tilespmem:v14+s8+$0x0], $0xffff  }
0x140: {  	v4 =	vmul.f32 v25, v4;
	v31 =	vcvt.f32.s32 v8;
	v30 =	vld.idx.msk [tilespmem:v14+s31+$0x0], $0xffff  }
0x141: {  	v8 =	vmul.f32 v19, v25;
	v18 =	vld.idx.msk [tilespmem:v24+s25+$0x0], $0xffff;
	v24 =	vmul.f32 v6, v11  }
0x142: {  	v32 =	vmul.f32 v25, v13;
	v13 =	vshll.u32 v31, $0x3;
	v6 =	vadd.s32 $0x1, v31;
	v19 =	vld.idx.msk [tilespmem:v14+s0+$0x0], $0xffff  }
0x143: {  	v34 =	vand.u32 $0x7F, v31;
	v13 =	vand.u32 $0xFFFFFC00, v13;
	vm0 =	vlt.s32 v6, $0x7FF;
	v33 =	vld.idx.msk [tilespmem:v14+s2+$0x0], $0xffff  }
0x144: {  	v1 =	vmul.f32 v1, v11;
	v36 =	vnsel vm0, $0x7FF, v6;
	v6 =	vor.u32 v34, v13;
	v35 =	vld.idx.msk [tilespmem:v14+s1+$0x0], $0xffff  }
0x145: {  	v13 =	vmul.f32 v15, v11;
	v0 =	vmul.f32 v0, v11;
	v15 =	vshll.u32 v36, $0x3;
	v34 =	vld.idx.msk [tilespmem:v14+s26+$0x0], $0xffff  }
0x146: {  	v8 =	vadd.f32 v1, v8;
	v1 =	vand.u32 $0xFFFFFC00, v15;
	v15 =	vand.u32 $0x7F, v36;
	v37 =	vld.idx.msk [tilespmem:v14+s24+$0x0], $0xffff  }
0x147: {  	v10 =	vmul.f32 v10, v11;
	v38 =	vmul.f32 v25, v18;
	v1 =	vor.u32 v15, v1;
	v36 =	vld.idx.msk [tilespmem:v14+s22+$0x0], $0xffff  }
0x148: {  	s21 =	sand.u32 $0x1C00, s11;
	s14 =	sand.u32 $0x60, s20;
	v13 =	vadd.f32 v13, v7;
	v18 =	vadd.f32 v0, v32;
	v0 =	vmul.f32 v19, v11;
	v14 =	vld.idx.msk [tilespmem:v14+s13+$0x0], $0xffff  }
0x149: {  	s21 =	sor.u32 s14, s21;
	v3 =	vmul.f32 v3, v25;
	v24 =	vadd.f32 v24, v4;
	v10 =	vadd.f32 v10, v38;
	v7 =	vld.idx.msk [tilespmem:v6+s22+$0x0], $0xffff  }
0x14a: {  	s14 =	sadd.s32 $0x15000, s21;
	v4 =	vmul.f32 v25, v9;
	v9 =	vadd.f32 v0, v16;
	v15 =	vmul.f32 v35, v11;
	v0 =	vld.idx.msk [tilespmem:v6+s1+$0x0], $0xffff  }
0x14b: {  	v12 =	vmul.f32 v25, v12;
	v16 =	vmul.f32 v34, v11;
	[tilespmem:s14+$0x180] =	vst v10;
	v10 =	vld.idx.msk [tilespmem:v6+s12+$0x0], $0xffff  }
0x14c: {  	v32 =	vmul.f32 v33, v11;
	v19 =	vmul.f32 v37, v11;
	v3 =	vadd.f32 v15, v3;
	v15 =	vld.idx.msk [tilespmem:v6+s2+$0x0], $0xffff  }
0x14d: {  	v33 =	vmul.f32 v36, v11;
	v16 =	vadd.f32 v16, v4;
	[tilespmem:s14+$0x2080] =	vst v9;
	v4 =	vld.idx.msk [tilespmem:v6+s31+$0x0], $0xffff  }
0x14e: {  	v9 =	vadd.f32 v19, v28;
	v19 =	vmul.f32 v14, v11;
	[tilespmem:s14+$0x2180] =	vst v3;
	v3 =	vld.idx.msk [tilespmem:v6+s23+$0x0], $0xffff  }
0x14f: {  	v27 =	vadd.f32 v32, v27;
	v12 =	vadd.f32 v33, v12;
	[tilespmem:s14+$0x200] =	vst v16;
	v14 =	vld.idx.msk [tilespmem:v6+s8+$0x0], $0xffff  }
0x150: {  	v28 =	vmul.f32 v30, v11;
	v19 =	vadd.f32 v19, v29;
	[tilespmem:s14+$0x100] =	vst v9;
	v9 =	vld.idx.msk [tilespmem:v6+s24+$0x0], $0xffff  }
.Ltmp1:
0x151: {  	v26 =	vmul.f32 v25, v26;
	v29 =	vmul.f32 v20, v11;
	[tilespmem:s14+$0x80] =	vst v12;
	v16 =	vld.idx.msk [tilespmem:v6+s13+$0x0], $0xffff;
	(pc) =	sbr.rel @p0 .LBB2_5-.Ltmp1, $4  }
0x152: {  	v28 =	vadd.f32 v28, v23;
	v20 =	vmul.f32 v22, v25;
	[tilespmem:s14+$0x2300] =	vst v19;
	v19 =	vld.idx.msk [tilespmem:v6+s0+$0x0], $0xffff  }
0x153: {  	v21 =	vmul.f32 v21, v11;
	v22 =	vadd.f32 v29, v26;
	[tilespmem:s14+$0x2200] =	vst v27;
	v12 =	vld.idx.msk [tilespmem:v6+s28+$0x0], $0xffff  }
0x154: {  	v23 =	vmul.f32 v17, v11;
	[tilespmem:s14+$0x300] =	vst v24;
	v11 =	vld.idx.msk [tilespmem:v6+s25+$0x0], $0xffff  }
0x155: {  	s19 =	sadd.s32 $0x20, s19;
	s20 =	sadd.s32 $0x20, s20;
	v24 =	vcvt.s32.f32 v31;
	[tilespmem:s14+$0x2000] =	vst v28;
	v17 =	vld.idx.msk [tilespmem:v1+s13+$0x0], $0xffff  }
0x156: {  	_ =	sdelay $0x3  }
0x157: {  	v25 =	vld.idx.msk [tilespmem:v1+s12+$0x0], $0xffff  }
0x158: {  	v26 =	vld.idx.msk [tilespmem:v1+s1+$0x0], $0xffff  }
0x159: {  	v27 =	vld.idx.msk [tilespmem:v1+s2+$0x0], $0xffff  }
0x15a: {  	v28 =	vld.idx.msk [tilespmem:v6+s29+$0x0], $0xffff  }
0x15b: {  	v29 =	vld.idx.msk [tilespmem:v1+s0+$0x0], $0xffff  }
0x15c: {  	v30 =	vld.idx.msk [tilespmem:v6+s7+$0x0], $0xffff  }
0x15d: {  	v31 =	vld.idx.msk [tilespmem:v1+s7+$0x0], $0xffff  }
0x15e: {  	v32 =	vld.idx.msk [tilespmem:v1+s8+$0x0], $0xffff  }
0x15f: {  	v33 =	vld.idx.msk [tilespmem:v1+s31+$0x0], $0xffff  }
0x160: {  	v34 =	vld.idx.msk [tilespmem:v1+s29+$0x0], $0xffff  }
0x161: {  	v35 =	vld.idx.msk [tilespmem:v6+s26+$0x0], $0xffff  }
0x162: {  	[tilespmem:s14+$0x280] =	vst v13;
	v6 =	vld.idx.msk [tilespmem:v6+s3+$0x0], $0xffff;
	v5 =	vsub.f32 v5, v24  }
0x163: {  	[tilespmem:s14+$0x380] =	vst v18;
	v13 =	vld.idx.msk [tilespmem:v1+s25+$0x0], $0xffff  }
0x164: {  	v2 =	vadd.f32 v23, v2;
	v38 =	vld.idx.msk [tilespmem:v1+s26+$0x0], $0xffff;
	[tilespmem:s21+$0x15000] =	vst v22;
	v18 =	vsub.f32 $1.000000000e+00, v5  }
0x165: {  	v39 =	vld.idx.msk [tilespmem:v1+s23+$0x0], $0xffff;
	[tilespmem:s14+$0x2100] =	vst v8;
	v8 =	vadd.f32 v21, v20  }
0x166: {  	v40 =	vld.idx.msk [tilespmem:v1+s3+$0x0], $0xffff;
	[tilespmem:s14+$0x2280] =	vst v2;
	v2 =	vmul.f32 v15, v18;
	v15 =	vmul.f32 v27, v5  }
0x167: {  	v41 =	vld.idx.msk [tilespmem:v1+s22+$0x0], $0xffff;
	[tilespmem:s14+$0x2380] =	vst v8;
	v8 =	vmul.f32 v19, v18;
	v19 =	vmul.f32 v29, v5  }
0x168: {  	v20 =	vld.idx.msk [tilespmem:v1+s28+$0x0], $0xffff;
	v17 =	vmul.f32 v17, v5;
	v16 =	vmul.f32 v16, v18;
	v2 =	vadd.f32 v15, v2  }
0x169: {  	v1 =	vld.idx.msk [tilespmem:v1+s24+$0x0], $0xffff;
	v11 =	vmul.f32 v18, v11;
	v13 =	vmul.f32 v13, v5;
	v8 =	vadd.f32 v19, v8  }
0x16a: {  	v24 =	vmul.f32 v31, v5;
	v15 =	vmul.f32 v30, v18;
	v16 =	vadd.f32 v17, v16;
	[tilespmem:s14+$0x2210] =	vst v2  }
0x16b: {  	v42 =	vmul.f32 v34, v5;
	v19 =	vmul.f32 v18, v28;
	v11 =	vadd.f32 v13, v11;
	[tilespmem:s14+$0x2090] =	vst v8  }
0x16c: {  	v15 =	vadd.f32 v24, v15;
	v2 =	vmul.f32 v18, v14;
	v14 =	vmul.f32 v32, v5;
	[tilespmem:s14+$0x2310] =	vst v16  }
0x16d: {  	v19 =	vadd.f32 v42, v19;
	v8 =	vmul.f32 v10, v18;
	v10 =	vmul.f32 v25, v5;
	[tilespmem:s14+$0x190] =	vst v11  }
0x16e: {  	v6 =	vmul.f32 v6, v18;
	v11 =	vmul.f32 v40, v5;
	[tilespmem:s14+$0x2390] =	vst v15;
	v2 =	vadd.f32 v14, v2  }
0x16f: {  	v4 =	vmul.f32 v4, v18;
	[tilespmem:s14+$0x310] =	vst v19;
	v8 =	vadd.f32 v10, v8;
	v10 =	vmul.f32 v33, v5  }
0x170: {  	v14 =	vmul.f32 v18, v35;
	v15 =	vmul.f32 v38, v5;
	v6 =	vadd.f32 v11, v6;
	[tilespmem:s14+$0x390] =	vst v2  }
0x171: {  	v2 =	vmul.f32 v18, v7;
	v7 =	vmul.f32 v41, v5;
	v4 =	vadd.f32 v10, v4;
	[tilespmem:s14+$0x2110] =	vst v8  }
0x172: {  	v8 =	vmul.f32 v18, v12;
	v10 =	vmul.f32 v20, v5;
	v12 =	vadd.f32 v15, v14;
	[tilespmem:s14+$0x2290] =	vst v6  }
0x173: {  	v0 =	vmul.f32 v0, v18;
	v2 =	vadd.f32 v7, v2;
	[tilespmem:s14+$0x2010] =	vst v4;
	v4 =	vmul.f32 v26, v5  }
0x174: {  	v3 =	vmul.f32 v18, v3;
	v7 =	vadd.f32 v10, v8;
	[tilespmem:s14+$0x210] =	vst v12;
	v8 =	vmul.f32 v39, v5  }
0x175: {  	v1 =	vmul.f32 v1, v5;
	[tilespmem:s14+$0x90] =	vst v2;
	v2 =	vmul.f32 v18, v9;
	v0 =	vadd.f32 v4, v0  }
0x176: {  	[tilespmem:s14+$0x290] =	vst v7;
	v3 =	vadd.f32 v8, v3  }
0x177: {  	v1 =	vadd.f32 v1, v2;
	[tilespmem:s14+$0x2190] =	vst v0  }
0x178: {  	[tilespmem:s14+$0x10] =	vst v3  }
0x179: {  	[tilespmem:s14+$0x110] =	vst v1  }
0x17a: {  	s15 =	simm.s32 $0x15000;
	s11 =	rddreg [dreg:$0x7]  }
0x17b: {  	p0 =	seq.s32 s4, $0xF;
	s14 =	simm.s32 $0x2000;
	s11 =	sadd.s32 s10, s11  }
0x17c: {  	[hbm4b:s11+s14] =	stream.strided.scatter [tilespmem:s15], [sflag:$0x6], $0x4000, s31, s14, $0x38;
	[tilespmem:$0x19000] =	vst v63  }
0x17d: {  	s11 =	sadd.s32 @!p0 $0x2, s9;
	s14 =	rddreg [dreg:$0x4]  }
0x17e: {  	s19 =	rddreg [dreg:$0x1];
	s14 =	sadd.s32 @!p0 s14, s11  }
0x17f: {  	s16 =	simm.s32 $0x2;
	[dreg:$0xa] =	wrdreg s4;
	s18 =	sshll.u32 @!p0 s14, $0xC  }
0x180: {  	s11 =	sshll.u32 @!p0 s11, $0x4;
	s18 =	sadd.s32 @!p0 s19, s18;
	s19 =	simm.s32 @!p0 $0x0  }
0x181: {  	[tilespmem:s19], [sflag:$0x1] =	stream.linear.gather @!p0 [hbm4b:s18+s19], $0x8000, $0x38;
	[tilespmem:$0x19000] =	vst v63  }
0x182: {  	s14 =	sshll.u32 @!p0 s14, $0x8;
	s11 =	sand.u32 @!p0 $0x60, s11;
	s18 =	rddreg [dreg:$0x0]  }
0x183: {  	s14 =	sand.u32 @!p0 $0x7F800, s14;
	s19 =	simm.s32 @!p0 $0x10000;
	s11 =	sadd.s32 @!p0 s18, s11  }
0x184: {  	s18 =	simm.s32 @!p0 $0x400;
	s11 =	sadd.s32 @!p0 s14, s11;
	s14 =	simm.s32 @!p0 $0x80  }
0x185: {  	[tilespmem:s19], [sflag:$0x3] =	stream.strided.gather @!p0 [hbm4b:s11+s14], $0x800, s18, s14, $0x38;
	[tilespmem:$0x19000] =	vst v63  }
0x186: {  	_ =	swait.ge [sflag:s16], $0x8000  }
0x187: {  	[sflag:s16] =	ssyncset.done $0x0  }
0x188: {  	s17 =	simm.s32 $0x4;
	[sflag:s16] =	ssyncadd.s32 $0xFFFF8000  }
0x189: {  	_ =	swait.ge [sflag:s17], $0x800  }
0x18a: {  	[sflag:s17] =	ssyncset.done $0x0  }
0x18b: {  	s18 =	simm.s32 $0x5;
	[sflag:s17] =	ssyncadd.s32 $0xFFFFF800  }
0x18c: {  	_ =	swait.ge [sflag:s18], $0x4000  }
0x18d: {  	[sflag:s18] =	ssyncset.done $0x0  }
0x18e: {  	s19 =	simm.s32 $0x10800;
	[sflag:s18] =	ssyncadd.s32 $0xFFFFC000  }
0x18f: {  	v0 =	vld [tilespmem:s19+$0x0];
	_ =	sdelay $0x4  }
0x190: {  	v0 =	vmul.f32 $2.048000000e+03, v0;
	_ =	sdelay $0x1  }
0x191: {  	v0 =	vadd.f32 $-5.000000000e-01, v0;
	_ =	sdelay $0x1  }
0x192: {  	v0 =	vmax.f32 v0, $0.0e+00  }
0x193: {  	v0 =	vmin.f32 v0, $2.047000000e+03  }
0x194: {  	v1 =	vtrunc.f32 v0  }
0x195: {  	v1 =	vcvt.f32.s32 v1;
	_ =	sdelay $0x1  }
0x196: {  	v3 =	vshll.u32 v1, $0x3  }
0x197: {  	v4 =	vand.u32 $0x7F, v1;
	v3 =	vand.u32 $0xFFFFFC00, v3  }
0x198: {  	s11 =	simm.s32 $0x0;
	v3 =	vor.u32 v4, v3  }
0x199: {  	s20 =	sand.u32 $0x60, s11  }
0x19a: {  	s21 =	sand.u32 $0x380, s11;
	s14 =	sor.u32 $0x10, s20;
	v2 =	vadd.s32 $0x1, v1  }
0x19b: {  	s18 =	sor.u32 s14, s21;
	vm0 =	vlt.s32 v2, $0x7FF  }
0x19c: {  	s4 =	simm.s32 $0xC100;
	v16 =	vld [tilespmem:s18+$0x10800];
	v2 =	vnsel vm0, $0x7FF, v2  }
0x19d: {  	s3 =	simm.s32 $0xC300;
	v4 =	vshll.u32 v2, $0x3;
	v5 =	vld.idx.msk [tilespmem:v3+s4+$0x0], $0xffff  }
0x19e: {  	s24 =	simm.s32 $0x8080;
	v2 =	vand.u32 $0x7F, v2;
	v4 =	vand.u32 $0xFFFFFC00, v4;
	v6 =	vld.idx.msk [tilespmem:v3+s3+$0x0], $0xffff  }
0x19f: {  	s25 =	simm.s32 $0x8000;
	v2 =	vor.u32 v2, v4;
	v4 =	vld.idx.msk [tilespmem:v3+s24+$0x0], $0xffff  }
0x1a0: {  	s9 =	simm.s32 $0xC080;
	v8 =	vld.idx.msk [tilespmem:v3+s25+$0x0], $0xffff  }
0x1a1: {  	s17 =	simm.s32 $0x8280;
	v10 =	vld.idx.msk [tilespmem:v3+s9+$0x0], $0xffff  }
0x1a2: {  	s8 =	simm.s32 $0x8300;
	v13 =	vld.idx.msk [tilespmem:v3+s17+$0x0], $0xffff  }
0x1a3: {  	s30 =	simm.s32 $0xC380;
	v17 =	vld.idx.msk [tilespmem:v3+s8+$0x0], $0xffff  }
0x1a4: {  	s10 =	simm.s32 $0x8380;
	v43 =	vld.idx.msk [tilespmem:v3+s30+$0x0], $0xffff  }
0x1a5: {  	s16 =	simm.s32 $0x8180;
	v45 =	vld.idx.msk [tilespmem:v3+s10+$0x0], $0xffff  }
0x1a6: {  	v47 =	vld.idx.msk [tilespmem:v3+s16+$0x0], $0xffff  }
0x1a7: {  	v49 =	vld.idx.msk [tilespmem:v3+s5+$0x0], $0xffff  }
0x1a8: {  	s23 =	simm.s32 $0x8100;
	v16 =	vmul.f32 $2.048000000e+03, v16;
	v52 =	vld.idx.msk [tilespmem:v3+s6+$0x0], $0xffff  }
0x1a9: {  	v7 =	vld.idx.msk [tilespmem:v2+s23+$0x0], $0xffff  }
0x1aa: {  	v16 =	vadd.f32 $-5.000000000e-01, v16;
	v1 =	vcvt.s32.f32 v1;
	v9 =	vld.idx.msk [tilespmem:v2+s8+$0x0], $0xffff  }
0x1ab: {  	v11 =	vld.idx.msk [tilespmem:v2+s9+$0x0], $0xffff  }
0x1ac: {  	v16 =	vmax.f32 v16, $0.0e+00;
	v19 =	vsub.f32 v0, v1;
	v12 =	vld.idx.msk [tilespmem:v2+s10+$0x0], $0xffff  }
0x1ad: {  	s1 =	simm.s32 $0x8200;
	v16 =	vmin.f32 v16, $2.047000000e+03;
	v14 =	vld.idx.msk [tilespmem:v2+s3+$0x0], $0xffff  }
0x1ae: {  	v50 =	vtrunc.f32 v16;
	v18 =	vsub.f32 $1.000000000e+00, v19;
	v15 =	vld.idx.msk [tilespmem:v2+s1+$0x0], $0xffff  }
0x1af: {  	v28 =	vcvt.f32.s32 v50;
	v1 =	vld.idx.msk [tilespmem:v2+s24+$0x0], $0xffff  }
0x1b0: {  	v20 =	vld.idx.msk [tilespmem:v2+s25+$0x0], $0xffff;
	v10 =	vmul.f32 v10, v18;
	v13 =	vmul.f32 v18, v13  }
0x1b1: {  	s15 =	simm.s32 $0xC000;
	v48 =	vld.idx.msk [tilespmem:v2+s16+$0x0], $0xffff;
	v17 =	vmul.f32 v18, v17;
	v4 =	vmul.f32 v18, v4  }
0x1b2: {  	v0 =	vld.idx.msk [tilespmem:v2+s15+$0x0], $0xffff;
	v8 =	vmul.f32 v18, v8;
	v27 =	vmul.f32 v49, v18  }
0x1b3: {  	v44 =	vld.idx.msk [tilespmem:v2+s6+$0x0], $0xffff;
	v59 =	vmul.f32 v5, v18;
	v60 =	vmul.f32 v6, v18  }
0x1b4: {  	v46 =	vld.idx.msk [tilespmem:v2+s30+$0x0], $0xffff;
	v12 =	vmul.f32 v12, v19;
	v9 =	vmul.f32 v9, v19  }
0x1b5: {  	v55 =	vand.u32 $0x7F, v28;
	v51 =	vld.idx.msk [tilespmem:v2+s5+$0x0], $0xffff;
	v1 =	vmul.f32 v1, v19;
	v20 =	vmul.f32 v20, v19  }
0x1b6: {  	s6 =	simm.s32 $0xC180;
	v58 =	vld.idx.msk [tilespmem:v2+s4+$0x0], $0xffff;
	v11 =	vmul.f32 v11, v19;
	v26 =	vmul.f32 v48, v19;
	v9 =	vadd.f32 v9, v17  }
0x1b7: {  	v57 =	vld.idx.msk [tilespmem:v2+s6+$0x0], $0xffff;
	v17 =	vmul.f32 v18, v45;
	v53 =	vadd.f32 v1, v4;
	v4 =	vshll.u32 v28, $0x3  }
0x1b8: {  	v2 =	vld.idx.msk [tilespmem:v2+s17+$0x0], $0xffff;
	v8 =	vadd.f32 v20, v8;
	v20 =	vadd.s32 $0x1, v28;
	v4 =	vand.u32 $0xFFFFFC00, v4  }
0x1b9: {  	v1 =	vmul.f32 v18, v47;
	vm15 =	vlt.s32 v20, $0x7FF;
	v4 =	vor.u32 v55, v4  }
0x1ba: {  	s22 =	sand.u32 $0x1C00, s11;
	v54 =	vld.idx.msk [tilespmem:v3+s23+$0x0], $0xffff;
	v23 =	vmul.f32 v51, v19;
	v10 =	vadd.f32 v11, v10;
	v20 =	vnsel vm15, $0x7FF, v20  }
0x1bb: {  	s18 =	sadd.s32 $0x11000, s22;
	v12 =	vadd.f32 v12, v17;
	v17 =	vld.idx.msk [tilespmem:v3+s15+$0x0], $0xffff;
	v26 =	vadd.f32 v26, v1;
	v11 =	vshll.u32 v20, $0x3  }
0x1bc: {  	s22 =	sor.u32 s20, s18;
	v56 =	vld.idx.msk [tilespmem:v3+s6+$0x0], $0xffff;
	v1 =	vand.u32 $0xFFFFFC00, v11;
	v11 =	vand.u32 $0x7F, v20;
	v20 =	vadd.f32 v23, v27  }
0x1bd: {  	s2 =	simm.s32 $0xC280;
	v21 =	vmul.f32 v43, v18;
	v2 =	vmul.f32 v2, v19;
	v3 =	vld.idx.msk [tilespmem:v3+s1+$0x0], $0xffff;
	[tilespmem:s22+$0x2080] =	vst v10  }
0x1be: {  	v29 =	vmul.f32 v52, v18;
	v15 =	vmul.f32 v15, v19;
	[tilespmem:s22+$0x2280] =	vst v20;
	v20 =	vld.idx.msk [tilespmem:v4+s2+$0x0], $0xffff  }
0x1bf: {  	v7 =	vmul.f32 v7, v19;
	v2 =	vadd.f32 v2, v13;
	[tilespmem:s22+$0x0] =	vst v8;
	v5 =	vld.idx.msk [tilespmem:v4+s4+$0x0], $0xffff  }
0x1c0: {  	[tilespmem:s22+$0x300] =	vst v9;
	v6 =	vmul.f32 v17, v18;
	v17 =	vmul.f32 v18, v54;
	v10 =	vld.idx.msk [tilespmem:v4+s3+$0x0], $0xffff  }
0x1c1: {  	s5 =	simm.s32 $0xC200;
	v0 =	vmul.f32 v0, v19;
	[tilespmem:s22+$0x80] =	vst v53;
	v1 =	vor.u32 v11, v1;
	v11 =	vld.idx.msk [tilespmem:v4+s9+$0x0], $0xffff  }
0x1c2: {  	[tilespmem:s22+$0x280] =	vst v2;
	v62 =	vmul.f32 v18, v3;
	v63 =	vld.idx.msk [tilespmem:v4+s5+$0x0], $0xffff;
	v3 =	vadd.f32 v7, v17  }
0x1c3: {  	[tilespmem:s22+$0x380] =	vst v12;
	v12 =	vld.idx.msk [tilespmem:v4+s17+$0x0], $0xffff;
	v7 =	vmul.f32 v58, v19;
	v8 =	vadd.f32 v0, v6;
	v0 =	vcvt.s32.f32 v28  }
0x1c4: {  	v24 =	vmul.f32 v46, v19;
	v61 =	vmul.f32 v56, v18;
	[tilespmem:s22+$0x180] =	vst v26;
	v13 =	vld.idx.msk [tilespmem:v4+s1+$0x0], $0xffff  }
0x1c5: {  	v18 =	vld.idx.msk [tilespmem:v4+s30+$0x0], $0xffff;
	[tilespmem:s22+$0x100] =	vst v3;
	v3 =	vadd.f32 v7, v59;
	v0 =	vsub.f32 v16, v0  }
0x1c6: {  	v9 =	vmul.f32 v57, v19;
	v6 =	vld.idx.msk [tilespmem:v4+s15+$0x0], $0xffff;
	v15 =	vadd.f32 v15, v62;
	[tilespmem:s22+$0x2000] =	vst v8  }
0x1c7: {  	v17 =	vmul.f32 v14, v19;
	v14 =	vld.idx.msk [tilespmem:v4+s23+$0x0], $0xffff;
	v8 =	vmul.f32 v44, v19;
	[tilespmem:s22+$0x2100] =	vst v3;
	v3 =	vsub.f32 $1.000000000e+00, v0  }
0x1c8: {  	v16 =	vadd.f32 v9, v61;
	v7 =	vadd.f32 v24, v21;
	v19 =	vld.idx.msk [tilespmem:v1+s30+$0x0], $0xffff;
	[tilespmem:s22+$0x200] =	vst v15  }
0x1c9: {  	v9 =	vadd.f32 v8, v29;
	v8 =	vadd.f32 v17, v60;
	v17 =	vld.idx.msk [tilespmem:v1+s17+$0x0], $0xffff;
	v2 =	vmul.f32 v20, v3  }
0x1ca: {  	s21 =	simm.s32 $0x0;
	s19 =	simm.s32 $0x0;
	s20 =	simm.s32 $0x10820;
	[tilespmem:s22+$0x2180] =	vst v16;
	v16 =	vld.idx.msk [tilespmem:v1+s5+$0x0], $0xffff;
	v15 =	vmul.f32 v3, v12;
	v12 =	vmul.f32 v63, v3  }
.LBB2_7:
0x1cb: {  	s19 =	sadd.s32 $0x2, s19;
	[tilespmem:s22+$0x2200] =	vst v9;
	v9 =	vld.idx.msk [tilespmem:v4+s25+$0x0], $0xffff;
	v13 =	vmul.f32 v3, v13;
	s11 =	sadd.s32 $0x100, s11;
	s21 =	sadd.s32 $0x20, s21  }
0x1cc: {  	v10 =	vmul.f32 v10, v3;
	v20 =	vld [tilespmem:s20+$0x0];
	p0 =	slt.u32 s19, $0x3E;
	[tilespmem:s22+$0x2300] =	vst v8;
	v8 =	vmul.f32 v11, v3  }
0x1cd: {  	[tilespmem:s22+$0x2380] =	vst v7;
	v7 =	vld.idx.msk [tilespmem:v1+s3+$0x0], $0xffff  }
0x1ce: {  	v18 =	vmul.f32 v18, v3;
	v19 =	vmul.f32 v19, v0;
	v11 =	vld.idx.msk [tilespmem:v1+s9+$0x0], $0xffff  }
0x1cf: {  	v21 =	vld.idx.msk [tilespmem:v1+s10+$0x0], $0xffff  }
0x1d0: {  	v14 =	vmul.f32 v3, v14;
	v16 =	vmul.f32 v16, v0;
	v18 =	vadd.f32 v19, v18;
	v22 =	vld.idx.msk [tilespmem:v4+s10+$0x0], $0xffff  }
0x1d1: {  	v23 =	vmul.f32 v6, v3;
	v19 =	vmul.f32 $2.048000000e+03, v20;
	v20 =	vld.idx.msk [tilespmem:v4+s8+$0x0], $0xffff  }
0x1d2: {  	v12 =	vadd.f32 v16, v12;
	v6 =	vld.idx.msk [tilespmem:v1+s2+$0x0], $0xffff  }
0x1d3: {  	v24 =	vmul.f32 v5, v3;
	v5 =	vmul.f32 v7, v0;
	v16 =	vadd.f32 $-5.000000000e-01, v19;
	v19 =	vld.idx.msk [tilespmem:v4+s16+$0x0], $0xffff  }
0x1d4: {  	v9 =	vmul.f32 v3, v9;
	v11 =	vmul.f32 v11, v0;
	v7 =	vld.idx.msk [tilespmem:v4+s6+$0x0], $0xffff  }
0x1d5: {  	v21 =	vmul.f32 v21, v0;
	v10 =	vadd.f32 v5, v10;
	v16 =	vmax.f32 v16, $0.0e+00;
	v4 =	vld.idx.msk [tilespmem:v4+s24+$0x0], $0xffff  }
0x1d6: {  	v17 =	vmul.f32 v17, v0;
	v8 =	vadd.f32 v11, v8;
	v16 =	vmin.f32 v16, $2.047000000e+03;
	v5 =	vld.idx.msk [tilespmem:v1+s4+$0x0], $0xffff  }
0x1d7: {  	v11 =	vtrunc.f32 v16;
	v25 =	vld.idx.msk [tilespmem:v1+s24+$0x0], $0xffff  }
0x1d8: {  	v15 =	vadd.f32 v17, v15;
	v17 =	vmul.f32 v3, v22;
	v22 =	vmul.f32 v6, v0;
	v26 =	vld.idx.msk [tilespmem:v1+s6+$0x0], $0xffff  }
0x1d9: {  	v11 =	vcvt.f32.s32 v11;
	v19 =	vmul.f32 v3, v19;
	v27 =	vld.idx.msk [tilespmem:v1+s25+$0x0], $0xffff  }
0x1da: {  	v17 =	vadd.f32 v21, v17;
	v7 =	vmul.f32 v7, v3;
	v28 =	vld.idx.msk [tilespmem:v1+s1+$0x0], $0xffff  }
0x1db: {  	v6 =	vadd.s32 $0x1, v11;
	v21 =	vshll.u32 v11, $0x3;
	v29 =	vand.u32 $0x7F, v11;
	v30 =	vld.idx.msk [tilespmem:v1+s16+$0x0], $0xffff  }
0x1dc: {  	vm0 =	vlt.s32 v6, $0x7FF;
	v21 =	vand.u32 $0xFFFFFC00, v21;
	v32 =	vmul.f32 v5, v0;
	v31 =	vld.idx.msk [tilespmem:v1+s15+$0x0], $0xffff  }
0x1dd: {  	v20 =	vmul.f32 v3, v20;
	v6 =	vnsel vm0, $0x7FF, v6;
	v5 =	vor.u32 v29, v21;
	v21 =	vld.idx.msk [tilespmem:v1+s8+$0x0], $0xffff  }
0x1de: {  	s14 =	sor.u32 s14, s18;
	v29 =	vshll.u32 v6, $0x3;
	v6 =	vand.u32 $0x7F, v6;
	v26 =	vmul.f32 v26, v0;
	v1 =	vld.idx.msk [tilespmem:v1+s23+$0x0], $0xffff  }
0x1df: {  	v25 =	vmul.f32 v25, v0;
	v29 =	vand.u32 $0xFFFFFC00, v29;
	[tilespmem:s14+$0x2080] =	vst v8;
	v8 =	vadd.f32 v32, v24  }
0x1e0: {  	v3 =	vmul.f32 v3, v4;
	v6 =	vor.u32 v6, v29;
	v24 =	vmul.f32 v27, v0;
	[tilespmem:s14+$0x2300] =	vst v10  }
0x1e1: {  	v7 =	vadd.f32 v26, v7;
	v4 =	vmul.f32 v30, v0;
	v10 =	vmul.f32 v28, v0;
	[tilespmem:s14+$0x280] =	vst v15  }
0x1e2: {  	v3 =	vadd.f32 v25, v3;
	v9 =	vadd.f32 v24, v9;
	v24 =	vmul.f32 v31, v0;
	v15 =	vld.idx.msk [tilespmem:v5+s4+$0x0], $0xffff  }
0x1e3: {  	v11 =	vcvt.s32.f32 v11;
	v10 =	vadd.f32 v10, v13;
	v13 =	vmul.f32 v21, v0;
	v25 =	vld.idx.msk [tilespmem:v5+s3+$0x0], $0xffff;
	[tilespmem:s14+$0x2380] =	vst v18  }
0x1e4: {  	v0 =	vmul.f32 v1, v0;
	v1 =	vadd.f32 v4, v19;
	v18 =	vld.idx.msk [tilespmem:v5+s24+$0x0], $0xffff;
	[tilespmem:s14+$0x0] =	vst v9  }
0x1e5: {  	v9 =	vadd.f32 v13, v20;
	v13 =	vadd.f32 v24, v23;
	v4 =	vld.idx.msk [tilespmem:v6+s23+$0x0], $0xffff;
	[tilespmem:s14+$0x2180] =	vst v7  }
0x1e6: {  	v0 =	vadd.f32 v0, v14;
	v7 =	vld.idx.msk [tilespmem:v5+s25+$0x0], $0xffff;
	[tilespmem:s14+$0x380] =	vst v17  }
0x1e7: {  	v14 =	vld.idx.msk [tilespmem:v6+s8+$0x0], $0xffff;
	[tilespmem:s14+$0x300] =	vst v9  }
0x1e8: {  	v9 =	vld.idx.msk [tilespmem:v5+s9+$0x0], $0xffff;
	[tilespmem:s14+$0x100] =	vst v0  }
0x1e9: {  	v2 =	vadd.f32 v22, v2;
	v17 =	vld.idx.msk [tilespmem:v6+s9+$0x0], $0xffff;
	[tilespmem:s14+$0x200] =	vst v10  }
0x1ea: {  	v0 =	vsub.f32 v16, v11;
	v10 =	vld.idx.msk [tilespmem:v6+s10+$0x0], $0xffff;
	[tilespmem:s14+$0x80] =	vst v3  }
0x1eb: {  	v3 =	vld.idx.msk [tilespmem:v6+s3+$0x0], $0xffff;
	[tilespmem:s14+$0x2280] =	vst v2  }
0x1ec: {  	v2 =	vsub.f32 $1.000000000e+00, v0;
	v11 =	vld.idx.msk [tilespmem:v5+s17+$0x0], $0xffff;
	[tilespmem:s14+$0x2200] =	vst v12  }
0x1ed: {  	v12 =	vld.idx.msk [tilespmem:v6+s1+$0x0], $0xffff;
	[tilespmem:s14+$0x2100] =	vst v8  }
0x1ee: {  	v8 =	vld.idx.msk [tilespmem:v5+s8+$0x0], $0xffff;
	[tilespmem:s14+$0x180] =	vst v1  }
0x1ef: {  	s18 =	sand.u32 $0x1C00, s11;
	v16 =	vmul.f32 v9, v2;
	v1 =	vld.idx.msk [tilespmem:v6+s15+$0x0], $0xffff;
	[tilespmem:s14+$0x2000] =	vst v13  }
0x1f0: {  	s18 =	sadd.s32 $0x11000, s18;
	s14 =	sand.u32 $0x60, s21;
	v9 =	vld.idx.msk [tilespmem:v6+s24+$0x0], $0xffff  }
0x1f1: {  	s23 =	sand.u32 $0x380, s21;
	s22 =	sor.u32 s14, s18;
	s14 =	sor.u32 $0x10, s14;
	v13 =	vld.idx.msk [tilespmem:v6+s25+$0x0], $0xffff  }
0x1f2: {  	v20 =	vmul.f32 v2, v11;
	s23 =	sor.u32 s14, s23;
	v19 =	vld.idx.msk [tilespmem:v5+s30+$0x0], $0xffff  }
0x1f3: {  	v10 =	vmul.f32 v10, v0;
	v12 =	vmul.f32 v12, v0;
	v11 =	vld [tilespmem:s23+$0x10800];
	s23 =	simm.s32 $0x8100  }
0x1f4: {  	v14 =	vmul.f32 v14, v0;
	v8 =	vmul.f32 v2, v8;
	v21 =	vld.idx.msk [tilespmem:v6+s5+$0x0], $0xffff  }
0x1f5: {  	v23 =	vmul.f32 v4, v0;
	v24 =	vmul.f32 v1, v0;
	v22 =	vld.idx.msk [tilespmem:v6+s30+$0x0], $0xffff  }
0x1f6: {  	v4 =	vmul.f32 v9, v0;
	v14 =	vadd.f32 v14, v8;
	v1 =	vld.idx.msk [tilespmem:v5+s5+$0x0], $0xffff  }
0x1f7: {  	v9 =	vmul.f32 v13, v0;
	v13 =	vmul.f32 v2, v18;
	v8 =	vld.idx.msk [tilespmem:v5+s10+$0x0], $0xffff  }
0x1f8: {  	v17 =	vmul.f32 v17, v0;
	v11 =	vmul.f32 $2.048000000e+03, v11  }
0x1f9: {  	v7 =	vmul.f32 v2, v7;
	v26 =	vadd.f32 v4, v13;
	v13 =	vmul.f32 v15, v2  }
0x1fa: {  	v3 =	vmul.f32 v3, v0;
	v4 =	vmul.f32 v25, v2;
	v11 =	vadd.f32 $-5.000000000e-01, v11  }
0x1fb: {  	v18 =	vadd.f32 v9, v7;
	v7 =	vmul.f32 v19, v2;
	v9 =	vmul.f32 v22, v0;
	v15 =	vld.idx.msk [tilespmem:v5+s16+$0x0], $0xffff  }
0x1fc: {  	v21 =	vmul.f32 v21, v0;
	v1 =	vmul.f32 v1, v2;
	v19 =	vld.idx.msk [tilespmem:v6+s16+$0x0], $0xffff;
	v11 =	vmax.f32 v11, $0.0e+00  }
0x1fd: {  	v25 =	vmul.f32 v2, v8;
	v7 =	vadd.f32 v9, v7;
	v22 =	vld.idx.msk [tilespmem:v5+s2+$0x0], $0xffff;
	v27 =	vmin.f32 v11, $2.047000000e+03  }
0x1fe: {  	v8 =	vadd.f32 v3, v4;
	v9 =	vadd.f32 v21, v1;
	v11 =	vld.idx.msk [tilespmem:v6+s2+$0x0], $0xffff;
	v1 =	vtrunc.f32 v27  }
0x1ff: {  	v3 =	vadd.f32 v10, v25;
	v21 =	vcvt.f32.s32 v1  }
0x200: {  	v10 =	vadd.f32 v17, v16  }
0x201: {  	v1 =	vmul.f32 v2, v15;
	v16 =	vld.idx.msk [tilespmem:v5+s15+$0x0], $0xffff;
	v4 =	vadd.s32 $0x1, v21;
	v15 =	vshll.u32 v21, $0x3  }
0x202: {  	v25 =	vand.u32 $0x7F, v21;
	v17 =	vld.idx.msk [tilespmem:v5+s23+$0x0], $0xffff;
	vm0 =	vlt.s32 v4, $0x7FF;
	v15 =	vand.u32 $0xFFFFFC00, v15  }
0x203: {  	v19 =	vmul.f32 v19, v0;
	v28 =	vld.idx.msk [tilespmem:v5+s6+$0x0], $0xffff;
	v29 =	vnsel vm0, $0x7FF, v4;
	v4 =	vor.u32 v25, v15  }
0x204: {  	v11 =	vmul.f32 v11, v0;
	v15 =	vld.idx.msk [tilespmem:v5+s1+$0x0], $0xffff;
	v5 =	vmul.f32 v22, v2;
	v22 =	vshll.u32 v29, $0x3  }
0x205: {  	v19 =	vadd.f32 v19, v1;
	v25 =	vld.idx.msk [tilespmem:v6+s6+$0x0], $0xffff;
	v1 =	vand.u32 $0xFFFFFC00, v22;
	v22 =	vand.u32 $0x7F, v29  }
0x206: {  	v29 =	vld.idx.msk [tilespmem:v6+s4+$0x0], $0xffff;
	v5 =	vadd.f32 v11, v5;
	v1 =	vor.u32 v22, v1  }
0x207: {  	v11 =	vmul.f32 v16, v2;
	v6 =	vld.idx.msk [tilespmem:v6+s17+$0x0], $0xffff  }
0x208: {  	[tilespmem:s22+$0x2280] =	vst v5;
	v16 =	vld.idx.msk [tilespmem:v4+s2+$0x0], $0xffff  }
0x209: {  	v22 =	vmul.f32 v28, v2;
	[tilespmem:s22+$0x180] =	vst v19;
	v19 =	vadd.f32 v24, v11;
	v5 =	vld.idx.msk [tilespmem:v4+s4+$0x0], $0xffff  }
0x20a: {  	v17 =	vmul.f32 v2, v17;
	v2 =	vmul.f32 v2, v15;
	[tilespmem:s22+$0x2080] =	vst v10;
	v10 =	vld.idx.msk [tilespmem:v4+s3+$0x0], $0xffff  }
0x20b: {  	v15 =	vmul.f32 v25, v0;
	[tilespmem:s22+$0x0] =	vst v18;
	v18 =	vcvt.s32.f32 v21;
	v11 =	vld.idx.msk [tilespmem:v4+s9+$0x0], $0xffff  }
0x20c: {  	v17 =	vadd.f32 v23, v17;
	[tilespmem:s22+$0x300] =	vst v14;
	v14 =	vmul.f32 v29, v0;
	v21 =	vld.idx.msk [tilespmem:v4+s5+$0x0], $0xffff  }
0x20d: {  	v23 =	vmul.f32 v6, v0;
	[tilespmem:s22+$0x380] =	vst v3;
	v0 =	vsub.f32 v27, v18;
	v6 =	vld.idx.msk [tilespmem:v4+s15+$0x0], $0xffff  }
0x20e: {  	v15 =	vadd.f32 v15, v22;
	[tilespmem:s22+$0x100] =	vst v17;
	v14 =	vadd.f32 v14, v13;
	v22 =	vld.idx.msk [tilespmem:v4+s17+$0x0], $0xffff  }
0x20f: {  	v17 =	vadd.f32 v23, v20;
	[tilespmem:s22+$0x2000] =	vst v19;
	v3 =	vsub.f32 $1.000000000e+00, v0;
	v13 =	vld.idx.msk [tilespmem:v4+s1+$0x0], $0xffff  }
.Ltmp2:
0x210: {  	v12 =	vadd.f32 v12, v2;
	[tilespmem:s22+$0x2100] =	vst v14;
	v18 =	vld.idx.msk [tilespmem:v4+s30+$0x0], $0xffff;
	(pc) =	sbr.rel @p0 .LBB2_7-.Ltmp2, $4  }
0x211: {  	[tilespmem:s22+$0x280] =	vst v17;
	v14 =	vld.idx.msk [tilespmem:v4+s23+$0x0], $0xffff;
	v2 =	vmul.f32 v16, v3  }
0x212: {  	[tilespmem:s22+$0x2180] =	vst v15;
	v19 =	vld.idx.msk [tilespmem:v1+s30+$0x0], $0xffff  }
0x213: {  	[tilespmem:s22+$0x200] =	vst v12;
	v17 =	vld.idx.msk [tilespmem:v1+s17+$0x0], $0xffff  }
0x214: {  	s20 =	sadd.s32 $0x20, s20;
	v15 =	vmul.f32 v3, v22;
	v12 =	vmul.f32 v21, v3;
	[tilespmem:s22+$0x80] =	vst v26;
	v16 =	vld.idx.msk [tilespmem:v1+s5+$0x0], $0xffff  }
0x215: {  	_ =	sdelay $0x3  }
0x216: {  	v20 =	vld.idx.msk [tilespmem:v4+s25+$0x0], $0xffff  }
0x217: {  	v21 =	vld.idx.msk [tilespmem:v1+s3+$0x0], $0xffff  }
0x218: {  	v22 =	vld.idx.msk [tilespmem:v1+s9+$0x0], $0xffff  }
0x219: {  	v23 =	vld.idx.msk [tilespmem:v1+s10+$0x0], $0xffff  }
0x21a: {  	v24 =	vld.idx.msk [tilespmem:v4+s10+$0x0], $0xffff  }
0x21b: {  	v25 =	vld.idx.msk [tilespmem:v4+s8+$0x0], $0xffff  }
0x21c: {  	v26 =	vld.idx.msk [tilespmem:v1+s2+$0x0], $0xffff  }
0x21d: {  	v27 =	vld.idx.msk [tilespmem:v4+s16+$0x0], $0xffff  }
0x21e: {  	v28 =	vld.idx.msk [tilespmem:v4+s6+$0x0], $0xffff  }
0x21f: {  	v4 =	vld.idx.msk [tilespmem:v4+s24+$0x0], $0xffff  }
0x220: {  	v29 =	vld.idx.msk [tilespmem:v1+s4+$0x0], $0xffff  }
0x221: {  	v30 =	vld.idx.msk [tilespmem:v1+s24+$0x0], $0xffff  }
0x222: {  	v31 =	vld.idx.msk [tilespmem:v1+s6+$0x0], $0xffff  }
0x223: {  	v32 =	vld.idx.msk [tilespmem:v1+s25+$0x0], $0xffff  }
0x224: {  	v33 =	vld.idx.msk [tilespmem:v1+s1+$0x0], $0xffff;
	[tilespmem:s22+$0x2200] =	vst v9;
	v9 =	vmul.f32 v11, v3  }
0x225: {  	[tilespmem:s22+$0x2300] =	vst v8;
	v8 =	vmul.f32 v10, v3;
	v11 =	vmul.f32 v22, v0;
	v22 =	vld.idx.msk [tilespmem:v1+s16+$0x0], $0xffff  }
0x226: {  	[tilespmem:s22+$0x2380] =	vst v7;
	v7 =	vmul.f32 v17, v0;
	v10 =	vmul.f32 v21, v0;
	v21 =	vld.idx.msk [tilespmem:v1+s15+$0x0], $0xffff  }
0x227: {  	v9 =	vadd.f32 v11, v9;
	v11 =	vld.idx.msk [tilespmem:v1+s8+$0x0], $0xffff  }
0x228: {  	s11 =	sor.u32 s14, s18;
	v17 =	vmul.f32 v18, v3;
	v18 =	vmul.f32 v19, v0;
	v7 =	vadd.f32 v7, v15;
	v1 =	vld.idx.msk [tilespmem:v1+s23+$0x0], $0xffff  }
0x229: {  	v8 =	vadd.f32 v10, v8;
	v10 =	vmul.f32 v3, v20;
	[tilespmem:s11+$0x2080] =	vst v9;
	v9 =	vmul.f32 v32, v0  }
0x22a: {  	v15 =	vadd.f32 v18, v17;
	v17 =	vmul.f32 v28, v3;
	v18 =	vmul.f32 v31, v0;
	[tilespmem:s11+$0x280] =	vst v7  }
0x22b: {  	v19 =	vmul.f32 v3, v24;
	[tilespmem:s11+$0x2300] =	vst v8;
	v8 =	vmul.f32 v23, v0;
	v7 =	vadd.f32 v9, v10  }
0x22c: {  	[tilespmem:s11+$0x2380] =	vst v15;
	v9 =	vmul.f32 v3, v25;
	v10 =	vadd.f32 v18, v17;
	v11 =	vmul.f32 v11, v0  }
0x22d: {  	v14 =	vmul.f32 v3, v14;
	v8 =	vadd.f32 v8, v19;
	v1 =	vmul.f32 v1, v0;
	[tilespmem:s11+$0x0] =	vst v7  }
0x22e: {  	v7 =	vmul.f32 v3, v13;
	v13 =	vmul.f32 v33, v0;
	[tilespmem:s11+$0x2180] =	vst v10;
	v9 =	vadd.f32 v11, v9  }
0x22f: {  	v4 =	vmul.f32 v3, v4;
	v10 =	vmul.f32 v30, v0;
	[tilespmem:s11+$0x380] =	vst v8;
	v1 =	vadd.f32 v1, v14  }
0x230: {  	v8 =	vmul.f32 v26, v0;
	v7 =	vadd.f32 v13, v7;
	[tilespmem:s11+$0x300] =	vst v9  }
0x231: {  	v4 =	vadd.f32 v10, v4;
	v9 =	vmul.f32 v16, v0;
	[tilespmem:s11+$0x100] =	vst v1  }
0x232: {  	v2 =	vadd.f32 v8, v2;
	v1 =	vmul.f32 v5, v3;
	v5 =	vmul.f32 v29, v0;
	[tilespmem:s11+$0x200] =	vst v7  }
0x233: {  	v8 =	vmul.f32 v3, v27;
	[tilespmem:s11+$0x80] =	vst v4;
	v7 =	vadd.f32 v9, v12;
	v9 =	vmul.f32 v22, v0  }
0x234: {  	v3 =	vmul.f32 v6, v3;
	[tilespmem:s11+$0x2280] =	vst v2;
	v1 =	vadd.f32 v5, v1;
	v0 =	vmul.f32 v21, v0  }
0x235: {  	v2 =	vadd.f32 v9, v8;
	[tilespmem:s11+$0x2200] =	vst v7  }
0x236: {  	v0 =	vadd.f32 v0, v3;
	[tilespmem:s11+$0x2100] =	vst v1  }
0x237: {  	[tilespmem:s11+$0x180] =	vst v2  }
0x238: {  	s19 =	rddreg [dreg:$0x2];
	[tilespmem:s11+$0x2000] =	vst v0  }
0x239: {  	s21 =	simm.s32 $0x11000;
	s20 =	rddreg [dreg:$0xb]  }
0x23a: {  	s22 =	simm.s32 $0x2000;
	s11 =	sadd.s32 s19, s20;
	s19 =	simm.s32 $0x6  }
0x23b: {  	[hbm4b:s11+s22] =	stream.strided.scatter [tilespmem:s21], [sflag:$0x5], $0x4000, s31, s22, $0x38;
	[tilespmem:$0x19000] =	vst v63  }
0x23c: {  	_ =	swait.ge [sflag:s19], $0x4000  }
0x23d: {  	s11 =	simm.s32 $0x0;
	[sflag:s19] =	ssyncset.done $0x0  }
0x23e: {  	s20 =	sand.u32 $0x3E0, s11;
	[sflag:s19] =	ssyncadd.s32 $0xFFFFC000  }
0x23f: {  	v0 =	vld [tilespmem:s20+$0x10C00];
	_ =	sdelay $0x4  }
0x240: {  	v0 =	vmul.f32 $2.048000000e+03, v0;
	_ =	sdelay $0x1  }
0x241: {  	v0 =	vadd.f32 $-5.000000000e-01, v0;
	_ =	sdelay $0x1  }
0x242: {  	v0 =	vmax.f32 v0, $0.0e+00  }
0x243: {  	v0 =	vmin.f32 v0, $2.047000000e+03  }
0x244: {  	v1 =	vtrunc.f32 v0  }
0x245: {  	v1 =	vcvt.f32.s32 v1;
	_ =	sdelay $0x1  }
0x246: {  	v2 =	vshll.u32 v1, $0x3  }
0x247: {  	v3 =	vand.u32 $0x7F, v1;
	v2 =	vand.u32 $0xFFFFFC00, v2  }
0x248: {  	v3 =	vor.u32 v3, v2;
	_ =	sdelay $0x2  }
0x249: {  	s21 =	simm.s32 $0x10C10  }
0x24a: {  	v2 =	vld [tilespmem:s21+$0x0]  }
0x24b: {  	v4 =	vld.idx.msk [tilespmem:v3+s4+$0x0], $0xffff  }
0x24c: {  	v6 =	vld.idx.msk [tilespmem:v3+s9+$0x0], $0xffff  }
0x24d: {  	v5 =	vld.idx.msk [tilespmem:v3+s15+$0x0], $0xffff  }
0x24e: {  	v8 =	vld.idx.msk [tilespmem:v3+s10+$0x0], $0xffff  }
0x24f: {  	v7 =	vadd.s32 $0x1, v1;
	v9 =	vld.idx.msk [tilespmem:v3+s8+$0x0], $0xffff  }
0x250: {  	vm0 =	vlt.s32 v7, $0x7FF;
	v10 =	vld.idx.msk [tilespmem:v3+s17+$0x0], $0xffff  }
0x251: {  	v7 =	vnsel vm0, $0x7FF, v7;
	v12 =	vld.idx.msk [tilespmem:v3+s1+$0x0], $0xffff  }
0x252: {  	v11 =	vshll.u32 v7, $0x3;
	v13 =	vld.idx.msk [tilespmem:v3+s5+$0x0], $0xffff  }
0x253: {  	v7 =	vand.u32 $0x7F, v7;
	v11 =	vand.u32 $0xFFFFFC00, v11;
	v14 =	vld.idx.msk [tilespmem:v3+s23+$0x0], $0xffff  }
0x254: {  	v7 =	vor.u32 v7, v11;
	v11 =	vld.idx.msk [tilespmem:v3+s24+$0x0], $0xffff  }
0x255: {  	v15 =	vld.idx.msk [tilespmem:v3+s3+$0x0], $0xffff  }
0x256: {  	v16 =	vld.idx.msk [tilespmem:v3+s2+$0x0], $0xffff  }
0x257: {  	v17 =	vld.idx.msk [tilespmem:v3+s6+$0x0], $0xffff  }
0x258: {  	v22 =	vld.idx.msk [tilespmem:v3+s30+$0x0], $0xffff  }
0x259: {  	v1 =	vcvt.s32.f32 v1;
	v19 =	vld.idx.msk [tilespmem:v3+s25+$0x0], $0xffff  }
0x25a: {  	v3 =	vld.idx.msk [tilespmem:v3+s16+$0x0], $0xffff  }
0x25b: {  	v24 =	vsub.f32 v0, v1;
	v0 =	vmul.f32 $2.048000000e+03, v2;
	v23 =	vld.idx.msk [tilespmem:v7+s2+$0x0], $0xffff  }
0x25c: {  	v20 =	vld.idx.msk [tilespmem:v7+s25+$0x0], $0xffff  }
0x25d: {  	v25 =	vsub.f32 $1.000000000e+00, v24;
	v0 =	vadd.f32 $-5.000000000e-01, v0;
	v21 =	vld.idx.msk [tilespmem:v7+s30+$0x0], $0xffff  }
0x25e: {  	v1 =	vld.idx.msk [tilespmem:v7+s8+$0x0], $0xffff  }
0x25f: {  	v18 =	vld.idx.msk [tilespmem:v7+s17+$0x0], $0xffff;
	v0 =	vmax.f32 v0, $0.0e+00;
	v26 =	vmul.f32 v5, v25;
	v56 =	vmul.f32 v13, v25  }
0x260: {  	v27 =	vld.idx.msk [tilespmem:v7+s16+$0x0], $0xffff;
	v14 =	vmul.f32 v25, v14;
	v5 =	vmin.f32 v0, $2.047000000e+03;
	v2 =	vmul.f32 v16, v25  }
0x261: {  	v58 =	vld.idx.msk [tilespmem:v7+s15+$0x0], $0xffff;
	v57 =	vmul.f32 v6, v25;
	v16 =	vtrunc.f32 v5  }
0x262: {  	v34 =	vld.idx.msk [tilespmem:v7+s5+$0x0], $0xffff;
	v10 =	vmul.f32 v25, v10;
	v59 =	vcvt.f32.s32 v16  }
0x263: {  	v13 =	vld.idx.msk [tilespmem:v7+s4+$0x0], $0xffff;
	v60 =	vmul.f32 v25, v9;
	v4 =	vmul.f32 v4, v25  }
0x264: {  	v0 =	vld.idx.msk [tilespmem:v7+s10+$0x0], $0xffff;
	v36 =	vmul.f32 v25, v8;
	v61 =	vmul.f32 v1, v24;
	v1 =	vshll.u32 v59, $0x3  }
0x265: {  	v9 =	vld.idx.msk [tilespmem:v7+s9+$0x0], $0xffff;
	v3 =	vmul.f32 v25, v3;
	v6 =	vand.u32 $0x7F, v59;
	v1 =	vand.u32 $0xFFFFFC00, v1  }
0x266: {  	v35 =	vld.idx.msk [tilespmem:v7+s6+$0x0], $0xffff;
	v17 =	vmul.f32 v17, v25;
	v12 =	vmul.f32 v25, v12;
	v6 =	vor.u32 v6, v1  }
0x267: {  	v38 =	vld.idx.msk [tilespmem:v7+s23+$0x0], $0xffff;
	v11 =	vmul.f32 v25, v11;
	v16 =	vmul.f32 v15, v25;
	v15 =	vadd.s32 $0x1, v59  }
0x268: {  	v39 =	vld.idx.msk [tilespmem:v7+s3+$0x0], $0xffff;
	v18 =	vmul.f32 v18, v24;
	vm15 =	vlt.s32 v15, $0x7FF;
	v1 =	vmul.f32 v13, v24  }
0x269: {  	v27 =	vmul.f32 v27, v24;
	v37 =	vmul.f32 v0, v24;
	v13 =	vnsel vm15, $0x7FF, v15;
	v15 =	vld.idx.msk [tilespmem:v7+s1+$0x0], $0xffff  }
0x26a: {  	s22 =	sand.u32 $0x60, s11;
	s30 =	sand.u32 $0x1C00, s11;
	v9 =	vmul.f32 v9, v24;
	v0 =	vshll.u32 v13, $0x3;
	v8 =	vadd.f32 v1, v4;
	v4 =	vld.idx.msk [tilespmem:v7+s24+$0x0], $0xffff  }
0x26b: {  	s21 =	sor.u32 s22, s30;
	v3 =	vadd.f32 v27, v3;
	v0 =	vand.u32 $0xFFFFFC00, v0;
	v1 =	vand.u32 $0x7F, v13;
	v7 =	vld.idx.msk [tilespmem:v6+s24+$0x0], $0xffff  }
0x26c: {  	s14 =	sadd.s32 $0x15000, s21;
	v13 =	vadd.f32 v18, v10;
	v18 =	vmul.f32 v35, v24;
	v1 =	vor.u32 v1, v0;
	v0 =	vld.idx.msk [tilespmem:v6+s6+$0x0], $0xffff  }
0x26d: {  	v9 =	vadd.f32 v9, v57;
	[tilespmem:s14+$0x180] =	vst v3;
	v3 =	vmul.f32 v38, v24;
	v10 =	vld.idx.msk [tilespmem:v6+s4+$0x0], $0xffff  }
0x26e: {  	v62 =	vmul.f32 v25, v19;
	v17 =	vadd.f32 v18, v17;
	v27 =	vmul.f32 v15, v24;
	v15 =	vld.idx.msk [tilespmem:v6+s5+$0x0], $0xffff  }
0x26f: {  	[tilespmem:s14+$0x2080] =	vst v9;
	v9 =	vadd.f32 v3, v14;
	v3 =	vld.idx.msk [tilespmem:v6+s25+$0x0], $0xffff;
	v18 =	vmul.f32 v4, v24  }
0x270: {  	v14 =	vld.idx.msk [tilespmem:v6+s10+$0x0], $0xffff;
	[tilespmem:s14+$0x2180] =	vst v17;
	v17 =	vmul.f32 v39, v24;
	v12 =	vadd.f32 v27, v12  }
0x271: {  	v19 =	vld.idx.msk [tilespmem:v6+s9+$0x0], $0xffff;
	[tilespmem:s14+$0x100] =	vst v9;
	v27 =	vmul.f32 v34, v24;
	v11 =	vadd.f32 v18, v11  }
0x272: {  	v9 =	vld.idx.msk [tilespmem:v6+s23+$0x0], $0xffff;
	[tilespmem:s14+$0x200] =	vst v12;
	v12 =	vadd.f32 v17, v16  }
0x273: {  	v4 =	vld.idx.msk [tilespmem:v6+s15+$0x0], $0xffff;
	v17 =	vadd.f32 v27, v56;
	v27 =	vmul.f32 v58, v24;
	[tilespmem:s14+$0x80] =	vst v11  }
0x274: {  	v63 =	vmul.f32 v20, v24;
	v16 =	vld.idx.msk [tilespmem:v6+s3+$0x0], $0xffff;
	v11 =	vadd.f32 v61, v60;
	[tilespmem:s14+$0x2300] =	vst v12  }
0x275: {  	v20 =	vmul.f32 v22, v25;
	v26 =	vadd.f32 v27, v26;
	[tilespmem:s14+$0x2200] =	vst v17;
	v12 =	vld.idx.msk [tilespmem:v6+s17+$0x0], $0xffff  }
0x276: {  	v21 =	vmul.f32 v21, v24;
	v23 =	vmul.f32 v23, v24;
	v17 =	vld.idx.msk [tilespmem:v1+s3+$0x0], $0xffff;
	[tilespmem:s14+$0x300] =	vst v11  }
0x277: {  	s18 =	simm.s32 $0x0;
	s19 =	simm.s32 $0x10C30;
	s20 =	simm.s32 $0x20;
	v22 =	vadd.f32 v63, v62;
	v18 =	vadd.f32 v37, v36;
	v24 =	vcvt.s32.f32 v59;
	v11 =	vld.idx.msk [tilespmem:v6+s16+$0x0], $0xffff;
	[tilespmem:s14+$0x2000] =	vst v26  }
.LBB2_9:
0x278: {  	s22 =	sand.u32 $0x3E0, s20  }
0x279: {  	s18 =	sadd.s32 $0x2, s18;
	[tilespmem:s14+$0x280] =	vst v13;
	v13 =	vld.idx.msk [tilespmem:v1+s4+$0x0], $0xffff;
	s11 =	sadd.s32 $0x100, s11;
	s3 =	simm.s32 $0xC300  }
0x27a: {  	s9 =	simm.s32 $0xC080;
	s15 =	simm.s32 $0xC000;
	p0 =	slt.u32 s18, $0x3E;
	[tilespmem:s14+$0x380] =	vst v18;
	v5 =	vsub.f32 v5, v24;
	v18 =	vld.idx.msk [tilespmem:v1+s6+$0x0], $0xffff  }
0x27b: {  	v2 =	vadd.f32 v23, v2;
	s10 =	simm.s32 $0x8380;
	s8 =	simm.s32 $0x8300;
	s17 =	simm.s32 $0x8280;
	[tilespmem:s21+$0x15000] =	vst v22;
	v22 =	vld.idx.msk [tilespmem:v1+s5+$0x0], $0xffff  }
0x27c: {  	s1 =	simm.s32 $0x8200;
	s16 =	simm.s32 $0x8180;
	v23 =	vld [tilespmem:s22+$0x10C00];
	s22 =	simm.s32 $0xC380;
	[tilespmem:s14+$0x2100] =	vst v8;
	v8 =	vadd.f32 v21, v20;
	v20 =	vsub.f32 $1.000000000e+00, v5  }
0x27d: {  	[tilespmem:s14+$0x2280] =	vst v2;
	v2 =	vld.idx.msk [tilespmem:v6+s8+$0x0], $0xffff  }
0x27e: {  	[tilespmem:s14+$0x2380] =	vst v8;
	v8 =	vld.idx.msk [tilespmem:v1+s9+$0x0], $0xffff;
	v11 =	vmul.f32 v20, v11;
	v10 =	vmul.f32 v10, v20  }
0x27f: {  	v17 =	vmul.f32 v17, v5;
	v15 =	vmul.f32 v15, v20;
	v21 =	vld.idx.msk [tilespmem:v6+s22+$0x0], $0xffff  }
0x280: {  	v19 =	vmul.f32 v19, v20;
	v13 =	vmul.f32 v13, v5;
	v24 =	vld.idx.msk [tilespmem:v1+s22+$0x0], $0xffff  }
0x281: {  	v14 =	vmul.f32 v20, v14;
	v23 =	vmul.f32 $2.048000000e+03, v23;
	v25 =	vld.idx.msk [tilespmem:v1+s10+$0x0], $0xffff  }
0x282: {  	v9 =	vmul.f32 v20, v9;
	v18 =	vmul.f32 v18, v5;
	v26 =	vld.idx.msk [tilespmem:v1+s15+$0x0], $0xffff  }
0x283: {  	v7 =	vmul.f32 v20, v7;
	v22 =	vmul.f32 v22, v5;
	v23 =	vadd.f32 $-5.000000000e-01, v23;
	v27 =	vld.idx.msk [tilespmem:v1+s8+$0x0], $0xffff  }
0x284: {  	v16 =	vmul.f32 v16, v20;
	v8 =	vmul.f32 v8, v5;
	v28 =	vld.idx.msk [tilespmem:v6+s1+$0x0], $0xffff  }
0x285: {  	v2 =	vmul.f32 v20, v2;
	v15 =	vadd.f32 v22, v15;
	v23 =	vmax.f32 v23, $0.0e+00;
	v6 =	vld.idx.msk [tilespmem:v6+s2+$0x0], $0xffff  }
0x286: {  	v12 =	vmul.f32 v20, v12;
	v8 =	vadd.f32 v8, v19;
	v22 =	vmin.f32 v23, $2.047000000e+03;
	v23 =	vld.idx.msk [tilespmem:v1+s16+$0x0], $0xffff  }
0x287: {  	v25 =	vmul.f32 v25, v5;
	v19 =	vtrunc.f32 v22;
	v29 =	vld.idx.msk [tilespmem:v1+s1+$0x0], $0xffff  }
0x288: {  	v21 =	vmul.f32 v21, v20;
	v19 =	vcvt.f32.s32 v19;
	v30 =	vld.idx.msk [tilespmem:v1+s17+$0x0], $0xffff  }
0x289: {  	v24 =	vmul.f32 v24, v5;
	v27 =	vmul.f32 v27, v5;
	v14 =	vadd.f32 v25, v14;
	v31 =	vld.idx.msk [tilespmem:v1+s25+$0x0], $0xffff  }
0x28a: {  	v28 =	vmul.f32 v20, v28;
	v25 =	vshll.u32 v19, $0x3;
	v32 =	vand.u32 $0x7F, v19;
	v33 =	vld.idx.msk [tilespmem:v1+s2+$0x0], $0xffff  }
0x28b: {  	v21 =	vadd.f32 v24, v21;
	v34 =	vadd.s32 $0x1, v19;
	v25 =	vand.u32 $0xFFFFFC00, v25;
	v35 =	vld.idx.msk [tilespmem:v1+s24+$0x0], $0xffff  }
0x28c: {  	v16 =	vadd.f32 v17, v16;
	v2 =	vadd.f32 v27, v2;
	v24 =	vor.u32 v32, v25;
	v1 =	vld.idx.msk [tilespmem:v1+s23+$0x0], $0xffff  }
0x28d: {  	v10 =	vadd.f32 v13, v10;
	v17 =	vmul.f32 v23, v5;
	v23 =	vmul.f32 v29, v5;
	[tilespmem:s14+$0x2210] =	vst v15  }
0x28e: {  	v3 =	vmul.f32 v20, v3;
	vm0 =	vlt.s32 v34, $0x7FF;
	v13 =	vmul.f32 v30, v5;
	[tilespmem:s14+$0x2090] =	vst v8  }
0x28f: {  	v6 =	vmul.f32 v6, v20;
	v8 =	vadd.f32 v17, v11;
	v11 =	vmul.f32 v26, v5;
	[tilespmem:s14+$0x2390] =	vst v21  }
0x290: {  	v17 =	vmul.f32 v31, v5;
	v21 =	vadd.f32 v23, v28;
	v15 =	vld [tilespmem:s19+$0x0];
	[tilespmem:s14+$0x310] =	vst v2;
	v2 =	vmul.f32 v4, v20  }
0x291: {  	v12 =	vadd.f32 v13, v12;
	v13 =	vmul.f32 v33, v5;
	v4 =	vcvt.s32.f32 v19;
	v19 =	vld.idx.msk [tilespmem:v24+s4+$0x0], $0xffff;
	[tilespmem:s14+$0x2310] =	vst v16  }
0x292: {  	v3 =	vadd.f32 v17, v3;
	v17 =	vmul.f32 v35, v5;
	v1 =	vmul.f32 v1, v5;
	v16 =	vld.idx.msk [tilespmem:v24+s9+$0x0], $0xffff  }
0x293: {  	v5 =	vnsel vm0, $0x7FF, v34;
	v6 =	vadd.f32 v13, v6;
	v2 =	vadd.f32 v11, v2;
	v23 =	vld.idx.msk [tilespmem:v24+s15+$0x0], $0xffff;
	[tilespmem:s14+$0x390] =	vst v14  }
0x294: {  	v7 =	vadd.f32 v17, v7;
	v1 =	vadd.f32 v1, v9;
	v13 =	vld.idx.msk [tilespmem:v24+s10+$0x0], $0xffff;
	[tilespmem:s14+$0x2110] =	vst v10  }
0x295: {  	v0 =	vmul.f32 v0, v20;
	v11 =	vsub.f32 v22, v4;
	v4 =	vld.idx.msk [tilespmem:v24+s8+$0x0], $0xffff;
	[tilespmem:s14+$0x190] =	vst v8  }
0x296: {  	v8 =	vld.idx.msk [tilespmem:v24+s17+$0x0], $0xffff;
	[tilespmem:s14+$0x2010] =	vst v2  }
0x297: {  	v2 =	vshll.u32 v5, $0x3;
	v9 =	vld.idx.msk [tilespmem:v24+s1+$0x0], $0xffff;
	[tilespmem:s14+$0x210] =	vst v21  }
0x298: {  	v0 =	vadd.f32 v18, v0;
	v5 =	vand.u32 $0x7F, v5;
	v2 =	vand.u32 $0xFFFFFC00, v2;
	v10 =	vld.idx.msk [tilespmem:v24+s5+$0x0], $0xffff;
	[tilespmem:s14+$0x90] =	vst v7  }
0x299: {  	v14 =	vor.u32 v5, v2;
	v7 =	vld.idx.msk [tilespmem:v24+s23+$0x0], $0xffff;
	[tilespmem:s14+$0x290] =	vst v12  }
0x29a: {  	v12 =	vld.idx.msk [tilespmem:v24+s24+$0x0], $0xffff;
	[tilespmem:s14+$0x2290] =	vst v6  }
0x29b: {  	v5 =	vld.idx.msk [tilespmem:v24+s3+$0x0], $0xffff;
	[tilespmem:s14+$0x2190] =	vst v0  }
0x29c: {  	v0 =	vld.idx.msk [tilespmem:v24+s2+$0x0], $0xffff;
	[tilespmem:s14+$0x10] =	vst v3  }
0x29d: {  	v3 =	vld.idx.msk [tilespmem:v24+s6+$0x0], $0xffff;
	[tilespmem:s14+$0x110] =	vst v1  }
0x29e: {  	v17 =	vld.idx.msk [tilespmem:v14+s2+$0x0], $0xffff  }
0x29f: {  	v20 =	vld.idx.msk [tilespmem:v14+s25+$0x0], $0xffff  }
0x2a0: {  	v21 =	vld.idx.msk [tilespmem:v14+s22+$0x0], $0xffff  }
0x2a1: {  	v1 =	vmul.f32 $2.048000000e+03, v15;
	v22 =	vld.idx.msk [tilespmem:v24+s22+$0x0], $0xffff  }
0x2a2: {  	v25 =	vsub.f32 $1.000000000e+00, v11;
	v26 =	vld.idx.msk [tilespmem:v24+s25+$0x0], $0xffff  }
0x2a3: {  	v1 =	vadd.f32 $-5.000000000e-01, v1;
	v6 =	vld.idx.msk [tilespmem:v14+s8+$0x0], $0xffff  }
0x2a4: {  	v23 =	vmul.f32 v23, v25;
	v27 =	vmul.f32 v10, v25;
	v15 =	vld.idx.msk [tilespmem:v14+s17+$0x0], $0xffff  }
0x2a5: {  	v28 =	vmul.f32 v25, v7;
	v2 =	vmul.f32 v0, v25;
	v0 =	vmax.f32 v1, $0.0e+00;
	v10 =	vld.idx.msk [tilespmem:v14+s16+$0x0], $0xffff  }
0x2a6: {  	v16 =	vmul.f32 v16, v25;
	v29 =	vmul.f32 v5, v25;
	v5 =	vmin.f32 v0, $2.047000000e+03;
	v1 =	vld.idx.msk [tilespmem:v14+s4+$0x0], $0xffff  }
0x2a7: {  	v7 =	vmul.f32 v25, v8;
	v8 =	vtrunc.f32 v5;
	v0 =	vld.idx.msk [tilespmem:v14+s10+$0x0], $0xffff  }
0x2a8: {  	v4 =	vmul.f32 v25, v4;
	v31 =	vcvt.f32.s32 v8;
	v30 =	vld.idx.msk [tilespmem:v14+s15+$0x0], $0xffff  }
0x2a9: {  	v8 =	vmul.f32 v19, v25;
	v18 =	vld.idx.msk [tilespmem:v24+s16+$0x0], $0xffff;
	v24 =	vmul.f32 v6, v11  }
0x2aa: {  	v32 =	vmul.f32 v25, v13;
	v13 =	vshll.u32 v31, $0x3;
	v6 =	vadd.s32 $0x1, v31;
	v19 =	vld.idx.msk [tilespmem:v14+s9+$0x0], $0xffff  }
0x2ab: {  	v34 =	vand.u32 $0x7F, v31;
	v13 =	vand.u32 $0xFFFFFC00, v13;
	vm0 =	vlt.s32 v6, $0x7FF;
	v33 =	vld.idx.msk [tilespmem:v14+s5+$0x0], $0xffff  }
0x2ac: {  	v1 =	vmul.f32 v1, v11;
	v36 =	vnsel vm0, $0x7FF, v6;
	v6 =	vor.u32 v34, v13;
	v35 =	vld.idx.msk [tilespmem:v14+s6+$0x0], $0xffff  }
0x2ad: {  	v13 =	vmul.f32 v15, v11;
	v0 =	vmul.f32 v0, v11;
	v15 =	vshll.u32 v36, $0x3;
	v34 =	vld.idx.msk [tilespmem:v14+s1+$0x0], $0xffff  }
0x2ae: {  	v8 =	vadd.f32 v1, v8;
	v1 =	vand.u32 $0xFFFFFC00, v15;
	v15 =	vand.u32 $0x7F, v36;
	v37 =	vld.idx.msk [tilespmem:v14+s23+$0x0], $0xffff  }
0x2af: {  	v10 =	vmul.f32 v10, v11;
	v38 =	vmul.f32 v25, v18;
	v1 =	vor.u32 v15, v1;
	v36 =	vld.idx.msk [tilespmem:v14+s24+$0x0], $0xffff  }
0x2b0: {  	s21 =	sand.u32 $0x1C00, s11;
	s14 =	sand.u32 $0x60, s20;
	v13 =	vadd.f32 v13, v7;
	v18 =	vadd.f32 v0, v32;
	v0 =	vmul.f32 v19, v11;
	v14 =	vld.idx.msk [tilespmem:v14+s3+$0x0], $0xffff  }
0x2b1: {  	s21 =	sor.u32 s14, s21;
	v3 =	vmul.f32 v3, v25;
	v24 =	vadd.f32 v24, v4;
	v10 =	vadd.f32 v10, v38;
	v7 =	vld.idx.msk [tilespmem:v6+s24+$0x0], $0xffff  }
0x2b2: {  	s14 =	sadd.s32 $0x15000, s21;
	v4 =	vmul.f32 v25, v9;
	v9 =	vadd.f32 v0, v16;
	v15 =	vmul.f32 v35, v11;
	v0 =	vld.idx.msk [tilespmem:v6+s6+$0x0], $0xffff  }
0x2b3: {  	v12 =	vmul.f32 v25, v12;
	v16 =	vmul.f32 v34, v11;
	[tilespmem:s14+$0x180] =	vst v10;
	v10 =	vld.idx.msk [tilespmem:v6+s4+$0x0], $0xffff  }
0x2b4: {  	v32 =	vmul.f32 v33, v11;
	v19 =	vmul.f32 v37, v11;
	v3 =	vadd.f32 v15, v3;
	v15 =	vld.idx.msk [tilespmem:v6+s5+$0x0], $0xffff  }
0x2b5: {  	v33 =	vmul.f32 v36, v11;
	v16 =	vadd.f32 v16, v4;
	[tilespmem:s14+$0x2080] =	vst v9;
	v4 =	vld.idx.msk [tilespmem:v6+s15+$0x0], $0xffff  }
0x2b6: {  	v9 =	vadd.f32 v19, v28;
	v19 =	vmul.f32 v14, v11;
	[tilespmem:s14+$0x2180] =	vst v3;
	v3 =	vld.idx.msk [tilespmem:v6+s25+$0x0], $0xffff  }
0x2b7: {  	v27 =	vadd.f32 v32, v27;
	v12 =	vadd.f32 v33, v12;
	[tilespmem:s14+$0x200] =	vst v16;
	v14 =	vld.idx.msk [tilespmem:v6+s10+$0x0], $0xffff  }
0x2b8: {  	v28 =	vmul.f32 v30, v11;
	v19 =	vadd.f32 v19, v29;
	[tilespmem:s14+$0x100] =	vst v9;
	v9 =	vld.idx.msk [tilespmem:v6+s23+$0x0], $0xffff  }
.Ltmp3:
0x2b9: {  	v26 =	vmul.f32 v25, v26;
	v29 =	vmul.f32 v20, v11;
	[tilespmem:s14+$0x80] =	vst v12;
	v16 =	vld.idx.msk [tilespmem:v6+s3+$0x0], $0xffff;
	(pc) =	sbr.rel @p0 .LBB2_9-.Ltmp3, $4  }
0x2ba: {  	v28 =	vadd.f32 v28, v23;
	v20 =	vmul.f32 v22, v25;
	[tilespmem:s14+$0x2300] =	vst v19;
	v19 =	vld.idx.msk [tilespmem:v6+s9+$0x0], $0xffff  }
0x2bb: {  	v21 =	vmul.f32 v21, v11;
	v22 =	vadd.f32 v29, v26;
	[tilespmem:s14+$0x2200] =	vst v27;
	v12 =	vld.idx.msk [tilespmem:v6+s17+$0x0], $0xffff  }
0x2bc: {  	v23 =	vmul.f32 v17, v11;
	[tilespmem:s14+$0x300] =	vst v24;
	v11 =	vld.idx.msk [tilespmem:v6+s16+$0x0], $0xffff  }
0x2bd: {  	s19 =	sadd.s32 $0x20, s19;
	s20 =	sadd.s32 $0x20, s20;
	v24 =	vcvt.s32.f32 v31;
	[tilespmem:s14+$0x2000] =	vst v28;
	v17 =	vld.idx.msk [tilespmem:v1+s3+$0x0], $0xffff  }
0x2be: {  	_ =	sdelay $0x3  }
0x2bf: {  	v25 =	vld.idx.msk [tilespmem:v1+s4+$0x0], $0xffff  }
0x2c0: {  	v26 =	vld.idx.msk [tilespmem:v1+s6+$0x0], $0xffff  }
0x2c1: {  	v27 =	vld.idx.msk [tilespmem:v1+s5+$0x0], $0xffff  }
0x2c2: {  	v28 =	vld.idx.msk [tilespmem:v6+s8+$0x0], $0xffff  }
0x2c3: {  	v29 =	vld.idx.msk [tilespmem:v1+s9+$0x0], $0xffff  }
0x2c4: {  	v30 =	vld.idx.msk [tilespmem:v6+s22+$0x0], $0xffff  }
0x2c5: {  	v31 =	vld.idx.msk [tilespmem:v1+s22+$0x0], $0xffff  }
0x2c6: {  	v32 =	vld.idx.msk [tilespmem:v1+s10+$0x0], $0xffff  }
0x2c7: {  	v33 =	vld.idx.msk [tilespmem:v1+s15+$0x0], $0xffff  }
0x2c8: {  	v34 =	vld.idx.msk [tilespmem:v1+s8+$0x0], $0xffff  }
0x2c9: {  	v35 =	vld.idx.msk [tilespmem:v6+s1+$0x0], $0xffff  }
0x2ca: {  	v59 =	vld.idx.msk [tilespmem:v6+s2+$0x0], $0xffff  }
0x2cb: {  	v60 =	vld.idx.msk [tilespmem:v1+s16+$0x0], $0xffff  }
0x2cc: {  	v61 =	vld.idx.msk [tilespmem:v1+s1+$0x0], $0xffff;
	v5 =	vsub.f32 v5, v24  }
0x2cd: {  	v63 =	vld.idx.msk [tilespmem:v1+s17+$0x0], $0xffff  }
0x2ce: {  	[tilespmem:s14+$0x380] =	vst v18;
	v38 =	vld.idx.msk [tilespmem:v1+s25+$0x0], $0xffff;
	v18 =	vsub.f32 $1.000000000e+00, v5  }
0x2cf: {  	[tilespmem:s14+$0x280] =	vst v13;
	v2 =	vadd.f32 v23, v2;
	v62 =	vadd.f32 v21, v20;
	v41 =	vld.idx.msk [tilespmem:v1+s2+$0x0], $0xffff  }
0x2d0: {  	v43 =	vld.idx.msk [tilespmem:v1+s24+$0x0], $0xffff;
	[tilespmem:s21+$0x15000] =	vst v22;
	v36 =	vmul.f32 v15, v18;
	v37 =	vmul.f32 v27, v5  }
0x2d1: {  	v46 =	vld.idx.msk [tilespmem:v1+s23+$0x0], $0xffff;
	[tilespmem:s14+$0x2100] =	vst v8;
	v39 =	vmul.f32 v19, v18;
	v40 =	vmul.f32 v29, v5  }
0x2d2: {  	[tilespmem:s14+$0x2280] =	vst v2;
	v42 =	vmul.f32 v30, v18;
	v24 =	vmul.f32 v31, v5;
	v2 =	vadd.f32 v37, v36  }
0x2d3: {  	[tilespmem:s14+$0x2380] =	vst v62;
	v44 =	vmul.f32 v18, v28;
	v45 =	vmul.f32 v34, v5;
	v8 =	vadd.f32 v40, v39  }
0x2d4: {  	v17 =	vmul.f32 v17, v5;
	v16 =	vmul.f32 v16, v18;
	v15 =	vadd.f32 v24, v42;
	[tilespmem:s14+$0x2210] =	vst v2  }
0x2d5: {  	v11 =	vmul.f32 v18, v11;
	v13 =	vmul.f32 v60, v5;
	v19 =	vadd.f32 v45, v44;
	[tilespmem:s14+$0x2090] =	vst v8  }
0x2d6: {  	v51 =	vmul.f32 v33, v5;
	v4 =	vmul.f32 v4, v18;
	v16 =	vadd.f32 v17, v16;
	[tilespmem:s14+$0x2390] =	vst v15  }
0x2d7: {  	v52 =	vmul.f32 v18, v35;
	v53 =	vmul.f32 v61, v5;
	v11 =	vadd.f32 v13, v11;
	[tilespmem:s14+$0x310] =	vst v19  }
0x2d8: {  	v56 =	vmul.f32 v18, v12;
	v57 =	vmul.f32 v63, v5;
	v4 =	vadd.f32 v51, v4;
	[tilespmem:s14+$0x2310] =	vst v16  }
0x2d9: {  	v6 =	vmul.f32 v59, v18;
	v59 =	vmul.f32 v41, v5;
	v58 =	vadd.f32 v53, v52;
	[tilespmem:s14+$0x190] =	vst v11  }
0x2da: {  	v60 =	vmul.f32 v26, v5;
	v0 =	vmul.f32 v0, v18;
	v61 =	vadd.f32 v57, v56;
	[tilespmem:s14+$0x2010] =	vst v4  }
0x2db: {  	v3 =	vmul.f32 v18, v3;
	v62 =	vmul.f32 v38, v5;
	v6 =	vadd.f32 v59, v6;
	[tilespmem:s14+$0x210] =	vst v58  }
0x2dc: {  	v63 =	vmul.f32 v18, v9;
	v1 =	vmul.f32 v46, v5;
	v0 =	vadd.f32 v60, v0;
	[tilespmem:s14+$0x290] =	vst v61  }
0x2dd: {  	v47 =	vmul.f32 v18, v14;
	v48 =	vmul.f32 v32, v5;
	v3 =	vadd.f32 v62, v3;
	[tilespmem:s14+$0x2290] =	vst v6  }
0x2de: {  	v49 =	vmul.f32 v10, v18;
	v50 =	vmul.f32 v25, v5;
	v1 =	vadd.f32 v1, v63;
	[tilespmem:s14+$0x2190] =	vst v0  }
0x2df: {  	v54 =	vmul.f32 v18, v7;
	v55 =	vmul.f32 v43, v5;
	v2 =	vadd.f32 v48, v47;
	[tilespmem:s14+$0x10] =	vst v3  }
0x2e0: {  	v8 =	vadd.f32 v50, v49;
	[tilespmem:s14+$0x110] =	vst v1  }
0x2e1: {  	[tilespmem:s14+$0x390] =	vst v2;
	v2 =	vadd.f32 v55, v54  }
0x2e2: {  	[tilespmem:s14+$0x2110] =	vst v8  }
0x2e3: {  	[tilespmem:s14+$0x90] =	vst v2  }
0x2e4: {  	s30 =	rddreg [dreg:$0xa]  }
0x2e5: {  	s4 =	sadd.s32 $0x1, s30  }
0x2e6: {  	s23 =	simm.s32 $0x2000;
	p0 =	sne.s32 s4, $0x10  }
.Ltmp4:
0x2e7: {  	s24 =	simm.s32 $0x15000;
	s11 =	rddreg [dreg:$0x7];
	(pc) =	sbr.rel @p0 .LBB2_2-.Ltmp4, $4  }
0x2e8: {  	s6 =	simm.s32 $0xC200;
	s5 =	simm.s32 $0xC280;
	s22 =	rddreg [dreg:$0xb]  }
0x2e9: {  	s3 =	simm.s32 $0x4200;
	s8 =	simm.s32 $0x4280;
	s11 =	sadd.s32 s22, s11  }
0x2ea: {  	[hbm4b:s11+s23] =	stream.strided.scatter [tilespmem:s24], [sflag:$0x6], $0x4000, s31, s23, $0x38;
	[tilespmem:$0x19000] =	vst v63  }
0x2eb: {  	s9 =	simm.s32 $0x380;
	s21 =	simm.s32 $0x80;
	s23 =	simm.s32 $0x0  }
0x2ec: {  	s1 =	simm.s32 $0x5  }
0x2ed: {  	_ =	swait.ge [sflag:s1], $0x4000  }
0x2ee: {  	[sflag:s1] =	ssyncset.done $0x0  }
0x2ef: {  	s30 =	simm.s32 $0x6;
	[sflag:s1] =	ssyncadd.s32 $0xFFFFC000  }
0x2f0: {  	_ =	swait.ge [sflag:s30], $0x4000  }
0x2f1: {  	s2 =	rddreg [dreg:$0x9]  }
0x2f2: {  	s11 =	rddreg [dreg:$0x8];
	s2 =	sadd.s32 $0x1, s2  }
0x2f3: {  	p0 =	sne.s32 s2, s11  }
.Ltmp5:
0x2f4: {  	_ = 	snop;
	(pc) =	sbr.rel @p0 .LBB2_1-.Ltmp5, $3  }
0x2f5: {  	_ =	sdelay $0x1  }
0x2f6: {  	[sflag:s30] =	ssyncset.done $0x0  }
0x2f7: {  	[sflag:s30] =	ssyncadd.s32 $0xFFFFC000  }
0x2f8: {  	_ =	sfence.sel $0x180000  }
0x2f9: {  	[bflag:$0x0] =	sbarrier.arrive $0xFFFF  }
0x2fa: {  	_ =	strace $0x90000047  }
0x2fb: {  	s0 =	stileid.u32;
	[bflag:$0x2] =	sbarrier.arrive $0xFFFF  }
0x2fc: {  	p0 =	sne.s32 s0, $0x0;
	s0 =	rddreg [dreg:$0x3]  }
0x2fd: {  	s0 =	sadd.s32 @!p0 $0x100000, s0  }
0x2fe: {  	[sflag:s0] =	ssyncadd.tile.s32 @!p0 $0x1;
	_ =	shalt  }
.Lfunc_end2:
_tile_overlayer_lowered:
.L_overlay_start_2:
0x2ff: {  	(tag) =	ssettag $0x2  }
0x300: {  	s0 =	rddreg [dreg:$0x0];
	s2 =	stileid.u32  }
0x301: {  	s1 =	rddreg [dreg:$0x1];
	p0 =	sne.s32 s2, $0x0  }
0x302: {  	s3 =	rddreg [dreg:$0x2];
	[bflag:$0x3] =	sbarrier.arrive $0xFFFF;
	s2 =	simm.s32 @!p0 $0x1C07  }
0x303: {  	[timem:s3], [sflag:s2] =	dma.local @!p0 [hbm:s0], s1  }
0x304: {  	s0 =	simm.s32 @!p0 $0x7  }
0x305: {  	_ =	swait.ge @!p0 [sflag:s0], s1  }
0x306: {  	s1 =	ssub.s32 @!p0 $0x0, s1;
	[sflag:s0] =	ssyncset.done @!p0 $0x0  }
0x307: {  	[sflag:s0] =	ssyncadd.s32 @!p0 s1  }
0x308: {  	[bflag:$0x3] =	sbarrier.arrive $0xFFFF  }
0x309: {  	_ =	shalt  }

</sc_bundles>
